<compile_context>
chip_gen: v7x
topology: tpu7x:2x2x1
jax: 0.10.2.dev20260603
libtpu: 0.0.44.dev20260713+nightly
codegen_flags: <defaults>
</compile_context>

<pallas_src>
import functools

import jax
import jax.numpy as jnp
from jax import lax
from jax.experimental import pallas as pl
from jax.experimental.pallas import tpu as pltpu
from jax.experimental.pallas import tpu_sc as plsc

NC = 2
NS = 16
C = 80
DP = 128



def _prop_call(E, N):
  HALF = N // 2
  AR = HALF + NS
  ept = -(-(E // NS) // C) * C
  iters = ept // C
  iters += iters % 2
  rpt = (HALF // NS) // 8 * 8
  rlast = HALF - rpt * (NS - 1)
  zpt = (AR // NS) // 8 * 8
  zlast = AR - zpt * (NS - 1)
  mesh = plsc.VectorSubcoreMesh(core_axis_name="c", subcore_axis_name="s")

  @functools.partial(
      pl.kernel,
      out_type=jax.ShapeDtypeStruct((NC * AR, DP), jnp.float32),
      mesh=mesh,
      scratch_types=[
          pltpu.VMEM((iters, C), jnp.int32),
          pltpu.VMEM((iters, C), jnp.int32),
          pltpu.VMEM((C, DP), jnp.float32),
          pltpu.VMEM((C, DP), jnp.float32),
          pltpu.VMEM_SHARED((AR, DP), jnp.float32),
          pltpu.SemaphoreType.DMA,
          pltpu.SemaphoreType.DMA,
      ],
  )
  def prop(src_hbm, dst_hbm, g_hbm, zeros_hbm, out_hbm,
           src_v, dst_v, buf0, buf1, acc, sem0, sem1):
    c = lax.axis_index("c")
    s = lax.axis_index("s")
    row0 = pl.multiple_of(s * zpt, 8)

    @pl.when(s < NS - 1)
    def _():
      pltpu.sync_copy(zeros_hbm.at[pl.ds(row0, zpt)],
                      acc.at[pl.ds(row0, zpt)])

    @pl.when(s == NS - 1)
    def _():
      pltpu.sync_copy(zeros_hbm.at[pl.ds(zpt * (NS - 1), zlast)],
                      acc.at[pl.ds(zpt * (NS - 1), zlast)])

    base = c * HALF
    trash = HALF + s
    pltpu.sync_copy(src_hbm.at[s], src_v)
    pltpu.sync_copy(dst_hbm.at[s], dst_v)

    def fix(i, carry):
      for j in range(C // 16):
        v = dst_v[i, pl.ds(j * 16, 16)]
        t = v - base
        ok = (t >= 0) & (t < HALF)
        dst_v[i, pl.ds(j * 16, 16)] = jnp.where(ok, t, trash)
      return carry

    lax.fori_loop(0, iters, fix, 0)
    plsc.subcore_barrier()

    pltpu.async_copy(g_hbm.at[src_v.at[0]], buf0, sem0)

    def body(k, carry):
      i = 2 * k
      pltpu.async_copy(g_hbm.at[src_v.at[i + 1]], buf1, sem1)
      pltpu.make_async_copy(g_hbm.at[src_v.at[i]], buf0, sem0).wait()
      pltpu.sync_copy(buf0, acc.at[dst_v.at[i]], add=True)

      @pl.when(i + 2 < iters)
      def _():
        pltpu.async_copy(g_hbm.at[src_v.at[i + 2]], buf0, sem0)

      pltpu.make_async_copy(g_hbm.at[src_v.at[i + 1]], buf1, sem1).wait()
      pltpu.sync_copy(buf1, acc.at[dst_v.at[i + 1]], add=True)
      return carry

    lax.fori_loop(0, iters // 2, body, 0)

    plsc.subcore_barrier()
    wrow0 = pl.multiple_of(s * rpt, 8)
    cbase = pl.multiple_of(c * AR, 8)

    @pl.when(s < NS - 1)
    def _():
      pltpu.sync_copy(acc.at[pl.ds(wrow0, rpt)],
                      out_hbm.at[pl.ds(cbase + wrow0, rpt)])

    @pl.when(s == NS - 1)
    def _():
      pltpu.sync_copy(acc.at[pl.ds(rpt * (NS - 1), rlast)],
                      out_hbm.at[pl.ds(cbase + rpt * (NS - 1), rlast)])

  return prop


def _count_call(E, N):
  EPW = E // (NC * NS)
  iters = -(-EPW // C)
  zpt = (N // NS) // 8 * 8
  zlast = N - zpt * (NS - 1)
  mesh = plsc.VectorSubcoreMesh(core_axis_name="c", subcore_axis_name="s")

  @functools.partial(
      pl.kernel,
      out_type=jax.ShapeDtypeStruct((NC * N, DP), jnp.float32),
      mesh=mesh,
      scratch_types=[
          pltpu.VMEM((iters, C), jnp.int32),
          pltpu.VMEM((C, DP), jnp.float32),
          pltpu.VMEM_SHARED((N, DP), jnp.float32),
      ],
  )
  def count(dst_hbm, ones_hbm, zeros_hbm, out_hbm, dst_v, ones_v, acc):
    c = lax.axis_index("c")
    s = lax.axis_index("s")
    row0 = pl.multiple_of(s * zpt, 8)
    pltpu.sync_copy(dst_hbm.at[c * NS + s], dst_v)
    pltpu.sync_copy(ones_hbm, ones_v)

    @pl.when(s < NS - 1)
    def _():
      pltpu.sync_copy(zeros_hbm.at[pl.ds(row0, zpt)],
                      acc.at[pl.ds(row0, zpt)])

    @pl.when(s == NS - 1)
    def _():
      pltpu.sync_copy(zeros_hbm.at[pl.ds(zpt * (NS - 1), zlast)],
                      acc.at[pl.ds(zpt * (NS - 1), zlast)])

    plsc.subcore_barrier()

    def body(i, carry):
      pltpu.sync_copy(ones_v, acc.at[dst_v.at[i]], add=True)
      return carry

    lax.fori_loop(0, iters, body, 0)
    plsc.subcore_barrier()
    cbase = pl.multiple_of(c * N, 8)

    @pl.when(s < NS - 1)
    def _():
      pltpu.sync_copy(acc.at[pl.ds(row0, zpt)],
                      out_hbm.at[pl.ds(cbase + row0, zpt)])

    @pl.when(s == NS - 1)
    def _():
      pltpu.sync_copy(acc.at[pl.ds(zpt * (NS - 1), zlast)],
                      out_hbm.at[pl.ds(cbase + zpt * (NS - 1), zlast)])

  return count



def _full(shape):
  return pl.BlockSpec(shape, lambda i: tuple(0 for _ in shape))


def _rows(shape):
  return pl.BlockSpec(shape, lambda i: (i,) + tuple(0 for _ in shape[1:]))


def _scale_call(N, DIN, B):

  def body(degp_ref, x_ref, g_ref, dinv_ref):
    deg = degp_ref[...] + 1.0
    dinv = lax.rsqrt(deg)
    dinv_ref[...] = dinv
    g_ref[...] = x_ref[...] * dinv

  return pl.pallas_call(
      body,
      grid=(N // B,),
      in_specs=[_rows((B, 1)), _rows((B, DIN))],
      out_specs=[_rows((B, DIN)), _rows((B, 1))],
      out_shape=[
          jax.ShapeDtypeStruct((N, DIN), jnp.float32),
          jax.ShapeDtypeStruct((N, 1), jnp.float32),
      ],
  )


def _layer1_call(N, DIN, H1, H2, B):

  def body(a, g1, dinv, W1, b1, W2, out):
    t = (a[...] + g1[...]) * dinv[...]
    h1 = jnp.maximum(
        jnp.dot(t, W1[...], preferred_element_type=jnp.float32) + b1[...], 0.0)
    g2 = jnp.dot(h1, W2[...], preferred_element_type=jnp.float32) * dinv[...]
    out[...] = jnp.concatenate(
        [g2, jnp.zeros((B, DP - H2), jnp.float32)], axis=1)

  return pl.pallas_call(
      body,
      grid=(N // B,),
      in_specs=[
          _rows((B, DIN)), _rows((B, DIN)), _rows((B, 1)),
          _full((DIN, H1)), _full((1, H1)), _full((H1, H2)),
      ],
      out_specs=_rows((B, DP)),
      out_shape=jax.ShapeDtypeStruct((N, DP), jnp.float32),
  )


def _layer2_call(N, DOUT, B):

  def body(a, g2, dinv, b2p, W3p, out):
    t = (a[...] + g2[...]) * dinv[...]
    h2 = jnp.maximum(t + b2p[...], 0.0)
    g3 = jnp.dot(h2, W3p[...], preferred_element_type=jnp.float32) * dinv[...]
    out[...] = jnp.concatenate(
        [g3, jnp.zeros((B, DP - DOUT), jnp.float32)], axis=1)

  return pl.pallas_call(
      body,
      grid=(N // B,),
      in_specs=[
          _rows((B, DP)), _rows((B, DP)), _rows((B, 1)),
          _full((1, DP)), _full((DP, DOUT)),
      ],
      out_specs=_rows((B, DP)),
      out_shape=jax.ShapeDtypeStruct((N, DP), jnp.float32),
  )


def _head_call(N, HF, B):

  def body(a, g3p, dinv, b3p, Wf1p, bf1, Wf2, bf2, out):
    t = (a[...] + g3p[...]) * dinv[...]
    h3 = jnp.maximum(t + b3p[...], 0.0)
    u = jnp.dot(h3, Wf1p[...], preferred_element_type=jnp.float32) + bf1[...]
    out[...] = jnp.dot(
        u, Wf2[...], preferred_element_type=jnp.float32) + bf2[...]

  return pl.pallas_call(
      body,
      grid=(N // B,),
      in_specs=[
          _rows((B, DP)), _rows((B, DP)), _rows((B, 1)),
          _full((1, DP)), _full((DP, HF)), _full((1, HF)),
          _full((HF, 1)), _full((1, 1)),
      ],
      out_specs=_rows((B, 1)),
      out_shape=jax.ShapeDtypeStruct((N, 1), jnp.float32),
  )



@jax.jit
def kernel(x, edge_index, W1, b1, W2, b2, W3, b3, Wf1, bf1, Wf2, bf2):
  N, DIN = x.shape
  E = edge_index.shape[1]
  H1 = W1.shape[1]
  H2 = W2.shape[1]
  DOUT = W3.shape[1]
  HF = Wf1.shape[1]
  B = 1000
  AR = N // 2 + NS
  assert DIN == DP

  ept = E // NS
  nch = -(-ept // C)
  nch += nch % 2
  ptile = nch * C
  pad = ptile - ept
  src_t = jnp.concatenate(
      [edge_index[0].reshape(NS, ept),
       jnp.zeros((NS, pad), jnp.int32)], axis=1).reshape(NS, nch, C)
  dst_t = jnp.concatenate(
      [edge_index[1].reshape(NS, ept),
       jnp.full((NS, pad), N, jnp.int32)], axis=1).reshape(NS, nch, C)
  onesC = jnp.ones((C, DP), jnp.float32)
  zac = jnp.zeros((AR, DP), jnp.float32)

  prop = _prop_call(E, N)

  def merge(o):
    return jnp.concatenate([o[:N // 2], o[AR:AR + N // 2]], axis=0)

  dst_w = edge_index[1].reshape(NC * NS, E // (NC * NS * C), C)
  zn = jnp.zeros((N, DP), jnp.float32)
  cnt = _count_call(E, N)(dst_w, onesC, zn)
  degp = (cnt[:N, 0:1] + cnt[N:, 0:1])
  g1, dinv = _scale_call(N, DIN, B)(degp, x)

  a1 = merge(prop(src_t, dst_t, g1, zac))
  g2 = _layer1_call(N, DIN, H1, H2, B)(
      a1, g1, dinv, W1, b1.reshape(1, H1), W2)

  a2 = merge(prop(src_t, dst_t, g2, zac))
  b2p = jnp.concatenate([b2, jnp.zeros((DP - H2,), jnp.float32)]).reshape(1, DP)
  W3p = jnp.concatenate([W3, jnp.zeros((DP - H2, DOUT), jnp.float32)], axis=0)
  g3 = _layer2_call(N, DOUT, B)(a2, g2, dinv, b2p, W3p)

  a3 = merge(prop(src_t, dst_t, g3, zac))
  b3p = jnp.concatenate([b3, jnp.zeros((DP - DOUT,), jnp.float32)])
  Wf1p = jnp.concatenate([Wf1, jnp.zeros((DP - DOUT, HF), jnp.float32)], axis=0)
  y = _head_call(N, HF, B)(
      a3, g3, dinv, b3p.reshape(1, DP),
      Wf1p, bf1.reshape(1, HF), Wf2, bf2.reshape(1, 1))
  return y

# --- scband reference (transcript-rebuilt; emitter-appended) ---
"""Pipeline reference for scband-anomaly-anticipation-52003464020266 (READ-ONLY COPY).

The authoritative reference and input builder live on the scoring server;
editing this copy changes nothing except your own understanding.
"""

import jax, jax.numpy as jnp
import numpy as np

N = 10000
E = 320000
D_IN = 128
D_OUT = 64


def _glorot(key, shape):
    lim = float(np.sqrt(6.0 / (shape[0] + shape[1])))
    return jax.random.uniform(key, shape, minval=-lim, maxval=lim, dtype=jnp.float32)


def setup_inputs(seed: int = 0) -> dict:
    key = jax.random.key(seed)
    ks = jax.random.split(key, 16)
    x = jax.random.normal(ks[0], (N, D_IN), dtype=jnp.float32)
    edge_index = jax.random.randint(ks[1], (2, E), 0, N, dtype=jnp.int32)
    W1 = _glorot(ks[2], (D_IN, 300))
    b1 = jnp.zeros((300,), dtype=jnp.float32)
    W2 = _glorot(ks[3], (300, 100))
    b2 = jnp.zeros((100,), dtype=jnp.float32)
    W3 = _glorot(ks[4], (100, D_OUT))
    b3 = jnp.zeros((D_OUT,), dtype=jnp.float32)
    Wf1 = _glorot(ks[5], (D_OUT, 16))
    bf1 = jnp.zeros((16,), dtype=jnp.float32)
    Wf2 = _glorot(ks[6], (16, 1))
    bf2 = jnp.zeros((1,), dtype=jnp.float32)
    return {"x": x, "edge_index": edge_index, "W1": W1, "b1": b1, "W2": W2, "b2": b2, "W3": W3, "b3": b3, "Wf1": Wf1, "bf1": bf1, "Wf2": Wf2, "bf2": bf2}


def gcn_conv(x, edge_index, W, b):
    # PyG GCNConv: h = x @ W, add self-loops, symmetric normalization, scatter-add, + bias
    n = x.shape[0]
    h = x @ W
    loop = jnp.arange(n, dtype=edge_index.dtype)
    src = jnp.concatenate([edge_index[0], loop])
    dst = jnp.concatenate([edge_index[1], loop])
    deg = jnp.zeros((n,), dtype=x.dtype).at[dst].add(1.0)
    dinv = jnp.where(deg > 0, 1.0 / jnp.sqrt(deg), 0.0)
    norm = dinv[src] * dinv[dst]
    msg = h[src] * norm[:, None]
    out = jnp.zeros_like(h).at[dst].add(msg)
    return out + b


def reference(x, edge_index, W1, b1, W2, b2, W3, b3, Wf1, bf1, Wf2, bf2):
    h = jax.nn.relu(gcn_conv(x, edge_index, W1, b1))
    h = jax.nn.relu(gcn_conv(h, edge_index, W2, b2))
    h = jax.nn.relu(gcn_conv(h, edge_index, W3, b3))
    h = h @ Wf1 + bf1
    h = h @ Wf2 + bf2
    return h

if __name__ == "__main__":
    import jax
    _d = setup_inputs()
    print(jax.jit(kernel)(*tuple(_d.values())))

</pallas_src>

<mosaic_0001>
#map = affine_map<(d0, d1) -> (0, 0, 0)>
#map1 = affine_map<(d0, d1) -> (0, 0)>
module attributes {stable_mosaic.version = 14 : i64} {
  func.func @prop(%arg0: i32, %arg1: i32, %arg2: memref<16x250x80xi32, #tpu.memory_space<hbm>>, %arg3: memref<16x250x80xi32, #tpu.memory_space<hbm>>, %arg4: memref<10000x128xf32, #tpu.memory_space<hbm>>, %arg5: memref<5016x128xf32, #tpu.memory_space<hbm>>, %arg6: memref<10032x128xf32, #tpu.memory_space<hbm>>, %arg7: memref<250x80xi32, #tpu.memory_space<vmem>>, %arg8: memref<250x80xi32, #tpu.memory_space<vmem>>, %arg9: memref<80x128xf32, #tpu.memory_space<vmem>>, %arg10: memref<80x128xf32, #tpu.memory_space<vmem>>, %arg11: memref<5016x128xf32, #tpu.memory_space<vmem_shared>>, %arg12: memref<!tpu.dma_semaphore, #tpu.memory_space<semaphore_mem>>, %arg13: memref<!tpu.dma_semaphore, #tpu.memory_space<semaphore_mem>>) attributes {dimension_semantics = [#tpu.dimension_semantics<core_parallel>, #tpu.dimension_semantics<subcore_parallel>], iteration_bounds = array<i64: 2, 16>, scalar_prefetch = 0 : i64, scratch_operands = 7 : i64, tpu.core_type = #tpu.core_type<sc_vector_subcore>, window_params = [{transform_indices = #map}, {transform_indices = #map}, {transform_indices = #map1}, {transform_indices = #map1}, {transform_indices = #map1}]} {
    %mul3A = arith.constant 312 : i32
    %mul3A_0 = arith.muli %arg1, %mul3A : i32
    %multiple_of3A = tpu.assume_multiple %mul3A_0, 8 : i32
    %lt3A = arith.constant 15 : i32
    %lt3A_1 = arith.cmpi slt, %arg1, %lt3A : i32
    %convert_element_type3A = arith.extui %lt3A_1 : i1 to i32
    %cond3A = arith.constant 0 : i32
    %cond3A_2 = arith.cmpi ne, %convert_element_type3A, %cond3A : i32
    scf.if %cond3A_2 {
      "tpu.region"() ({
        %run_scoped3A = tpu.sem_alloc : memref<!tpu.dma_semaphore, #tpu.memory_space<semaphore_mem>>
        %dma_start3A_44 = arith.constant 0 : i32
        %dma_start3A_45 = tpu.memref_slice %arg11[%multiple_of3A, %dma_start3A_44] : memref<5016x128xf32, #tpu.memory_space<vmem_shared>> -> memref<312x128xf32, #tpu.memory_space<vmem_shared>>
        %dma_start3A_46 = arith.constant 0 : i32
        %dma_start3A_47 = tpu.memref_slice %arg5[%multiple_of3A, %dma_start3A_46] : memref<5016x128xf32, #tpu.memory_space<hbm>> -> memref<312x128xf32, #tpu.memory_space<hbm>>
        tpu.enqueue_dma source(%dma_start3A_47 : memref<312x128xf32, #tpu.memory_space<hbm>>) target(%dma_start3A_45 : memref<312x128xf32, #tpu.memory_space<vmem_shared>>) target_semaphore(%run_scoped3A : memref<!tpu.dma_semaphore, #tpu.memory_space<semaphore_mem>>)
        %dma_wait3A = arith.constant 0 : i32
        %dma_wait3A_48 = tpu.memref_slice %arg11[%multiple_of3A, %dma_wait3A] : memref<5016x128xf32, #tpu.memory_space<vmem_shared>> -> memref<312x128xf32, #tpu.memory_space<vmem_shared>>
        %dma_wait3A_49 = arith.constant 0 : i32
        %dma_wait3A_50 = tpu.memref_slice %arg5[%multiple_of3A, %dma_wait3A_49] : memref<5016x128xf32, #tpu.memory_space<hbm>> -> memref<312x128xf32, #tpu.memory_space<hbm>>
        tpu.wait_dma2 semaphore(%run_scoped3A : memref<!tpu.dma_semaphore, #tpu.memory_space<semaphore_mem>>) src(%dma_wait3A_50 : memref<312x128xf32, #tpu.memory_space<hbm>>) dst(%dma_wait3A_48 : memref<312x128xf32, #tpu.memory_space<vmem_shared>>)
        tpu.yield
      }) : () -> ()
    } else {
    }
    %eq3A = arith.constant 15 : i32
    %eq3A_3 = arith.cmpi eq, %arg1, %eq3A : i32
    %convert_element_type3A_4 = arith.extui %eq3A_3 : i1 to i32
    %cond3A_5 = arith.constant 0 : i32
    %cond3A_6 = arith.cmpi ne, %convert_element_type3A_4, %cond3A_5 : i32
    scf.if %cond3A_6 {
      "tpu.region"() ({
        %run_scoped3A = tpu.sem_alloc : memref<!tpu.dma_semaphore, #tpu.memory_space<semaphore_mem>>
        %dma_start3A_44 = arith.constant 4680 : i32
        %dma_start3A_45 = arith.constant 0 : i32
        %dma_start3A_46 = tpu.memref_slice %arg11[%dma_start3A_44, %dma_start3A_45] : memref<5016x128xf32, #tpu.memory_space<vmem_shared>> -> memref<336x128xf32, #tpu.memory_space<vmem_shared>>
        %dma_start3A_47 = arith.constant 4680 : i32
        %dma_start3A_48 = arith.constant 0 : i32
        %dma_start3A_49 = tpu.memref_slice %arg5[%dma_start3A_47, %dma_start3A_48] : memref<5016x128xf32, #tpu.memory_space<hbm>> -> memref<336x128xf32, #tpu.memory_space<hbm>>
        tpu.enqueue_dma source(%dma_start3A_49 : memref<336x128xf32, #tpu.memory_space<hbm>>) target(%dma_start3A_46 : memref<336x128xf32, #tpu.memory_space<vmem_shared>>) target_semaphore(%run_scoped3A : memref<!tpu.dma_semaphore, #tpu.memory_space<semaphore_mem>>)
        %dma_wait3A = arith.constant 4680 : i32
        %dma_wait3A_50 = arith.constant 0 : i32
        %dma_wait3A_51 = tpu.memref_slice %arg11[%dma_wait3A, %dma_wait3A_50] : memref<5016x128xf32, #tpu.memory_space<vmem_shared>> -> memref<336x128xf32, #tpu.memory_space<vmem_shared>>
        %dma_wait3A_52 = arith.constant 4680 : i32
        %dma_wait3A_53 = arith.constant 0 : i32
        %dma_wait3A_54 = tpu.memref_slice %arg5[%dma_wait3A_52, %dma_wait3A_53] : memref<5016x128xf32, #tpu.memory_space<hbm>> -> memref<336x128xf32, #tpu.memory_space<hbm>>
        tpu.wait_dma2 semaphore(%run_scoped3A : memref<!tpu.dma_semaphore, #tpu.memory_space<semaphore_mem>>) src(%dma_wait3A_54 : memref<336x128xf32, #tpu.memory_space<hbm>>) dst(%dma_wait3A_51 : memref<336x128xf32, #tpu.memory_space<vmem_shared>>)
        tpu.yield
      }) : () -> ()
    } else {
    }
    %mul3A_7 = arith.constant 5000 : i32
    %mul3A_8 = arith.muli %arg0, %mul3A_7 : i32
    %add3A = arith.constant 5000 : i32
    %add3A_9 = arith.addi %add3A, %arg1 : i32
    "tpu.region"() ({
      %run_scoped3A = tpu.sem_alloc : memref<!tpu.dma_semaphore, #tpu.memory_space<semaphore_mem>>
      %dma_start3A_44 = arith.constant 0 : i32
      %dma_start3A_45 = arith.constant 0 : i32
      %dma_start3A_46 = tpu.memref_slice %arg2[%arg1, %dma_start3A_44, %dma_start3A_45] : memref<16x250x80xi32, #tpu.memory_space<hbm>> -> memref<1x250x80xi32, #tpu.memory_space<hbm>>
      %dma_start3A_47 = tpu.memref_squeeze %dma_start3A_46 : memref<1x250x80xi32, #tpu.memory_space<hbm>> -> memref<250x80xi32, #tpu.memory_space<hbm>>
      %dma_start3A_48 = arith.constant 0 : i32
      %dma_start3A_49 = arith.constant 0 : i32
      %dma_start3A_50 = tpu.memref_slice %arg2[%arg1, %dma_start3A_48, %dma_start3A_49] : memref<16x250x80xi32, #tpu.memory_space<hbm>> -> memref<1x250x80xi32, #tpu.memory_space<hbm>>
      %dma_start3A_51 = tpu.memref_squeeze %dma_start3A_50 : memref<1x250x80xi32, #tpu.memory_space<hbm>> -> memref<250x80xi32, #tpu.memory_space<hbm>>
      tpu.enqueue_dma source(%dma_start3A_51 : memref<250x80xi32, #tpu.memory_space<hbm>>) target(%arg7 : memref<250x80xi32, #tpu.memory_space<vmem>>) target_semaphore(%run_scoped3A : memref<!tpu.dma_semaphore, #tpu.memory_space<semaphore_mem>>)
      %dma_wait3A = arith.constant 0 : i32
      %dma_wait3A_52 = arith.constant 0 : i32
      %dma_wait3A_53 = tpu.memref_slice %arg2[%arg1, %dma_wait3A, %dma_wait3A_52] : memref<16x250x80xi32, #tpu.memory_space<hbm>> -> memref<1x250x80xi32, #tpu.memory_space<hbm>>
      %dma_wait3A_54 = tpu.memref_squeeze %dma_wait3A_53 : memref<1x250x80xi32, #tpu.memory_space<hbm>> -> memref<250x80xi32, #tpu.memory_space<hbm>>
      %dma_wait3A_55 = arith.constant 0 : i32
      %dma_wait3A_56 = arith.constant 0 : i32
      %dma_wait3A_57 = tpu.memref_slice %arg2[%arg1, %dma_wait3A_55, %dma_wait3A_56] : memref<16x250x80xi32, #tpu.memory_space<hbm>> -> memref<1x250x80xi32, #tpu.memory_space<hbm>>
      %dma_wait3A_58 = tpu.memref_squeeze %dma_wait3A_57 : memref<1x250x80xi32, #tpu.memory_space<hbm>> -> memref<250x80xi32, #tpu.memory_space<hbm>>
      tpu.wait_dma2 semaphore(%run_scoped3A : memref<!tpu.dma_semaphore, #tpu.memory_space<semaphore_mem>>) src(%dma_wait3A_58 : memref<250x80xi32, #tpu.memory_space<hbm>>) dst(%arg7 : memref<250x80xi32, #tpu.memory_space<vmem>>)
      tpu.yield
    }) : () -> ()
    "tpu.region"() ({
      %run_scoped3A = tpu.sem_alloc : memref<!tpu.dma_semaphore, #tpu.memory_space<semaphore_mem>>
      %dma_start3A_44 = arith.constant 0 : i32
      %dma_start3A_45 = arith.constant 0 : i32
      %dma_start3A_46 = tpu.memref_slice %arg3[%arg1, %dma_start3A_44, %dma_start3A_45] : memref<16x250x80xi32, #tpu.memory_space<hbm>> -> memref<1x250x80xi32, #tpu.memory_space<hbm>>
      %dma_start3A_47 = tpu.memref_squeeze %dma_start3A_46 : memref<1x250x80xi32, #tpu.memory_space<hbm>> -> memref<250x80xi32, #tpu.memory_space<hbm>>
      %dma_start3A_48 = arith.constant 0 : i32
      %dma_start3A_49 = arith.constant 0 : i32
      %dma_start3A_50 = tpu.memref_slice %arg3[%arg1, %dma_start3A_48, %dma_start3A_49] : memref<16x250x80xi32, #tpu.memory_space<hbm>> -> memref<1x250x80xi32, #tpu.memory_space<hbm>>
      %dma_start3A_51 = tpu.memref_squeeze %dma_start3A_50 : memref<1x250x80xi32, #tpu.memory_space<hbm>> -> memref<250x80xi32, #tpu.memory_space<hbm>>
      tpu.enqueue_dma source(%dma_start3A_51 : memref<250x80xi32, #tpu.memory_space<hbm>>) target(%arg8 : memref<250x80xi32, #tpu.memory_space<vmem>>) target_semaphore(%run_scoped3A : memref<!tpu.dma_semaphore, #tpu.memory_space<semaphore_mem>>)
      %dma_wait3A = arith.constant 0 : i32
      %dma_wait3A_52 = arith.constant 0 : i32
      %dma_wait3A_53 = tpu.memref_slice %arg3[%arg1, %dma_wait3A, %dma_wait3A_52] : memref<16x250x80xi32, #tpu.memory_space<hbm>> -> memref<1x250x80xi32, #tpu.memory_space<hbm>>
      %dma_wait3A_54 = tpu.memref_squeeze %dma_wait3A_53 : memref<1x250x80xi32, #tpu.memory_space<hbm>> -> memref<250x80xi32, #tpu.memory_space<hbm>>
      %dma_wait3A_55 = arith.constant 0 : i32
      %dma_wait3A_56 = arith.constant 0 : i32
      %dma_wait3A_57 = tpu.memref_slice %arg3[%arg1, %dma_wait3A_55, %dma_wait3A_56] : memref<16x250x80xi32, #tpu.memory_space<hbm>> -> memref<1x250x80xi32, #tpu.memory_space<hbm>>
      %dma_wait3A_58 = tpu.memref_squeeze %dma_wait3A_57 : memref<1x250x80xi32, #tpu.memory_space<hbm>> -> memref<250x80xi32, #tpu.memory_space<hbm>>
      tpu.wait_dma2 semaphore(%run_scoped3A : memref<!tpu.dma_semaphore, #tpu.memory_space<semaphore_mem>>) src(%dma_wait3A_58 : memref<250x80xi32, #tpu.memory_space<hbm>>) dst(%arg8 : memref<250x80xi32, #tpu.memory_space<vmem>>)
      tpu.yield
    }) : () -> ()
    %scan3A = arith.constant 0 : i32
    %scan3A_10 = arith.constant 0 : i32
    %scan3A_11 = arith.constant 250 : i32
    %scan3A_12 = arith.addi %scan3A_10, %scan3A_11 : i32
    %scan3A_13 = arith.constant 1 : i32
    scf.for %scan3A_44 = %scan3A_10 to %scan3A_12 step %scan3A_13  : i32 {
      %get3A = arith.index_cast %scan3A_44 : i32 to index
      %get3A_45 = arith.constant 0 : index
      %get3A_46 = tpu.vector_load %arg8[%get3A, %get3A_45] {strides = array<i32>} : memref<250x80xi32, #tpu.memory_space<vmem>>, vector<1x16xi32>,
      %get3A_47 = vector.shape_cast %get3A_46 : vector<1x16xi32> to vector<16xi32>
      %sub3A = vector.broadcast %mul3A_8 : i32 to vector<16xi32>
      %sub3A_48 = arith.subi %get3A_47, %sub3A : vector<16xi32>
      %ge3A = arith.constant 0 : i32
      %ge3A_49 = vector.broadcast %ge3A : i32 to vector<16xi32>
      %ge3A_50 = arith.cmpi sge, %sub3A_48, %ge3A_49 : vector<16xi32>
      %lt3A_51 = arith.constant 5000 : i32
      %lt3A_52 = vector.broadcast %lt3A_51 : i32 to vector<16xi32>
      %lt3A_53 = arith.cmpi slt, %sub3A_48, %lt3A_52 : vector<16xi32>
      %and3A = arith.andi %ge3A_50, %lt3A_53 : vector<16xi1>
      %broadcast_in_dim3A = vector.broadcast %add3A_9 : i32 to vector<16xi32>
      %select_n3A = arith.select %and3A, %sub3A_48, %broadcast_in_dim3A : vector<16xi1>, vector<16xi32>
      %swap3A = arith.index_cast %scan3A_44 : i32 to index
      %swap3A_54 = arith.constant 0 : index
      %swap3A_55 = tpu.vector_load %arg8[%swap3A, %swap3A_54] {strides = array<i32>} : memref<250x80xi32, #tpu.memory_space<vmem>>, vector<1x16xi32>,
      %swap3A_56 = vector.shape_cast %swap3A_55 : vector<1x16xi32> to vector<16xi32>
      %swap3A_57 = vector.shape_cast %select_n3A : vector<16xi32> to vector<1x16xi32>
      tpu.vector_store %arg8[%swap3A, %swap3A_54], %swap3A_57 {strides = array<i32>} : memref<250x80xi32, #tpu.memory_space<vmem>>, vector<1x16xi32>,
      %get3A_58 = arith.index_cast %scan3A_44 : i32 to index
      %get3A_59 = arith.constant 16 : index
      %get3A_60 = tpu.vector_load %arg8[%get3A_58, %get3A_59] {strides = array<i32>} : memref<250x80xi32, #tpu.memory_space<vmem>>, vector<1x16xi32>,
      %get3A_61 = vector.shape_cast %get3A_60 : vector<1x16xi32> to vector<16xi32>
      %sub3A_62 = vector.broadcast %mul3A_8 : i32 to vector<16xi32>
      %sub3A_63 = arith.subi %get3A_61, %sub3A_62 : vector<16xi32>
      %ge3A_64 = arith.constant 0 : i32
      %ge3A_65 = vector.broadcast %ge3A_64 : i32 to vector<16xi32>
      %ge3A_66 = arith.cmpi sge, %sub3A_63, %ge3A_65 : vector<16xi32>
      %lt3A_67 = arith.constant 5000 : i32
      %lt3A_68 = vector.broadcast %lt3A_67 : i32 to vector<16xi32>
      %lt3A_69 = arith.cmpi slt, %sub3A_63, %lt3A_68 : vector<16xi32>
      %and3A_70 = arith.andi %ge3A_66, %lt3A_69 : vector<16xi1>
      %broadcast_in_dim3A_71 = vector.broadcast %add3A_9 : i32 to vector<16xi32>
      %select_n3A_72 = arith.select %and3A_70, %sub3A_63, %broadcast_in_dim3A_71 : vector<16xi1>, vector<16xi32>
      %swap3A_73 = arith.index_cast %scan3A_44 : i32 to index
      %swap3A_74 = arith.constant 16 : index
      %swap3A_75 = tpu.vector_load %arg8[%swap3A_73, %swap3A_74] {strides = array<i32>} : memref<250x80xi32, #tpu.memory_space<vmem>>, vector<1x16xi32>,
      %swap3A_76 = vector.shape_cast %swap3A_75 : vector<1x16xi32> to vector<16xi32>
      %swap3A_77 = vector.shape_cast %select_n3A_72 : vector<16xi32> to vector<1x16xi32>
      tpu.vector_store %arg8[%swap3A_73, %swap3A_74], %swap3A_77 {strides = array<i32>} : memref<250x80xi32, #tpu.memory_space<vmem>>, vector<1x16xi32>,
      %get3A_78 = arith.index_cast %scan3A_44 : i32 to index
      %get3A_79 = arith.constant 32 : index
      %get3A_80 = tpu.vector_load %arg8[%get3A_78, %get3A_79] {strides = array<i32>} : memref<250x80xi32, #tpu.memory_space<vmem>>, vector<1x16xi32>,
      %get3A_81 = vector.shape_cast %get3A_80 : vector<1x16xi32> to vector<16xi32>
      %sub3A_82 = vector.broadcast %mul3A_8 : i32 to vector<16xi32>
      %sub3A_83 = arith.subi %get3A_81, %sub3A_82 : vector<16xi32>
      %ge3A_84 = arith.constant 0 : i32
      %ge3A_85 = vector.broadcast %ge3A_84 : i32 to vector<16xi32>
      %ge3A_86 = arith.cmpi sge, %sub3A_83, %ge3A_85 : vector<16xi32>
      %lt3A_87 = arith.constant 5000 : i32
      %lt3A_88 = vector.broadcast %lt3A_87 : i32 to vector<16xi32>
      %lt3A_89 = arith.cmpi slt, %sub3A_83, %lt3A_88 : vector<16xi32>
      %and3A_90 = arith.andi %ge3A_86, %lt3A_89 : vector<16xi1>
      %broadcast_in_dim3A_91 = vector.broadcast %add3A_9 : i32 to vector<16xi32>
      %select_n3A_92 = arith.select %and3A_90, %sub3A_83, %broadcast_in_dim3A_91 : vector<16xi1>, vector<16xi32>
      %swap3A_93 = arith.index_cast %scan3A_44 : i32 to index
      %swap3A_94 = arith.constant 32 : index
      %swap3A_95 = tpu.vector_load %arg8[%swap3A_93, %swap3A_94] {strides = array<i32>} : memref<250x80xi32, #tpu.memory_space<vmem>>, vector<1x16xi32>,
      %swap3A_96 = vector.shape_cast %swap3A_95 : vector<1x16xi32> to vector<16xi32>
      %swap3A_97 = vector.shape_cast %select_n3A_92 : vector<16xi32> to vector<1x16xi32>
      tpu.vector_store %arg8[%swap3A_93, %swap3A_94], %swap3A_97 {strides = array<i32>} : memref<250x80xi32, #tpu.memory_space<vmem>>, vector<1x16xi32>,
      %get3A_98 = arith.index_cast %scan3A_44 : i32 to index
      %get3A_99 = arith.constant 48 : index
      %get3A_100 = tpu.vector_load %arg8[%get3A_98, %get3A_99] {strides = array<i32>} : memref<250x80xi32, #tpu.memory_space<vmem>>, vector<1x16xi32>,
      %get3A_101 = vector.shape_cast %get3A_100 : vector<1x16xi32> to vector<16xi32>
      %sub3A_102 = vector.broadcast %mul3A_8 : i32 to vector<16xi32>
      %sub3A_103 = arith.subi %get3A_101, %sub3A_102 : vector<16xi32>
      %ge3A_104 = arith.constant 0 : i32
      %ge3A_105 = vector.broadcast %ge3A_104 : i32 to vector<16xi32>
      %ge3A_106 = arith.cmpi sge, %sub3A_103, %ge3A_105 : vector<16xi32>
      %lt3A_107 = arith.constant 5000 : i32
      %lt3A_108 = vector.broadcast %lt3A_107 : i32 to vector<16xi32>
      %lt3A_109 = arith.cmpi slt, %sub3A_103, %lt3A_108 : vector<16xi32>
      %and3A_110 = arith.andi %ge3A_106, %lt3A_109 : vector<16xi1>
      %broadcast_in_dim3A_111 = vector.broadcast %add3A_9 : i32 to vector<16xi32>
      %select_n3A_112 = arith.select %and3A_110, %sub3A_103, %broadcast_in_dim3A_111 : vector<16xi1>, vector<16xi32>
      %swap3A_113 = arith.index_cast %scan3A_44 : i32 to index
      %swap3A_114 = arith.constant 48 : index
      %swap3A_115 = tpu.vector_load %arg8[%swap3A_113, %swap3A_114] {strides = array<i32>} : memref<250x80xi32, #tpu.memory_space<vmem>>, vector<1x16xi32>,
      %swap3A_116 = vector.shape_cast %swap3A_115 : vector<1x16xi32> to vector<16xi32>
      %swap3A_117 = vector.shape_cast %select_n3A_112 : vector<16xi32> to vector<1x16xi32>
      tpu.vector_store %arg8[%swap3A_113, %swap3A_114], %swap3A_117 {strides = array<i32>} : memref<250x80xi32, #tpu.memory_space<vmem>>, vector<1x16xi32>,
      %get3A_118 = arith.index_cast %scan3A_44 : i32 to index
      %get3A_119 = arith.constant 64 : index
      %get3A_120 = tpu.vector_load %arg8[%get3A_118, %get3A_119] {strides = array<i32>} : memref<250x80xi32, #tpu.memory_space<vmem>>, vector<1x16xi32>,
      %get3A_121 = vector.shape_cast %get3A_120 : vector<1x16xi32> to vector<16xi32>
      %sub3A_122 = vector.broadcast %mul3A_8 : i32 to vector<16xi32>
      %sub3A_123 = arith.subi %get3A_121, %sub3A_122 : vector<16xi32>
      %ge3A_124 = arith.constant 0 : i32
      %ge3A_125 = vector.broadcast %ge3A_124 : i32 to vector<16xi32>
      %ge3A_126 = arith.cmpi sge, %sub3A_123, %ge3A_125 : vector<16xi32>
      %lt3A_127 = arith.constant 5000 : i32
      %lt3A_128 = vector.broadcast %lt3A_127 : i32 to vector<16xi32>
      %lt3A_129 = arith.cmpi slt, %sub3A_123, %lt3A_128 : vector<16xi32>
      %and3A_130 = arith.andi %ge3A_126, %lt3A_129 : vector<16xi1>
      %broadcast_in_dim3A_131 = vector.broadcast %add3A_9 : i32 to vector<16xi32>
      %select_n3A_132 = arith.select %and3A_130, %sub3A_123, %broadcast_in_dim3A_131 : vector<16xi1>, vector<16xi32>
      %swap3A_133 = arith.index_cast %scan3A_44 : i32 to index
      %swap3A_134 = arith.constant 64 : index
      %swap3A_135 = tpu.vector_load %arg8[%swap3A_133, %swap3A_134] {strides = array<i32>} : memref<250x80xi32, #tpu.memory_space<vmem>>, vector<1x16xi32>,
      %swap3A_136 = vector.shape_cast %swap3A_135 : vector<1x16xi32> to vector<16xi32>
      %swap3A_137 = vector.shape_cast %select_n3A_132 : vector<16xi32> to vector<1x16xi32>
      tpu.vector_store %arg8[%swap3A_133, %swap3A_134], %swap3A_137 {strides = array<i32>} : memref<250x80xi32, #tpu.memory_space<vmem>>, vector<1x16xi32>,
    }
    %scan3A_14 = arith.constant 250 : i32
    %barrier3A = arith.constant 0 : index
    tpu.barrier barrier_id(%barrier3A)
    %dma_start3A = arith.constant 0 : i32
    %dma_start3A_15 = arith.constant 0 : i32
    %dma_start3A_16 = tpu.memref_slice %arg7[%dma_start3A, %dma_start3A_15] : memref<250x80xi32, #tpu.memory_space<vmem>> -> memref<1x80xi32, #tpu.memory_space<vmem>>
    %dma_start3A_17 = tpu.memref_squeeze %dma_start3A_16 : memref<1x80xi32, #tpu.memory_space<vmem>> -> memref<80xi32, #tpu.memory_space<vmem>>
    %dma_start3A_18 = arith.constant 0 : i32
    %dma_start3A_19 = arith.constant 0 : i32
    %dma_start3A_20 = tpu.memref_slice %arg4[%dma_start3A_18, %dma_start3A_19] : memref<10000x128xf32, #tpu.memory_space<hbm>> -> memref<10000x128xf32, #tpu.memory_space<hbm>>
    tpu.enqueue_indirect_dma source(%dma_start3A_20 : memref<10000x128xf32, #tpu.memory_space<hbm>>) target(%arg9 : memref<80x128xf32, #tpu.memory_space<vmem>>) offsets(%dma_start3A_17 : memref<80xi32, #tpu.memory_space<vmem>>) semaphore(%arg12 : memref<!tpu.dma_semaphore, #tpu.memory_space<semaphore_mem>>)
    %scan3A_21 = arith.constant 0 : i32
    %scan3A_22 = arith.constant 0 : i32
    %scan3A_23 = arith.constant 125 : i32
    %scan3A_24 = arith.addi %scan3A_22, %scan3A_23 : i32
    %scan3A_25 = arith.constant 1 : i32
    scf.for %scan3A_44 = %scan3A_22 to %scan3A_24 step %scan3A_25  : i32 {
      %mul3A_45 = arith.constant 2 : i32
      %mul3A_46 = arith.muli %mul3A_45, %scan3A_44 : i32
      %add3A_47 = arith.constant 1 : i32
      %add3A_48 = arith.addi %mul3A_46, %add3A_47 : i32
      %dma_start3A_49 = arith.constant 0 : i32
      %dma_start3A_50 = tpu.memref_slice %arg7[%add3A_48, %dma_start3A_49] : memref<250x80xi32, #tpu.memory_space<vmem>> -> memref<1x80xi32, #tpu.memory_space<vmem>>
      %dma_start3A_51 = tpu.memref_squeeze %dma_start3A_50 : memref<1x80xi32, #tpu.memory_space<vmem>> -> memref<80xi32, #tpu.memory_space<vmem>>
      %dma_start3A_52 = arith.constant 0 : i32
      %dma_start3A_53 = arith.constant 0 : i32
      %dma_start3A_54 = tpu.memref_slice %arg4[%dma_start3A_52, %dma_start3A_53] : memref<10000x128xf32, #tpu.memory_space<hbm>> -> memref<10000x128xf32, #tpu.memory_space<hbm>>
      tpu.enqueue_indirect_dma source(%dma_start3A_54 : memref<10000x128xf32, #tpu.memory_space<hbm>>) target(%arg10 : memref<80x128xf32, #tpu.memory_space<vmem>>) offsets(%dma_start3A_51 : memref<80xi32, #tpu.memory_space<vmem>>) semaphore(%arg13 : memref<!tpu.dma_semaphore, #tpu.memory_space<semaphore_mem>>)
      %dma_wait3A = arith.constant 0 : i32
      %dma_wait3A_55 = tpu.memref_slice %arg7[%mul3A_46, %dma_wait3A] : memref<250x80xi32, #tpu.memory_space<vmem>> -> memref<1x80xi32, #tpu.memory_space<vmem>>
      %dma_wait3A_56 = tpu.memref_squeeze %dma_wait3A_55 : memref<1x80xi32, #tpu.memory_space<vmem>> -> memref<80xi32, #tpu.memory_space<vmem>>
      %dma_wait3A_57 = arith.constant 0 : i32
      %dma_wait3A_58 = arith.constant 0 : i32
      %dma_wait3A_59 = tpu.memref_slice %arg4[%dma_wait3A_57, %dma_wait3A_58] : memref<10000x128xf32, #tpu.memory_space<hbm>> -> memref<10000x128xf32, #tpu.memory_space<hbm>>
      tpu.wait_indirect_dma semaphore(%arg12 : memref<!tpu.dma_semaphore, #tpu.memory_space<semaphore_mem>>) src(%dma_wait3A_59 : memref<10000x128xf32, #tpu.memory_space<hbm>>) dst(%arg9 : memref<80x128xf32, #tpu.memory_space<vmem>>)
      "tpu.region"() ({
        %run_scoped3A = tpu.sem_alloc : memref<!tpu.dma_semaphore, #tpu.memory_space<semaphore_mem>>
        %dma_start3A_77 = arith.constant 0 : i32
        %dma_start3A_78 = tpu.memref_slice %arg8[%mul3A_46, %dma_start3A_77] : memref<250x80xi32, #tpu.memory_space<vmem>> -> memref<1x80xi32, #tpu.memory_space<vmem>>
        %dma_start3A_79 = tpu.memref_squeeze %dma_start3A_78 : memref<1x80xi32, #tpu.memory_space<vmem>> -> memref<80xi32, #tpu.memory_space<vmem>>
        %dma_start3A_80 = arith.constant 0 : i32
        %dma_start3A_81 = arith.constant 0 : i32
        %dma_start3A_82 = tpu.memref_slice %arg11[%dma_start3A_80, %dma_start3A_81] : memref<5016x128xf32, #tpu.memory_space<vmem_shared>> -> memref<5016x128xf32, #tpu.memory_space<vmem_shared>>
        tpu.enqueue_indirect_dma source(%arg9 : memref<80x128xf32, #tpu.memory_space<vmem>>) target(%dma_start3A_82 : memref<5016x128xf32, #tpu.memory_space<vmem_shared>>) offsets(%dma_start3A_79 : memref<80xi32, #tpu.memory_space<vmem>>) semaphore(%run_scoped3A : memref<!tpu.dma_semaphore, #tpu.memory_space<semaphore_mem>>) {add = true}
        %dma_wait3A_83 = arith.constant 0 : i32
        %dma_wait3A_84 = tpu.memref_slice %arg8[%mul3A_46, %dma_wait3A_83] : memref<250x80xi32, #tpu.memory_space<vmem>> -> memref<1x80xi32, #tpu.memory_space<vmem>>
        %dma_wait3A_85 = tpu.memref_squeeze %dma_wait3A_84 : memref<1x80xi32, #tpu.memory_space<vmem>> -> memref<80xi32, #tpu.memory_space<vmem>>
        %dma_wait3A_86 = arith.constant 0 : i32
        %dma_wait3A_87 = arith.constant 0 : i32
        %dma_wait3A_88 = tpu.memref_slice %arg11[%dma_wait3A_86, %dma_wait3A_87] : memref<5016x128xf32, #tpu.memory_space<vmem_shared>> -> memref<5016x128xf32, #tpu.memory_space<vmem_shared>>
        tpu.wait_indirect_dma semaphore(%run_scoped3A : memref<!tpu.dma_semaphore, #tpu.memory_space<semaphore_mem>>) src(%arg9 : memref<80x128xf32, #tpu.memory_space<vmem>>) dst(%dma_wait3A_88 : memref<5016x128xf32, #tpu.memory_space<vmem_shared>>)
        tpu.yield
      }) : () -> ()
      %add3A_60 = arith.constant 2 : i32
      %add3A_61 = arith.addi %mul3A_46, %add3A_60 : i32
      %lt3A_62 = arith.constant 250 : i32
      %lt3A_63 = arith.cmpi slt, %add3A_61, %lt3A_62 : i32
      %convert_element_type3A_64 = arith.extui %lt3A_63 : i1 to i32
      %cond3A_65 = arith.constant 0 : i32
      %cond3A_66 = arith.cmpi ne, %convert_element_type3A_64, %cond3A_65 : i32
      scf.if %cond3A_66 {
        %add3A_77 = arith.constant 2 : i32
        %add3A_78 = arith.addi %mul3A_46, %add3A_77 : i32
        %dma_start3A_79 = arith.constant 0 : i32
        %dma_start3A_80 = tpu.memref_slice %arg7[%add3A_78, %dma_start3A_79] : memref<250x80xi32, #tpu.memory_space<vmem>> -> memref<1x80xi32, #tpu.memory_space<vmem>>
        %dma_start3A_81 = tpu.memref_squeeze %dma_start3A_80 : memref<1x80xi32, #tpu.memory_space<vmem>> -> memref<80xi32, #tpu.memory_space<vmem>>
        %dma_start3A_82 = arith.constant 0 : i32
        %dma_start3A_83 = arith.constant 0 : i32
        %dma_start3A_84 = tpu.memref_slice %arg4[%dma_start3A_82, %dma_start3A_83] : memref<10000x128xf32, #tpu.memory_space<hbm>> -> memref<10000x128xf32, #tpu.memory_space<hbm>>
        tpu.enqueue_indirect_dma source(%dma_start3A_84 : memref<10000x128xf32, #tpu.memory_space<hbm>>) target(%arg9 : memref<80x128xf32, #tpu.memory_space<vmem>>) offsets(%dma_start3A_81 : memref<80xi32, #tpu.memory_space<vmem>>) semaphore(%arg12 : memref<!tpu.dma_semaphore, #tpu.memory_space<semaphore_mem>>)
      } else {
      }
      %add3A_67 = arith.constant 1 : i32
      %add3A_68 = arith.addi %mul3A_46, %add3A_67 : i32
      %dma_wait3A_69 = arith.constant 0 : i32
      %dma_wait3A_70 = tpu.memref_slice %arg7[%add3A_68, %dma_wait3A_69] : memref<250x80xi32, #tpu.memory_space<vmem>> -> memref<1x80xi32, #tpu.memory_space<vmem>>
      %dma_wait3A_71 = tpu.memref_squeeze %dma_wait3A_70 : memref<1x80xi32, #tpu.memory_space<vmem>> -> memref<80xi32, #tpu.memory_space<vmem>>
      %dma_wait3A_72 = arith.constant 0 : i32
      %dma_wait3A_73 = arith.constant 0 : i32
      %dma_wait3A_74 = tpu.memref_slice %arg4[%dma_wait3A_72, %dma_wait3A_73] : memref<10000x128xf32, #tpu.memory_space<hbm>> -> memref<10000x128xf32, #tpu.memory_space<hbm>>
      tpu.wait_indirect_dma semaphore(%arg13 : memref<!tpu.dma_semaphore, #tpu.memory_space<semaphore_mem>>) src(%dma_wait3A_74 : memref<10000x128xf32, #tpu.memory_space<hbm>>) dst(%arg10 : memref<80x128xf32, #tpu.memory_space<vmem>>)
      %add3A_75 = arith.constant 1 : i32
      %add3A_76 = arith.addi %mul3A_46, %add3A_75 : i32
      "tpu.region"() ({
        %run_scoped3A = tpu.sem_alloc : memref<!tpu.dma_semaphore, #tpu.memory_space<semaphore_mem>>
        %dma_start3A_77 = arith.constant 0 : i32
        %dma_start3A_78 = tpu.memref_slice %arg8[%add3A_76, %dma_start3A_77] : memref<250x80xi32, #tpu.memory_space<vmem>> -> memref<1x80xi32, #tpu.memory_space<vmem>>
        %dma_start3A_79 = tpu.memref_squeeze %dma_start3A_78 : memref<1x80xi32, #tpu.memory_space<vmem>> -> memref<80xi32, #tpu.memory_space<vmem>>
        %dma_start3A_80 = arith.constant 0 : i32
        %dma_start3A_81 = arith.constant 0 : i32
        %dma_start3A_82 = tpu.memref_slice %arg11[%dma_start3A_80, %dma_start3A_81] : memref<5016x128xf32, #tpu.memory_space<vmem_shared>> -> memref<5016x128xf32, #tpu.memory_space<vmem_shared>>
        tpu.enqueue_indirect_dma source(%arg10 : memref<80x128xf32, #tpu.memory_space<vmem>>) target(%dma_start3A_82 : memref<5016x128xf32, #tpu.memory_space<vmem_shared>>) offsets(%dma_start3A_79 : memref<80xi32, #tpu.memory_space<vmem>>) semaphore(%run_scoped3A : memref<!tpu.dma_semaphore, #tpu.memory_space<semaphore_mem>>) {add = true}
        %dma_wait3A_83 = arith.constant 0 : i32
        %dma_wait3A_84 = tpu.memref_slice %arg8[%add3A_76, %dma_wait3A_83] : memref<250x80xi32, #tpu.memory_space<vmem>> -> memref<1x80xi32, #tpu.memory_space<vmem>>
        %dma_wait3A_85 = tpu.memref_squeeze %dma_wait3A_84 : memref<1x80xi32, #tpu.memory_space<vmem>> -> memref<80xi32, #tpu.memory_space<vmem>>
        %dma_wait3A_86 = arith.constant 0 : i32
        %dma_wait3A_87 = arith.constant 0 : i32
        %dma_wait3A_88 = tpu.memref_slice %arg11[%dma_wait3A_86, %dma_wait3A_87] : memref<5016x128xf32, #tpu.memory_space<vmem_shared>> -> memref<5016x128xf32, #tpu.memory_space<vmem_shared>>
        tpu.wait_indirect_dma semaphore(%run_scoped3A : memref<!tpu.dma_semaphore, #tpu.memory_space<semaphore_mem>>) src(%arg10 : memref<80x128xf32, #tpu.memory_space<vmem>>) dst(%dma_wait3A_88 : memref<5016x128xf32, #tpu.memory_space<vmem_shared>>)
        tpu.yield
      }) : () -> ()
    }
    %scan3A_26 = arith.constant 125 : i32
    %barrier3A_27 = arith.constant 0 : index
    tpu.barrier barrier_id(%barrier3A_27)
    %mul3A_28 = arith.constant 312 : i32
    %mul3A_29 = arith.muli %arg1, %mul3A_28 : i32
    %multiple_of3A_30 = tpu.assume_multiple %mul3A_29, 8 : i32
    %mul3A_31 = arith.constant 5016 : i32
    %mul3A_32 = arith.muli %arg0, %mul3A_31 : i32
    %multiple_of3A_33 = tpu.assume_multiple %mul3A_32, 8 : i32
    %lt3A_34 = arith.constant 15 : i32
    %lt3A_35 = arith.cmpi slt, %arg1, %lt3A_34 : i32
    %convert_element_type3A_36 = arith.extui %lt3A_35 : i1 to i32
    %cond3A_37 = arith.constant 0 : i32
    %cond3A_38 = arith.cmpi ne, %convert_element_type3A_36, %cond3A_37 : i32
    scf.if %cond3A_38 {
      %add3A_44 = arith.addi %multiple_of3A_33, %multiple_of3A_30 : i32
      "tpu.region"() ({
        %run_scoped3A = tpu.sem_alloc : memref<!tpu.dma_semaphore, #tpu.memory_space<semaphore_mem>>
        %dma_start3A_45 = arith.constant 0 : i32
        %dma_start3A_46 = tpu.memref_slice %arg6[%add3A_44, %dma_start3A_45] : memref<10032x128xf32, #tpu.memory_space<hbm>> -> memref<312x128xf32, #tpu.memory_space<hbm>>
        %dma_start3A_47 = arith.constant 0 : i32
        %dma_start3A_48 = tpu.memref_slice %arg11[%multiple_of3A_30, %dma_start3A_47] : memref<5016x128xf32, #tpu.memory_space<vmem_shared>> -> memref<312x128xf32, #tpu.memory_space<vmem_shared>>
        tpu.enqueue_dma source(%dma_start3A_48 : memref<312x128xf32, #tpu.memory_space<vmem_shared>>) target(%dma_start3A_46 : memref<312x128xf32, #tpu.memory_space<hbm>>) target_semaphore(%run_scoped3A : memref<!tpu.dma_semaphore, #tpu.memory_space<semaphore_mem>>)
        %dma_wait3A = arith.constant 0 : i32
        %dma_wait3A_49 = tpu.memref_slice %arg6[%add3A_44, %dma_wait3A] : memref<10032x128xf32, #tpu.memory_space<hbm>> -> memref<312x128xf32, #tpu.memory_space<hbm>>
        %dma_wait3A_50 = arith.constant 0 : i32
        %dma_wait3A_51 = tpu.memref_slice %arg11[%multiple_of3A_30, %dma_wait3A_50] : memref<5016x128xf32, #tpu.memory_space<vmem_shared>> -> memref<312x128xf32, #tpu.memory_space<vmem_shared>>
        tpu.wait_dma2 semaphore(%run_scoped3A : memref<!tpu.dma_semaphore, #tpu.memory_space<semaphore_mem>>) src(%dma_wait3A_51 : memref<312x128xf32, #tpu.memory_space<vmem_shared>>) dst(%dma_wait3A_49 : memref<312x128xf32, #tpu.memory_space<hbm>>)
        tpu.yield
      }) : () -> ()
    } else {
    }
    %eq3A_39 = arith.constant 15 : i32
    %eq3A_40 = arith.cmpi eq, %arg1, %eq3A_39 : i32
    %convert_element_type3A_41 = arith.extui %eq3A_40 : i1 to i32
    %cond3A_42 = arith.constant 0 : i32
    %cond3A_43 = arith.cmpi ne, %convert_element_type3A_41, %cond3A_42 : i32
    scf.if %cond3A_43 {
      %add3A_44 = arith.constant 4680 : i32
      %add3A_45 = arith.addi %multiple_of3A_33, %add3A_44 : i32
      "tpu.region"() ({
        %run_scoped3A = tpu.sem_alloc : memref<!tpu.dma_semaphore, #tpu.memory_space<semaphore_mem>>
        %dma_start3A_46 = arith.constant 0 : i32
        %dma_start3A_47 = tpu.memref_slice %arg6[%add3A_45, %dma_start3A_46] : memref<10032x128xf32, #tpu.memory_space<hbm>> -> memref<320x128xf32, #tpu.memory_space<hbm>>
        %dma_start3A_48 = arith.constant 4680 : i32
        %dma_start3A_49 = arith.constant 0 : i32
        %dma_start3A_50 = tpu.memref_slice %arg11[%dma_start3A_48, %dma_start3A_49] : memref<5016x128xf32, #tpu.memory_space<vmem_shared>> -> memref<320x128xf32, #tpu.memory_space<vmem_shared>>
        tpu.enqueue_dma source(%dma_start3A_50 : memref<320x128xf32, #tpu.memory_space<vmem_shared>>) target(%dma_start3A_47 : memref<320x128xf32, #tpu.memory_space<hbm>>) target_semaphore(%run_scoped3A : memref<!tpu.dma_semaphore, #tpu.memory_space<semaphore_mem>>)
        %dma_wait3A = arith.constant 0 : i32
        %dma_wait3A_51 = tpu.memref_slice %arg6[%add3A_45, %dma_wait3A] : memref<10032x128xf32, #tpu.memory_space<hbm>> -> memref<320x128xf32, #tpu.memory_space<hbm>>
        %dma_wait3A_52 = arith.constant 4680 : i32
        %dma_wait3A_53 = arith.constant 0 : i32
        %dma_wait3A_54 = tpu.memref_slice %arg11[%dma_wait3A_52, %dma_wait3A_53] : memref<5016x128xf32, #tpu.memory_space<vmem_shared>> -> memref<320x128xf32, #tpu.memory_space<vmem_shared>>
        tpu.wait_dma2 semaphore(%run_scoped3A : memref<!tpu.dma_semaphore, #tpu.memory_space<semaphore_mem>>) src(%dma_wait3A_54 : memref<320x128xf32, #tpu.memory_space<vmem_shared>>) dst(%dma_wait3A_51 : memref<320x128xf32, #tpu.memory_space<hbm>>)
        tpu.yield
      }) : () -> ()
    } else {
    }
    return
  }
}

#map = affine_map<(d0, d1) -> (0, 0, 0)>
#map1 = affine_map<(d0, d1) -> (0, 0)>
module attributes {stable_mosaic.version = 14 : i64} {
  func.func @count(%arg0: i32, %arg1: i32, %arg2: memref<32x125x80xi32, #tpu.memory_space<hbm>>, %arg3: memref<80x128xf32, #tpu.memory_space<hbm>>, %arg4: memref<10000x128xf32, #tpu.memory_space<hbm>>, %arg5: memref<20000x128xf32, #tpu.memory_space<hbm>>, %arg6: memref<125x80xi32, #tpu.memory_space<vmem>>, %arg7: memref<80x128xf32, #tpu.memory_space<vmem>>, %arg8: memref<10000x128xf32, #tpu.memory_space<vmem_shared>>) attributes {dimension_semantics = [#tpu.dimension_semantics<core_parallel>, #tpu.dimension_semantics<subcore_parallel>], iteration_bounds = array<i64: 2, 16>, scalar_prefetch = 0 : i64, scratch_operands = 3 : i64, tpu.core_type = #tpu.core_type<sc_vector_subcore>, window_params = [{transform_indices = #map}, {transform_indices = #map1}, {transform_indices = #map1}, {transform_indices = #map1}]} {
    %mul3A = arith.constant 624 : i32
    %mul3A_0 = arith.muli %arg1, %mul3A : i32
    %multiple_of3A = tpu.assume_multiple %mul3A_0, 8 : i32
    %mul3A_1 = arith.constant 16 : i32
    %mul3A_2 = arith.muli %arg0, %mul3A_1 : i32
    %add3A = arith.addi %mul3A_2, %arg1 : i32
    "tpu.region"() ({
      %run_scoped3A = tpu.sem_alloc : memref<!tpu.dma_semaphore, #tpu.memory_space<semaphore_mem>>
      %dma_start3A = arith.constant 0 : i32
      %dma_start3A_28 = arith.constant 0 : i32
      %dma_start3A_29 = tpu.memref_slice %arg2[%add3A, %dma_start3A, %dma_start3A_28] : memref<32x125x80xi32, #tpu.memory_space<hbm>> -> memref<1x125x80xi32, #tpu.memory_space<hbm>>
      %dma_start3A_30 = tpu.memref_squeeze %dma_start3A_29 : memref<1x125x80xi32, #tpu.memory_space<hbm>> -> memref<125x80xi32, #tpu.memory_space<hbm>>
      %dma_start3A_31 = arith.constant 0 : i32
      %dma_start3A_32 = arith.constant 0 : i32
      %dma_start3A_33 = tpu.memref_slice %arg2[%add3A, %dma_start3A_31, %dma_start3A_32] : memref<32x125x80xi32, #tpu.memory_space<hbm>> -> memref<1x125x80xi32, #tpu.memory_space<hbm>>
      %dma_start3A_34 = tpu.memref_squeeze %dma_start3A_33 : memref<1x125x80xi32, #tpu.memory_space<hbm>> -> memref<125x80xi32, #tpu.memory_space<hbm>>
      tpu.enqueue_dma source(%dma_start3A_34 : memref<125x80xi32, #tpu.memory_space<hbm>>) target(%arg6 : memref<125x80xi32, #tpu.memory_space<vmem>>) target_semaphore(%run_scoped3A : memref<!tpu.dma_semaphore, #tpu.memory_space<semaphore_mem>>)
      %dma_wait3A = arith.constant 0 : i32
      %dma_wait3A_35 = arith.constant 0 : i32
      %dma_wait3A_36 = tpu.memref_slice %arg2[%add3A, %dma_wait3A, %dma_wait3A_35] : memref<32x125x80xi32, #tpu.memory_space<hbm>> -> memref<1x125x80xi32, #tpu.memory_space<hbm>>
      %dma_wait3A_37 = tpu.memref_squeeze %dma_wait3A_36 : memref<1x125x80xi32, #tpu.memory_space<hbm>> -> memref<125x80xi32, #tpu.memory_space<hbm>>
      %dma_wait3A_38 = arith.constant 0 : i32
      %dma_wait3A_39 = arith.constant 0 : i32
      %dma_wait3A_40 = tpu.memref_slice %arg2[%add3A, %dma_wait3A_38, %dma_wait3A_39] : memref<32x125x80xi32, #tpu.memory_space<hbm>> -> memref<1x125x80xi32, #tpu.memory_space<hbm>>
      %dma_wait3A_41 = tpu.memref_squeeze %dma_wait3A_40 : memref<1x125x80xi32, #tpu.memory_space<hbm>> -> memref<125x80xi32, #tpu.memory_space<hbm>>
      tpu.wait_dma2 semaphore(%run_scoped3A : memref<!tpu.dma_semaphore, #tpu.memory_space<semaphore_mem>>) src(%dma_wait3A_41 : memref<125x80xi32, #tpu.memory_space<hbm>>) dst(%arg6 : memref<125x80xi32, #tpu.memory_space<vmem>>)
      tpu.yield
    }) : () -> ()
    "tpu.region"() ({
      %run_scoped3A = tpu.sem_alloc : memref<!tpu.dma_semaphore, #tpu.memory_space<semaphore_mem>>
      tpu.enqueue_dma source(%arg3 : memref<80x128xf32, #tpu.memory_space<hbm>>) target(%arg7 : memref<80x128xf32, #tpu.memory_space<vmem>>) target_semaphore(%run_scoped3A : memref<!tpu.dma_semaphore, #tpu.memory_space<semaphore_mem>>)
      tpu.wait_dma2 semaphore(%run_scoped3A : memref<!tpu.dma_semaphore, #tpu.memory_space<semaphore_mem>>) src(%arg3 : memref<80x128xf32, #tpu.memory_space<hbm>>) dst(%arg7 : memref<80x128xf32, #tpu.memory_space<vmem>>)
      tpu.yield
    }) : () -> ()
    %lt3A = arith.constant 15 : i32
    %lt3A_3 = arith.cmpi slt, %arg1, %lt3A : i32
    %convert_element_type3A = arith.extui %lt3A_3 : i1 to i32
    %cond3A = arith.constant 0 : i32
    %cond3A_4 = arith.cmpi ne, %convert_element_type3A, %cond3A : i32
    scf.if %cond3A_4 {
      "tpu.region"() ({
        %run_scoped3A = tpu.sem_alloc : memref<!tpu.dma_semaphore, #tpu.memory_space<semaphore_mem>>
        %dma_start3A = arith.constant 0 : i32
        %dma_start3A_28 = tpu.memref_slice %arg8[%multiple_of3A, %dma_start3A] : memref<10000x128xf32, #tpu.memory_space<vmem_shared>> -> memref<624x128xf32, #tpu.memory_space<vmem_shared>>
        %dma_start3A_29 = arith.constant 0 : i32
        %dma_start3A_30 = tpu.memref_slice %arg4[%multiple_of3A, %dma_start3A_29] : memref<10000x128xf32, #tpu.memory_space<hbm>> -> memref<624x128xf32, #tpu.memory_space<hbm>>
        tpu.enqueue_dma source(%dma_start3A_30 : memref<624x128xf32, #tpu.memory_space<hbm>>) target(%dma_start3A_28 : memref<624x128xf32, #tpu.memory_space<vmem_shared>>) target_semaphore(%run_scoped3A : memref<!tpu.dma_semaphore, #tpu.memory_space<semaphore_mem>>)
        %dma_wait3A = arith.constant 0 : i32
        %dma_wait3A_31 = tpu.memref_slice %arg8[%multiple_of3A, %dma_wait3A] : memref<10000x128xf32, #tpu.memory_space<vmem_shared>> -> memref<624x128xf32, #tpu.memory_space<vmem_shared>>
        %dma_wait3A_32 = arith.constant 0 : i32
        %dma_wait3A_33 = tpu.memref_slice %arg4[%multiple_of3A, %dma_wait3A_32] : memref<10000x128xf32, #tpu.memory_space<hbm>> -> memref<624x128xf32, #tpu.memory_space<hbm>>
        tpu.wait_dma2 semaphore(%run_scoped3A : memref<!tpu.dma_semaphore, #tpu.memory_space<semaphore_mem>>) src(%dma_wait3A_33 : memref<624x128xf32, #tpu.memory_space<hbm>>) dst(%dma_wait3A_31 : memref<624x128xf32, #tpu.memory_space<vmem_shared>>)
        tpu.yield
      }) : () -> ()
    } else {
    }
    %eq3A = arith.constant 15 : i32
    %eq3A_5 = arith.cmpi eq, %arg1, %eq3A : i32
    %convert_element_type3A_6 = arith.extui %eq3A_5 : i1 to i32
    %cond3A_7 = arith.constant 0 : i32
    %cond3A_8 = arith.cmpi ne, %convert_element_type3A_6, %cond3A_7 : i32
    scf.if %cond3A_8 {
      "tpu.region"() ({
        %run_scoped3A = tpu.sem_alloc : memref<!tpu.dma_semaphore, #tpu.memory_space<semaphore_mem>>
        %dma_start3A = arith.constant 9360 : i32
        %dma_start3A_28 = arith.constant 0 : i32
        %dma_start3A_29 = tpu.memref_slice %arg8[%dma_start3A, %dma_start3A_28] : memref<10000x128xf32, #tpu.memory_space<vmem_shared>> -> memref<640x128xf32, #tpu.memory_space<vmem_shared>>
        %dma_start3A_30 = arith.constant 9360 : i32
        %dma_start3A_31 = arith.constant 0 : i32
        %dma_start3A_32 = tpu.memref_slice %arg4[%dma_start3A_30, %dma_start3A_31] : memref<10000x128xf32, #tpu.memory_space<hbm>> -> memref<640x128xf32, #tpu.memory_space<hbm>>
        tpu.enqueue_dma source(%dma_start3A_32 : memref<640x128xf32, #tpu.memory_space<hbm>>) target(%dma_start3A_29 : memref<640x128xf32, #tpu.memory_space<vmem_shared>>) target_semaphore(%run_scoped3A : memref<!tpu.dma_semaphore, #tpu.memory_space<semaphore_mem>>)
        %dma_wait3A = arith.constant 9360 : i32
        %dma_wait3A_33 = arith.constant 0 : i32
        %dma_wait3A_34 = tpu.memref_slice %arg8[%dma_wait3A, %dma_wait3A_33] : memref<10000x128xf32, #tpu.memory_space<vmem_shared>> -> memref<640x128xf32, #tpu.memory_space<vmem_shared>>
        %dma_wait3A_35 = arith.constant 9360 : i32
        %dma_wait3A_36 = arith.constant 0 : i32
        %dma_wait3A_37 = tpu.memref_slice %arg4[%dma_wait3A_35, %dma_wait3A_36] : memref<10000x128xf32, #tpu.memory_space<hbm>> -> memref<640x128xf32, #tpu.memory_space<hbm>>
        tpu.wait_dma2 semaphore(%run_scoped3A : memref<!tpu.dma_semaphore, #tpu.memory_space<semaphore_mem>>) src(%dma_wait3A_37 : memref<640x128xf32, #tpu.memory_space<hbm>>) dst(%dma_wait3A_34 : memref<640x128xf32, #tpu.memory_space<vmem_shared>>)
        tpu.yield
      }) : () -> ()
    } else {
    }
    %barrier3A = arith.constant 0 : index
    tpu.barrier barrier_id(%barrier3A)
    %scan3A = arith.constant 0 : i32
    %scan3A_9 = arith.constant 0 : i32
    %scan3A_10 = arith.constant 125 : i32
    %scan3A_11 = arith.addi %scan3A_9, %scan3A_10 : i32
    %scan3A_12 = arith.constant 1 : i32
    scf.for %scan3A_28 = %scan3A_9 to %scan3A_11 step %scan3A_12  : i32 {
      "tpu.region"() ({
        %run_scoped3A = tpu.sem_alloc : memref<!tpu.dma_semaphore, #tpu.memory_space<semaphore_mem>>
        %dma_start3A = arith.constant 0 : i32
        %dma_start3A_29 = tpu.memref_slice %arg6[%scan3A_28, %dma_start3A] : memref<125x80xi32, #tpu.memory_space<vmem>> -> memref<1x80xi32, #tpu.memory_space<vmem>>
        %dma_start3A_30 = tpu.memref_squeeze %dma_start3A_29 : memref<1x80xi32, #tpu.memory_space<vmem>> -> memref<80xi32, #tpu.memory_space<vmem>>
        %dma_start3A_31 = arith.constant 0 : i32
        %dma_start3A_32 = arith.constant 0 : i32
        %dma_start3A_33 = tpu.memref_slice %arg8[%dma_start3A_31, %dma_start3A_32] : memref<10000x128xf32, #tpu.memory_space<vmem_shared>> -> memref<10000x128xf32, #tpu.memory_space<vmem_shared>>
        tpu.enqueue_indirect_dma source(%arg7 : memref<80x128xf32, #tpu.memory_space<vmem>>) target(%dma_start3A_33 : memref<10000x128xf32, #tpu.memory_space<vmem_shared>>) offsets(%dma_start3A_30 : memref<80xi32, #tpu.memory_space<vmem>>) semaphore(%run_scoped3A : memref<!tpu.dma_semaphore, #tpu.memory_space<semaphore_mem>>) {add = true}
        %dma_wait3A = arith.constant 0 : i32
        %dma_wait3A_34 = tpu.memref_slice %arg6[%scan3A_28, %dma_wait3A] : memref<125x80xi32, #tpu.memory_space<vmem>> -> memref<1x80xi32, #tpu.memory_space<vmem>>
        %dma_wait3A_35 = tpu.memref_squeeze %dma_wait3A_34 : memref<1x80xi32, #tpu.memory_space<vmem>> -> memref<80xi32, #tpu.memory_space<vmem>>
        %dma_wait3A_36 = arith.constant 0 : i32
        %dma_wait3A_37 = arith.constant 0 : i32
        %dma_wait3A_38 = tpu.memref_slice %arg8[%dma_wait3A_36, %dma_wait3A_37] : memref<10000x128xf32, #tpu.memory_space<vmem_shared>> -> memref<10000x128xf32, #tpu.memory_space<vmem_shared>>
        tpu.wait_indirect_dma semaphore(%run_scoped3A : memref<!tpu.dma_semaphore, #tpu.memory_space<semaphore_mem>>) src(%arg7 : memref<80x128xf32, #tpu.memory_space<vmem>>) dst(%dma_wait3A_38 : memref<10000x128xf32, #tpu.memory_space<vmem_shared>>)
        tpu.yield
      }) : () -> ()
    }
    %scan3A_13 = arith.constant 125 : i32
    %barrier3A_14 = arith.constant 0 : index
    tpu.barrier barrier_id(%barrier3A_14)
    %mul3A_15 = arith.constant 10000 : i32
    %mul3A_16 = arith.muli %arg0, %mul3A_15 : i32
    %multiple_of3A_17 = tpu.assume_multiple %mul3A_16, 8 : i32
    %lt3A_18 = arith.constant 15 : i32
    %lt3A_19 = arith.cmpi slt, %arg1, %lt3A_18 : i32
    %convert_element_type3A_20 = arith.extui %lt3A_19 : i1 to i32
    %cond3A_21 = arith.constant 0 : i32
    %cond3A_22 = arith.cmpi ne, %convert_element_type3A_20, %cond3A_21 : i32
    scf.if %cond3A_22 {
      %add3A_28 = arith.addi %multiple_of3A_17, %multiple_of3A : i32
      "tpu.region"() ({
        %run_scoped3A = tpu.sem_alloc : memref<!tpu.dma_semaphore, #tpu.memory_space<semaphore_mem>>
        %dma_start3A = arith.constant 0 : i32
        %dma_start3A_29 = tpu.memref_slice %arg5[%add3A_28, %dma_start3A] : memref<20000x128xf32, #tpu.memory_space<hbm>> -> memref<624x128xf32, #tpu.memory_space<hbm>>
        %dma_start3A_30 = arith.constant 0 : i32
        %dma_start3A_31 = tpu.memref_slice %arg8[%multiple_of3A, %dma_start3A_30] : memref<10000x128xf32, #tpu.memory_space<vmem_shared>> -> memref<624x128xf32, #tpu.memory_space<vmem_shared>>
        tpu.enqueue_dma source(%dma_start3A_31 : memref<624x128xf32, #tpu.memory_space<vmem_shared>>) target(%dma_start3A_29 : memref<624x128xf32, #tpu.memory_space<hbm>>) target_semaphore(%run_scoped3A : memref<!tpu.dma_semaphore, #tpu.memory_space<semaphore_mem>>)
        %dma_wait3A = arith.constant 0 : i32
        %dma_wait3A_32 = tpu.memref_slice %arg5[%add3A_28, %dma_wait3A] : memref<20000x128xf32, #tpu.memory_space<hbm>> -> memref<624x128xf32, #tpu.memory_space<hbm>>
        %dma_wait3A_33 = arith.constant 0 : i32
        %dma_wait3A_34 = tpu.memref_slice %arg8[%multiple_of3A, %dma_wait3A_33] : memref<10000x128xf32, #tpu.memory_space<vmem_shared>> -> memref<624x128xf32, #tpu.memory_space<vmem_shared>>
        tpu.wait_dma2 semaphore(%run_scoped3A : memref<!tpu.dma_semaphore, #tpu.memory_space<semaphore_mem>>) src(%dma_wait3A_34 : memref<624x128xf32, #tpu.memory_space<vmem_shared>>) dst(%dma_wait3A_32 : memref<624x128xf32, #tpu.memory_space<hbm>>)
        tpu.yield
      }) : () -> ()
    } else {
    }
    %eq3A_23 = arith.constant 15 : i32
    %eq3A_24 = arith.cmpi eq, %arg1, %eq3A_23 : i32
    %convert_element_type3A_25 = arith.extui %eq3A_24 : i1 to i32
    %cond3A_26 = arith.constant 0 : i32
    %cond3A_27 = arith.cmpi ne, %convert_element_type3A_25, %cond3A_26 : i32
    scf.if %cond3A_27 {
      %add3A_28 = arith.constant 9360 : i32
      %add3A_29 = arith.addi %multiple_of3A_17, %add3A_28 : i32
      "tpu.region"() ({
        %run_scoped3A = tpu.sem_alloc : memref<!tpu.dma_semaphore, #tpu.memory_space<semaphore_mem>>
        %dma_start3A = arith.constant 0 : i32
        %dma_start3A_30 = tpu.memref_slice %arg5[%add3A_29, %dma_start3A] : memref<20000x128xf32, #tpu.memory_space<hbm>> -> memref<640x128xf32, #tpu.memory_space<hbm>>
        %dma_start3A_31 = arith.constant 9360 : i32
        %dma_start3A_32 = arith.constant 0 : i32
        %dma_start3A_33 = tpu.memref_slice %arg8[%dma_start3A_31, %dma_start3A_32] : memref<10000x128xf32, #tpu.memory_space<vmem_shared>> -> memref<640x128xf32, #tpu.memory_space<vmem_shared>>
        tpu.enqueue_dma source(%dma_start3A_33 : memref<640x128xf32, #tpu.memory_space<vmem_shared>>) target(%dma_start3A_30 : memref<640x128xf32, #tpu.memory_space<hbm>>) target_semaphore(%run_scoped3A : memref<!tpu.dma_semaphore, #tpu.memory_space<semaphore_mem>>)
        %dma_wait3A = arith.constant 0 : i32
        %dma_wait3A_34 = tpu.memref_slice %arg5[%add3A_29, %dma_wait3A] : memref<20000x128xf32, #tpu.memory_space<hbm>> -> memref<640x128xf32, #tpu.memory_space<hbm>>
        %dma_wait3A_35 = arith.constant 9360 : i32
        %dma_wait3A_36 = arith.constant 0 : i32
        %dma_wait3A_37 = tpu.memref_slice %arg8[%dma_wait3A_35, %dma_wait3A_36] : memref<10000x128xf32, #tpu.memory_space<vmem_shared>> -> memref<640x128xf32, #tpu.memory_space<vmem_shared>>
        tpu.wait_dma2 semaphore(%run_scoped3A : memref<!tpu.dma_semaphore, #tpu.memory_space<semaphore_mem>>) src(%dma_wait3A_37 : memref<640x128xf32, #tpu.memory_space<vmem_shared>>) dst(%dma_wait3A_34 : memref<640x128xf32, #tpu.memory_space<hbm>>)
        tpu.yield
      }) : () -> ()
    } else {
    }
    return
  }
}

#map = affine_map<(d0, d1) -> (0, 0, 0)>
#map1 = affine_map<(d0, d1) -> (0, 0)>
module attributes {stable_mosaic.version = 14 : i64} {
  func.func @prop(%arg0: i32, %arg1: i32, %arg2: memref<16x250x80xi32, #tpu.memory_space<hbm>>, %arg3: memref<16x250x80xi32, #tpu.memory_space<hbm>>, %arg4: memref<10000x128xf32, #tpu.memory_space<hbm>>, %arg5: memref<5016x128xf32, #tpu.memory_space<hbm>>, %arg6: memref<10032x128xf32, #tpu.memory_space<hbm>>, %arg7: memref<250x80xi32, #tpu.memory_space<vmem>>, %arg8: memref<250x80xi32, #tpu.memory_space<vmem>>, %arg9: memref<80x128xf32, #tpu.memory_space<vmem>>, %arg10: memref<80x128xf32, #tpu.memory_space<vmem>>, %arg11: memref<5016x128xf32, #tpu.memory_space<vmem_shared>>, %arg12: memref<!tpu.dma_semaphore, #tpu.memory_space<semaphore_mem>>, %arg13: memref<!tpu.dma_semaphore, #tpu.memory_space<semaphore_mem>>) attributes {dimension_semantics = [#tpu.dimension_semantics<core_parallel>, #tpu.dimension_semantics<subcore_parallel>], iteration_bounds = array<i64: 2, 16>, scalar_prefetch = 0 : i64, scratch_operands = 7 : i64, tpu.core_type = #tpu.core_type<sc_vector_subcore>, window_params = [{transform_indices = #map}, {transform_indices = #map}, {transform_indices = #map1}, {transform_indices = #map1}, {transform_indices = #map1}]} {
    %mul3A = arith.constant 312 : i32
    %mul3A_0 = arith.muli %arg1, %mul3A : i32
    %multiple_of3A = tpu.assume_multiple %mul3A_0, 8 : i32
    %lt3A = arith.constant 15 : i32
    %lt3A_1 = arith.cmpi slt, %arg1, %lt3A : i32
    %convert_element_type3A = arith.extui %lt3A_1 : i1 to i32
    %cond3A = arith.constant 0 : i32
    %cond3A_2 = arith.cmpi ne, %convert_element_type3A, %cond3A : i32
    scf.if %cond3A_2 {
      "tpu.region"() ({
        %run_scoped3A = tpu.sem_alloc : memref<!tpu.dma_semaphore, #tpu.memory_space<semaphore_mem>>
        %dma_start3A_44 = arith.constant 0 : i32
        %dma_start3A_45 = tpu.memref_slice %arg11[%multiple_of3A, %dma_start3A_44] : memref<5016x128xf32, #tpu.memory_space<vmem_shared>> -> memref<312x128xf32, #tpu.memory_space<vmem_shared>>
        %dma_start3A_46 = arith.constant 0 : i32
        %dma_start3A_47 = tpu.memref_slice %arg5[%multiple_of3A, %dma_start3A_46] : memref<5016x128xf32, #tpu.memory_space<hbm>> -> memref<312x128xf32, #tpu.memory_space<hbm>>
        tpu.enqueue_dma source(%dma_start3A_47 : memref<312x128xf32, #tpu.memory_space<hbm>>) target(%dma_start3A_45 : memref<312x128xf32, #tpu.memory_space<vmem_shared>>) target_semaphore(%run_scoped3A : memref<!tpu.dma_semaphore, #tpu.memory_space<semaphore_mem>>)
        %dma_wait3A = arith.constant 0 : i32
        %dma_wait3A_48 = tpu.memref_slice %arg11[%multiple_of3A, %dma_wait3A] : memref<5016x128xf32, #tpu.memory_space<vmem_shared>> -> memref<312x128xf32, #tpu.memory_space<vmem_shared>>
        %dma_wait3A_49 = arith.constant 0 : i32
        %dma_wait3A_50 = tpu.memref_slice %arg5[%multiple_of3A, %dma_wait3A_49] : memref<5016x128xf32, #tpu.memory_space<hbm>> -> memref<312x128xf32, #tpu.memory_space<hbm>>
        tpu.wait_dma2 semaphore(%run_scoped3A : memref<!tpu.dma_semaphore, #tpu.memory_space<semaphore_mem>>) src(%dma_wait3A_50 : memref<312x128xf32, #tpu.memory_space<hbm>>) dst(%dma_wait3A_48 : memref<312x128xf32, #tpu.memory_space<vmem_shared>>)
        tpu.yield
      }) : () -> ()
    } else {
    }
    %eq3A = arith.constant 15 : i32
    %eq3A_3 = arith.cmpi eq, %arg1, %eq3A : i32
    %convert_element_type3A_4 = arith.extui %eq3A_3 : i1 to i32
    %cond3A_5 = arith.constant 0 : i32
    %cond3A_6 = arith.cmpi ne, %convert_element_type3A_4, %cond3A_5 : i32
    scf.if %cond3A_6 {
      "tpu.region"() ({
        %run_scoped3A = tpu.sem_alloc : memref<!tpu.dma_semaphore, #tpu.memory_space<semaphore_mem>>
        %dma_start3A_44 = arith.constant 4680 : i32
        %dma_start3A_45 = arith.constant 0 : i32
        %dma_start3A_46 = tpu.memref_slice %arg11[%dma_start3A_44, %dma_start3A_45] : memref<5016x128xf32, #tpu.memory_space<vmem_shared>> -> memref<336x128xf32, #tpu.memory_space<vmem_shared>>
        %dma_start3A_47 = arith.constant 4680 : i32
        %dma_start3A_48 = arith.constant 0 : i32
        %dma_start3A_49 = tpu.memref_slice %arg5[%dma_start3A_47, %dma_start3A_48] : memref<5016x128xf32, #tpu.memory_space<hbm>> -> memref<336x128xf32, #tpu.memory_space<hbm>>
        tpu.enqueue_dma source(%dma_start3A_49 : memref<336x128xf32, #tpu.memory_space<hbm>>) target(%dma_start3A_46 : memref<336x128xf32, #tpu.memory_space<vmem_shared>>) target_semaphore(%run_scoped3A : memref<!tpu.dma_semaphore, #tpu.memory_space<semaphore_mem>>)
        %dma_wait3A = arith.constant 4680 : i32
        %dma_wait3A_50 = arith.constant 0 : i32
        %dma_wait3A_51 = tpu.memref_slice %arg11[%dma_wait3A, %dma_wait3A_50] : memref<5016x128xf32, #tpu.memory_space<vmem_shared>> -> memref<336x128xf32, #tpu.memory_space<vmem_shared>>
        %dma_wait3A_52 = arith.constant 4680 : i32
        %dma_wait3A_53 = arith.constant 0 : i32
        %dma_wait3A_54 = tpu.memref_slice %arg5[%dma_wait3A_52, %dma_wait3A_53] : memref<5016x128xf32, #tpu.memory_space<hbm>> -> memref<336x128xf32, #tpu.memory_space<hbm>>
        tpu.wait_dma2 semaphore(%run_scoped3A : memref<!tpu.dma_semaphore, #tpu.memory_space<semaphore_mem>>) src(%dma_wait3A_54 : memref<336x128xf32, #tpu.memory_space<hbm>>) dst(%dma_wait3A_51 : memref<336x128xf32, #tpu.memory_space<vmem_shared>>)
        tpu.yield
      }) : () -> ()
    } else {
    }
    %mul3A_7 = arith.constant 5000 : i32
    %mul3A_8 = arith.muli %arg0, %mul3A_7 : i32
    %add3A = arith.constant 5000 : i32
    %add3A_9 = arith.addi %add3A, %arg1 : i32
    "tpu.region"() ({
      %run_scoped3A = tpu.sem_alloc : memref<!tpu.dma_semaphore, #tpu.memory_space<semaphore_mem>>
      %dma_start3A_44 = arith.constant 0 : i32
      %dma_start3A_45 = arith.constant 0 : i32
      %dma_start3A_46 = tpu.memref_slice %arg2[%arg1, %dma_start3A_44, %dma_start3A_45] : memref<16x250x80xi32, #tpu.memory_space<hbm>> -> memref<1x250x80xi32, #tpu.memory_space<hbm>>
      %dma_start3A_47 = tpu.memref_squeeze %dma_start3A_46 : memref<1x250x80xi32, #tpu.memory_space<hbm>> -> memref<250x80xi32, #tpu.memory_space<hbm>>
      %dma_start3A_48 = arith.constant 0 : i32
      %dma_start3A_49 = arith.constant 0 : i32
      %dma_start3A_50 = tpu.memref_slice %arg2[%arg1, %dma_start3A_48, %dma_start3A_49] : memref<16x250x80xi32, #tpu.memory_space<hbm>> -> memref<1x250x80xi32, #tpu.memory_space<hbm>>
      %dma_start3A_51 = tpu.memref_squeeze %dma_start3A_50 : memref<1x250x80xi32, #tpu.memory_space<hbm>> -> memref<250x80xi32, #tpu.memory_space<hbm>>
      tpu.enqueue_dma source(%dma_start3A_51 : memref<250x80xi32, #tpu.memory_space<hbm>>) target(%arg7 : memref<250x80xi32, #tpu.memory_space<vmem>>) target_semaphore(%run_scoped3A : memref<!tpu.dma_semaphore, #tpu.memory_space<semaphore_mem>>)
      %dma_wait3A = arith.constant 0 : i32
      %dma_wait3A_52 = arith.constant 0 : i32
      %dma_wait3A_53 = tpu.memref_slice %arg2[%arg1, %dma_wait3A, %dma_wait3A_52] : memref<16x250x80xi32, #tpu.memory_space<hbm>> -> memref<1x250x80xi32, #tpu.memory_space<hbm>>
      %dma_wait3A_54 = tpu.memref_squeeze %dma_wait3A_53 : memref<1x250x80xi32, #tpu.memory_space<hbm>> -> memref<250x80xi32, #tpu.memory_space<hbm>>
      %dma_wait3A_55 = arith.constant 0 : i32
      %dma_wait3A_56 = arith.constant 0 : i32
      %dma_wait3A_57 = tpu.memref_slice %arg2[%arg1, %dma_wait3A_55, %dma_wait3A_56] : memref<16x250x80xi32, #tpu.memory_space<hbm>> -> memref<1x250x80xi32, #tpu.memory_space<hbm>>
      %dma_wait3A_58 = tpu.memref_squeeze %dma_wait3A_57 : memref<1x250x80xi32, #tpu.memory_space<hbm>> -> memref<250x80xi32, #tpu.memory_space<hbm>>
      tpu.wait_dma2 semaphore(%run_scoped3A : memref<!tpu.dma_semaphore, #tpu.memory_space<semaphore_mem>>) src(%dma_wait3A_58 : memref<250x80xi32, #tpu.memory_space<hbm>>) dst(%arg7 : memref<250x80xi32, #tpu.memory_space<vmem>>)
      tpu.yield
    }) : () -> ()
    "tpu.region"() ({
      %run_scoped3A = tpu.sem_alloc : memref<!tpu.dma_semaphore, #tpu.memory_space<semaphore_mem>>
      %dma_start3A_44 = arith.constant 0 : i32
      %dma_start3A_45 = arith.constant 0 : i32
      %dma_start3A_46 = tpu.memref_slice %arg3[%arg1, %dma_start3A_44, %dma_start3A_45] : memref<16x250x80xi32, #tpu.memory_space<hbm>> -> memref<1x250x80xi32, #tpu.memory_space<hbm>>
      %dma_start3A_47 = tpu.memref_squeeze %dma_start3A_46 : memref<1x250x80xi32, #tpu.memory_space<hbm>> -> memref<250x80xi32, #tpu.memory_space<hbm>>
      %dma_start3A_48 = arith.constant 0 : i32
      %dma_start3A_49 = arith.constant 0 : i32
      %dma_start3A_50 = tpu.memref_slice %arg3[%arg1, %dma_start3A_48, %dma_start3A_49] : memref<16x250x80xi32, #tpu.memory_space<hbm>> -> memref<1x250x80xi32, #tpu.memory_space<hbm>>
      %dma_start3A_51 = tpu.memref_squeeze %dma_start3A_50 : memref<1x250x80xi32, #tpu.memory_space<hbm>> -> memref<250x80xi32, #tpu.memory_space<hbm>>
      tpu.enqueue_dma source(%dma_start3A_51 : memref<250x80xi32, #tpu.memory_space<hbm>>) target(%arg8 : memref<250x80xi32, #tpu.memory_space<vmem>>) target_semaphore(%run_scoped3A : memref<!tpu.dma_semaphore, #tpu.memory_space<semaphore_mem>>)
      %dma_wait3A = arith.constant 0 : i32
      %dma_wait3A_52 = arith.constant 0 : i32
      %dma_wait3A_53 = tpu.memref_slice %arg3[%arg1, %dma_wait3A, %dma_wait3A_52] : memref<16x250x80xi32, #tpu.memory_space<hbm>> -> memref<1x250x80xi32, #tpu.memory_space<hbm>>
      %dma_wait3A_54 = tpu.memref_squeeze %dma_wait3A_53 : memref<1x250x80xi32, #tpu.memory_space<hbm>> -> memref<250x80xi32, #tpu.memory_space<hbm>>
      %dma_wait3A_55 = arith.constant 0 : i32
      %dma_wait3A_56 = arith.constant 0 : i32
      %dma_wait3A_57 = tpu.memref_slice %arg3[%arg1, %dma_wait3A_55, %dma_wait3A_56] : memref<16x250x80xi32, #tpu.memory_space<hbm>> -> memref<1x250x80xi32, #tpu.memory_space<hbm>>
      %dma_wait3A_58 = tpu.memref_squeeze %dma_wait3A_57 : memref<1x250x80xi32, #tpu.memory_space<hbm>> -> memref<250x80xi32, #tpu.memory_space<hbm>>
      tpu.wait_dma2 semaphore(%run_scoped3A : memref<!tpu.dma_semaphore, #tpu.memory_space<semaphore_mem>>) src(%dma_wait3A_58 : memref<250x80xi32, #tpu.memory_space<hbm>>) dst(%arg8 : memref<250x80xi32, #tpu.memory_space<vmem>>)
      tpu.yield
    }) : () -> ()
    %scan3A = arith.constant 0 : i32
    %scan3A_10 = arith.constant 0 : i32
    %scan3A_11 = arith.constant 250 : i32
    %scan3A_12 = arith.addi %scan3A_10, %scan3A_11 : i32
    %scan3A_13 = arith.constant 1 : i32
    scf.for %scan3A_44 = %scan3A_10 to %scan3A_12 step %scan3A_13  : i32 {
      %get3A = arith.index_cast %scan3A_44 : i32 to index
      %get3A_45 = arith.constant 0 : index
      %get3A_46 = tpu.vector_load %arg8[%get3A, %get3A_45] {strides = array<i32>} : memref<250x80xi32, #tpu.memory_space<vmem>>, vector<1x16xi32>,
      %get3A_47 = vector.shape_cast %get3A_46 : vector<1x16xi32> to vector<16xi32>
      %sub3A = vector.broadcast %mul3A_8 : i32 to vector<16xi32>
      %sub3A_48 = arith.subi %get3A_47, %sub3A : vector<16xi32>
      %ge3A = arith.constant 0 : i32
      %ge3A_49 = vector.broadcast %ge3A : i32 to vector<16xi32>
      %ge3A_50 = arith.cmpi sge, %sub3A_48, %ge3A_49 : vector<16xi32>
      %lt3A_51 = arith.constant 5000 : i32
      %lt3A_52 = vector.broadcast %lt3A_51 : i32 to vector<16xi32>
      %lt3A_53 = arith.cmpi slt, %sub3A_48, %lt3A_52 : vector<16xi32>
      %and3A = arith.andi %ge3A_50, %lt3A_53 : vector<16xi1>
      %broadcast_in_dim3A = vector.broadcast %add3A_9 : i32 to vector<16xi32>
      %select_n3A = arith.select %and3A, %sub3A_48, %broadcast_in_dim3A : vector<16xi1>, vector<16xi32>
      %swap3A = arith.index_cast %scan3A_44 : i32 to index
      %swap3A_54 = arith.constant 0 : index
      %swap3A_55 = tpu.vector_load %arg8[%swap3A, %swap3A_54] {strides = array<i32>} : memref<250x80xi32, #tpu.memory_space<vmem>>, vector<1x16xi32>,
      %swap3A_56 = vector.shape_cast %swap3A_55 : vector<1x16xi32> to vector<16xi32>
      %swap3A_57 = vector.shape_cast %select_n3A : vector<16xi32> to vector<1x16xi32>
      tpu.vector_store %arg8[%swap3A, %swap3A_54], %swap3A_57 {strides = array<i32>} : memref<250x80xi32, #tpu.memory_space<vmem>>, vector<1x16xi32>,
      %get3A_58 = arith.index_cast %scan3A_44 : i32 to index
      %get3A_59 = arith.constant 16 : index
      %get3A_60 = tpu.vector_load %arg8[%get3A_58, %get3A_59] {strides = array<i32>} : memref<250x80xi32, #tpu.memory_space<vmem>>, vector<1x16xi32>,
      %get3A_61 = vector.shape_cast %get3A_60 : vector<1x16xi32> to vector<16xi32>
      %sub3A_62 = vector.broadcast %mul3A_8 : i32 to vector<16xi32>
      %sub3A_63 = arith.subi %get3A_61, %sub3A_62 : vector<16xi32>
      %ge3A_64 = arith.constant 0 : i32
      %ge3A_65 = vector.broadcast %ge3A_64 : i32 to vector<16xi32>
      %ge3A_66 = arith.cmpi sge, %sub3A_63, %ge3A_65 : vector<16xi32>
      %lt3A_67 = arith.constant 5000 : i32
      %lt3A_68 = vector.broadcast %lt3A_67 : i32 to vector<16xi32>
      %lt3A_69 = arith.cmpi slt, %sub3A_63, %lt3A_68 : vector<16xi32>
      %and3A_70 = arith.andi %ge3A_66, %lt3A_69 : vector<16xi1>
      %broadcast_in_dim3A_71 = vector.broadcast %add3A_9 : i32 to vector<16xi32>
      %select_n3A_72 = arith.select %and3A_70, %sub3A_63, %broadcast_in_dim3A_71 : vector<16xi1>, vector<16xi32>
      %swap3A_73 = arith.index_cast %scan3A_44 : i32 to index
      %swap3A_74 = arith.constant 16 : index
      %swap3A_75 = tpu.vector_load %arg8[%swap3A_73, %swap3A_74] {strides = array<i32>} : memref<250x80xi32, #tpu.memory_space<vmem>>, vector<1x16xi32>,
      %swap3A_76 = vector.shape_cast %swap3A_75 : vector<1x16xi32> to vector<16xi32>
      %swap3A_77 = vector.shape_cast %select_n3A_72 : vector<16xi32> to vector<1x16xi32>
      tpu.vector_store %arg8[%swap3A_73, %swap3A_74], %swap3A_77 {strides = array<i32>} : memref<250x80xi32, #tpu.memory_space<vmem>>, vector<1x16xi32>,
      %get3A_78 = arith.index_cast %scan3A_44 : i32 to index
      %get3A_79 = arith.constant 32 : index
      %get3A_80 = tpu.vector_load %arg8[%get3A_78, %get3A_79] {strides = array<i32>} : memref<250x80xi32, #tpu.memory_space<vmem>>, vector<1x16xi32>,
      %get3A_81 = vector.shape_cast %get3A_80 : vector<1x16xi32> to vector<16xi32>
      %sub3A_82 = vector.broadcast %mul3A_8 : i32 to vector<16xi32>
      %sub3A_83 = arith.subi %get3A_81, %sub3A_82 : vector<16xi32>
      %ge3A_84 = arith.constant 0 : i32
      %ge3A_85 = vector.broadcast %ge3A_84 : i32 to vector<16xi32>
      %ge3A_86 = arith.cmpi sge, %sub3A_83, %ge3A_85 : vector<16xi32>
      %lt3A_87 = arith.constant 5000 : i32
      %lt3A_88 = vector.broadcast %lt3A_87 : i32 to vector<16xi32>
      %lt3A_89 = arith.cmpi slt, %sub3A_83, %lt3A_88 : vector<16xi32>
      %and3A_90 = arith.andi %ge3A_86, %lt3A_89 : vector<16xi1>
      %broadcast_in_dim3A_91 = vector.broadcast %add3A_9 : i32 to vector<16xi32>
      %select_n3A_92 = arith.select %and3A_90, %sub3A_83, %broadcast_in_dim3A_91 : vector<16xi1>, vector<16xi32>
      %swap3A_93 = arith.index_cast %scan3A_44 : i32 to index
      %swap3A_94 = arith.constant 32 : index
      %swap3A_95 = tpu.vector_load %arg8[%swap3A_93, %swap3A_94] {strides = array<i32>} : memref<250x80xi32, #tpu.memory_space<vmem>>, vector<1x16xi32>,
      %swap3A_96 = vector.shape_cast %swap3A_95 : vector<1x16xi32> to vector<16xi32>
      %swap3A_97 = vector.shape_cast %select_n3A_92 : vector<16xi32> to vector<1x16xi32>
      tpu.vector_store %arg8[%swap3A_93, %swap3A_94], %swap3A_97 {strides = array<i32>} : memref<250x80xi32, #tpu.memory_space<vmem>>, vector<1x16xi32>,
      %get3A_98 = arith.index_cast %scan3A_44 : i32 to index
      %get3A_99 = arith.constant 48 : index
      %get3A_100 = tpu.vector_load %arg8[%get3A_98, %get3A_99] {strides = array<i32>} : memref<250x80xi32, #tpu.memory_space<vmem>>, vector<1x16xi32>,
      %get3A_101 = vector.shape_cast %get3A_100 : vector<1x16xi32> to vector<16xi32>
      %sub3A_102 = vector.broadcast %mul3A_8 : i32 to vector<16xi32>
      %sub3A_103 = arith.subi %get3A_101, %sub3A_102 : vector<16xi32>
      %ge3A_104 = arith.constant 0 : i32
      %ge3A_105 = vector.broadcast %ge3A_104 : i32 to vector<16xi32>
      %ge3A_106 = arith.cmpi sge, %sub3A_103, %ge3A_105 : vector<16xi32>
      %lt3A_107 = arith.constant 5000 : i32
      %lt3A_108 = vector.broadcast %lt3A_107 : i32 to vector<16xi32>
      %lt3A_109 = arith.cmpi slt, %sub3A_103, %lt3A_108 : vector<16xi32>
      %and3A_110 = arith.andi %ge3A_106, %lt3A_109 : vector<16xi1>
      %broadcast_in_dim3A_111 = vector.broadcast %add3A_9 : i32 to vector<16xi32>
      %select_n3A_112 = arith.select %and3A_110, %sub3A_103, %broadcast_in_dim3A_111 : vector<16xi1>, vector<16xi32>
      %swap3A_113 = arith.index_cast %scan3A_44 : i32 to index
      %swap3A_114 = arith.constant 48 : index
      %swap3A_115 = tpu.vector_load %arg8[%swap3A_113, %swap3A_114] {strides = array<i32>} : memref<250x80xi32, #tpu.memory_space<vmem>>, vector<1x16xi32>,
      %swap3A_116 = vector.shape_cast %swap3A_115 : vector<1x16xi32> to vector<16xi32>
      %swap3A_117 = vector.shape_cast %select_n3A_112 : vector<16xi32> to vector<1x16xi32>
      tpu.vector_store %arg8[%swap3A_113, %swap3A_114], %swap3A_117 {strides = array<i32>} : memref<250x80xi32, #tpu.memory_space<vmem>>, vector<1x16xi32>,
      %get3A_118 = arith.index_cast %scan3A_44 : i32 to index
      %get3A_119 = arith.constant 64 : index
      %get3A_120 = tpu.vector_load %arg8[%get3A_118, %get3A_119] {strides = array<i32>} : memref<250x80xi32, #tpu.memory_space<vmem>>, vector<1x16xi32>,
      %get3A_121 = vector.shape_cast %get3A_120 : vector<1x16xi32> to vector<16xi32>
      %sub3A_122 = vector.broadcast %mul3A_8 : i32 to vector<16xi32>
      %sub3A_123 = arith.subi %get3A_121, %sub3A_122 : vector<16xi32>
      %ge3A_124 = arith.constant 0 : i32
      %ge3A_125 = vector.broadcast %ge3A_124 : i32 to vector<16xi32>
      %ge3A_126 = arith.cmpi sge, %sub3A_123, %ge3A_125 : vector<16xi32>
      %lt3A_127 = arith.constant 5000 : i32
      %lt3A_128 = vector.broadcast %lt3A_127 : i32 to vector<16xi32>
      %lt3A_129 = arith.cmpi slt, %sub3A_123, %lt3A_128 : vector<16xi32>
      %and3A_130 = arith.andi %ge3A_126, %lt3A_129 : vector<16xi1>
      %broadcast_in_dim3A_131 = vector.broadcast %add3A_9 : i32 to vector<16xi32>
      %select_n3A_132 = arith.select %and3A_130, %sub3A_123, %broadcast_in_dim3A_131 : vector<16xi1>, vector<16xi32>
      %swap3A_133 = arith.index_cast %scan3A_44 : i32 to index
      %swap3A_134 = arith.constant 64 : index
      %swap3A_135 = tpu.vector_load %arg8[%swap3A_133, %swap3A_134] {strides = array<i32>} : memref<250x80xi32, #tpu.memory_space<vmem>>, vector<1x16xi32>,
      %swap3A_136 = vector.shape_cast %swap3A_135 : vector<1x16xi32> to vector<16xi32>
      %swap3A_137 = vector.shape_cast %select_n3A_132 : vector<16xi32> to vector<1x16xi32>
      tpu.vector_store %arg8[%swap3A_133, %swap3A_134], %swap3A_137 {strides = array<i32>} : memref<250x80xi32, #tpu.memory_space<vmem>>, vector<1x16xi32>,
    }
    %scan3A_14 = arith.constant 250 : i32
    %barrier3A = arith.constant 0 : index
    tpu.barrier barrier_id(%barrier3A)
    %dma_start3A = arith.constant 0 : i32
    %dma_start3A_15 = arith.constant 0 : i32
    %dma_start3A_16 = tpu.memref_slice %arg7[%dma_start3A, %dma_start3A_15] : memref<250x80xi32, #tpu.memory_space<vmem>> -> memref<1x80xi32, #tpu.memory_space<vmem>>
    %dma_start3A_17 = tpu.memref_squeeze %dma_start3A_16 : memref<1x80xi32, #tpu.memory_space<vmem>> -> memref<80xi32, #tpu.memory_space<vmem>>
    %dma_start3A_18 = arith.constant 0 : i32
    %dma_start3A_19 = arith.constant 0 : i32
    %dma_start3A_20 = tpu.memref_slice %arg4[%dma_start3A_18, %dma_start3A_19] : memref<10000x128xf32, #tpu.memory_space<hbm>> -> memref<10000x128xf32, #tpu.memory_space<hbm>>
    tpu.enqueue_indirect_dma source(%dma_start3A_20 : memref<10000x128xf32, #tpu.memory_space<hbm>>) target(%arg9 : memref<80x128xf32, #tpu.memory_space<vmem>>) offsets(%dma_start3A_17 : memref<80xi32, #tpu.memory_space<vmem>>) semaphore(%arg12 : memref<!tpu.dma_semaphore, #tpu.memory_space<semaphore_mem>>)
    %scan3A_21 = arith.constant 0 : i32
    %scan3A_22 = arith.constant 0 : i32
    %scan3A_23 = arith.constant 125 : i32
    %scan3A_24 = arith.addi %scan3A_22, %scan3A_23 : i32
    %scan3A_25 = arith.constant 1 : i32
    scf.for %scan3A_44 = %scan3A_22 to %scan3A_24 step %scan3A_25  : i32 {
      %mul3A_45 = arith.constant 2 : i32
      %mul3A_46 = arith.muli %mul3A_45, %scan3A_44 : i32
      %add3A_47 = arith.constant 1 : i32
      %add3A_48 = arith.addi %mul3A_46, %add3A_47 : i32
      %dma_start3A_49 = arith.constant 0 : i32
      %dma_start3A_50 = tpu.memref_slice %arg7[%add3A_48, %dma_start3A_49] : memref<250x80xi32, #tpu.memory_space<vmem>> -> memref<1x80xi32, #tpu.memory_space<vmem>>
      %dma_start3A_51 = tpu.memref_squeeze %dma_start3A_50 : memref<1x80xi32, #tpu.memory_space<vmem>> -> memref<80xi32, #tpu.memory_space<vmem>>
      %dma_start3A_52 = arith.constant 0 : i32
      %dma_start3A_53 = arith.constant 0 : i32
      %dma_start3A_54 = tpu.memref_slice %arg4[%dma_start3A_52, %dma_start3A_53] : memref<10000x128xf32, #tpu.memory_space<hbm>> -> memref<10000x128xf32, #tpu.memory_space<hbm>>
      tpu.enqueue_indirect_dma source(%dma_start3A_54 : memref<10000x128xf32, #tpu.memory_space<hbm>>) target(%arg10 : memref<80x128xf32, #tpu.memory_space<vmem>>) offsets(%dma_start3A_51 : memref<80xi32, #tpu.memory_space<vmem>>) semaphore(%arg13 : memref<!tpu.dma_semaphore, #tpu.memory_space<semaphore_mem>>)
      %dma_wait3A = arith.constant 0 : i32
      %dma_wait3A_55 = tpu.memref_slice %arg7[%mul3A_46, %dma_wait3A] : memref<250x80xi32, #tpu.memory_space<vmem>> -> memref<1x80xi32, #tpu.memory_space<vmem>>
      %dma_wait3A_56 = tpu.memref_squeeze %dma_wait3A_55 : memref<1x80xi32, #tpu.memory_space<vmem>> -> memref<80xi32, #tpu.memory_space<vmem>>
      %dma_wait3A_57 = arith.constant 0 : i32
      %dma_wait3A_58 = arith.constant 0 : i32
      %dma_wait3A_59 = tpu.memref_slice %arg4[%dma_wait3A_57, %dma_wait3A_58] : memref<10000x128xf32, #tpu.memory_space<hbm>> -> memref<10000x128xf32, #tpu.memory_space<hbm>>
      tpu.wait_indirect_dma semaphore(%arg12 : memref<!tpu.dma_semaphore, #tpu.memory_space<semaphore_mem>>) src(%dma_wait3A_59 : memref<10000x128xf32, #tpu.memory_space<hbm>>) dst(%arg9 : memref<80x128xf32, #tpu.memory_space<vmem>>)
      "tpu.region"() ({
        %run_scoped3A = tpu.sem_alloc : memref<!tpu.dma_semaphore, #tpu.memory_space<semaphore_mem>>
        %dma_start3A_77 = arith.constant 0 : i32
        %dma_start3A_78 = tpu.memref_slice %arg8[%mul3A_46, %dma_start3A_77] : memref<250x80xi32, #tpu.memory_space<vmem>> -> memref<1x80xi32, #tpu.memory_space<vmem>>
        %dma_start3A_79 = tpu.memref_squeeze %dma_start3A_78 : memref<1x80xi32, #tpu.memory_space<vmem>> -> memref<80xi32, #tpu.memory_space<vmem>>
        %dma_start3A_80 = arith.constant 0 : i32
        %dma_start3A_81 = arith.constant 0 : i32
        %dma_start3A_82 = tpu.memref_slice %arg11[%dma_start3A_80, %dma_start3A_81] : memref<5016x128xf32, #tpu.memory_space<vmem_shared>> -> memref<5016x128xf32, #tpu.memory_space<vmem_shared>>
        tpu.enqueue_indirect_dma source(%arg9 : memref<80x128xf32, #tpu.memory_space<vmem>>) target(%dma_start3A_82 : memref<5016x128xf32, #tpu.memory_space<vmem_shared>>) offsets(%dma_start3A_79 : memref<80xi32, #tpu.memory_space<vmem>>) semaphore(%run_scoped3A : memref<!tpu.dma_semaphore, #tpu.memory_space<semaphore_mem>>) {add = true}
        %dma_wait3A_83 = arith.constant 0 : i32
        %dma_wait3A_84 = tpu.memref_slice %arg8[%mul3A_46, %dma_wait3A_83] : memref<250x80xi32, #tpu.memory_space<vmem>> -> memref<1x80xi32, #tpu.memory_space<vmem>>
        %dma_wait3A_85 = tpu.memref_squeeze %dma_wait3A_84 : memref<1x80xi32, #tpu.memory_space<vmem>> -> memref<80xi32, #tpu.memory_space<vmem>>
        %dma_wait3A_86 = arith.constant 0 : i32
        %dma_wait3A_87 = arith.constant 0 : i32
        %dma_wait3A_88 = tpu.memref_slice %arg11[%dma_wait3A_86, %dma_wait3A_87] : memref<5016x128xf32, #tpu.memory_space<vmem_shared>> -> memref<5016x128xf32, #tpu.memory_space<vmem_shared>>
        tpu.wait_indirect_dma semaphore(%run_scoped3A : memref<!tpu.dma_semaphore, #tpu.memory_space<semaphore_mem>>) src(%arg9 : memref<80x128xf32, #tpu.memory_space<vmem>>) dst(%dma_wait3A_88 : memref<5016x128xf32, #tpu.memory_space<vmem_shared>>)
        tpu.yield
      }) : () -> ()
      %add3A_60 = arith.constant 2 : i32
      %add3A_61 = arith.addi %mul3A_46, %add3A_60 : i32
      %lt3A_62 = arith.constant 250 : i32
      %lt3A_63 = arith.cmpi slt, %add3A_61, %lt3A_62 : i32
      %convert_element_type3A_64 = arith.extui %lt3A_63 : i1 to i32
      %cond3A_65 = arith.constant 0 : i32
      %cond3A_66 = arith.cmpi ne, %convert_element_type3A_64, %cond3A_65 : i32
      scf.if %cond3A_66 {
        %add3A_77 = arith.constant 2 : i32
        %add3A_78 = arith.addi %mul3A_46, %add3A_77 : i32
        %dma_start3A_79 = arith.constant 0 : i32
        %dma_start3A_80 = tpu.memref_slice %arg7[%add3A_78, %dma_start3A_79] : memref<250x80xi32, #tpu.memory_space<vmem>> -> memref<1x80xi32, #tpu.memory_space<vmem>>
        %dma_start3A_81 = tpu.memref_squeeze %dma_start3A_80 : memref<1x80xi32, #tpu.memory_space<vmem>> -> memref<80xi32, #tpu.memory_space<vmem>>
        %dma_start3A_82 = arith.constant 0 : i32
        %dma_start3A_83 = arith.constant 0 : i32
        %dma_start3A_84 = tpu.memref_slice %arg4[%dma_start3A_82, %dma_start3A_83] : memref<10000x128xf32, #tpu.memory_space<hbm>> -> memref<10000x128xf32, #tpu.memory_space<hbm>>
        tpu.enqueue_indirect_dma source(%dma_start3A_84 : memref<10000x128xf32, #tpu.memory_space<hbm>>) target(%arg9 : memref<80x128xf32, #tpu.memory_space<vmem>>) offsets(%dma_start3A_81 : memref<80xi32, #tpu.memory_space<vmem>>) semaphore(%arg12 : memref<!tpu.dma_semaphore, #tpu.memory_space<semaphore_mem>>)
      } else {
      }
      %add3A_67 = arith.constant 1 : i32
      %add3A_68 = arith.addi %mul3A_46, %add3A_67 : i32
      %dma_wait3A_69 = arith.constant 0 : i32
      %dma_wait3A_70 = tpu.memref_slice %arg7[%add3A_68, %dma_wait3A_69] : memref<250x80xi32, #tpu.memory_space<vmem>> -> memref<1x80xi32, #tpu.memory_space<vmem>>
      %dma_wait3A_71 = tpu.memref_squeeze %dma_wait3A_70 : memref<1x80xi32, #tpu.memory_space<vmem>> -> memref<80xi32, #tpu.memory_space<vmem>>
      %dma_wait3A_72 = arith.constant 0 : i32
      %dma_wait3A_73 = arith.constant 0 : i32
      %dma_wait3A_74 = tpu.memref_slice %arg4[%dma_wait3A_72, %dma_wait3A_73] : memref<10000x128xf32, #tpu.memory_space<hbm>> -> memref<10000x128xf32, #tpu.memory_space<hbm>>
      tpu.wait_indirect_dma semaphore(%arg13 : memref<!tpu.dma_semaphore, #tpu.memory_space<semaphore_mem>>) src(%dma_wait3A_74 : memref<10000x128xf32, #tpu.memory_space<hbm>>) dst(%arg10 : memref<80x128xf32, #tpu.memory_space<vmem>>)
      %add3A_75 = arith.constant 1 : i32
      %add3A_76 = arith.addi %mul3A_46, %add3A_75 : i32
      "tpu.region"() ({
        %run_scoped3A = tpu.sem_alloc : memref<!tpu.dma_semaphore, #tpu.memory_space<semaphore_mem>>
        %dma_start3A_77 = arith.constant 0 : i32
        %dma_start3A_78 = tpu.memref_slice %arg8[%add3A_76, %dma_start3A_77] : memref<250x80xi32, #tpu.memory_space<vmem>> -> memref<1x80xi32, #tpu.memory_space<vmem>>
        %dma_start3A_79 = tpu.memref_squeeze %dma_start3A_78 : memref<1x80xi32, #tpu.memory_space<vmem>> -> memref<80xi32, #tpu.memory_space<vmem>>
        %dma_start3A_80 = arith.constant 0 : i32
        %dma_start3A_81 = arith.constant 0 : i32
        %dma_start3A_82 = tpu.memref_slice %arg11[%dma_start3A_80, %dma_start3A_81] : memref<5016x128xf32, #tpu.memory_space<vmem_shared>> -> memref<5016x128xf32, #tpu.memory_space<vmem_shared>>
        tpu.enqueue_indirect_dma source(%arg10 : memref<80x128xf32, #tpu.memory_space<vmem>>) target(%dma_start3A_82 : memref<5016x128xf32, #tpu.memory_space<vmem_shared>>) offsets(%dma_start3A_79 : memref<80xi32, #tpu.memory_space<vmem>>) semaphore(%run_scoped3A : memref<!tpu.dma_semaphore, #tpu.memory_space<semaphore_mem>>) {add = true}
        %dma_wait3A_83 = arith.constant 0 : i32
        %dma_wait3A_84 = tpu.memref_slice %arg8[%add3A_76, %dma_wait3A_83] : memref<250x80xi32, #tpu.memory_space<vmem>> -> memref<1x80xi32, #tpu.memory_space<vmem>>
        %dma_wait3A_85 = tpu.memref_squeeze %dma_wait3A_84 : memref<1x80xi32, #tpu.memory_space<vmem>> -> memref<80xi32, #tpu.memory_space<vmem>>
        %dma_wait3A_86 = arith.constant 0 : i32
        %dma_wait3A_87 = arith.constant 0 : i32
        %dma_wait3A_88 = tpu.memref_slice %arg11[%dma_wait3A_86, %dma_wait3A_87] : memref<5016x128xf32, #tpu.memory_space<vmem_shared>> -> memref<5016x128xf32, #tpu.memory_space<vmem_shared>>
        tpu.wait_indirect_dma semaphore(%run_scoped3A : memref<!tpu.dma_semaphore, #tpu.memory_space<semaphore_mem>>) src(%arg10 : memref<80x128xf32, #tpu.memory_space<vmem>>) dst(%dma_wait3A_88 : memref<5016x128xf32, #tpu.memory_space<vmem_shared>>)
        tpu.yield
      }) : () -> ()
    }
    %scan3A_26 = arith.constant 125 : i32
    %barrier3A_27 = arith.constant 0 : index
    tpu.barrier barrier_id(%barrier3A_27)
    %mul3A_28 = arith.constant 312 : i32
    %mul3A_29 = arith.muli %arg1, %mul3A_28 : i32
    %multiple_of3A_30 = tpu.assume_multiple %mul3A_29, 8 : i32
    %mul3A_31 = arith.constant 5016 : i32
    %mul3A_32 = arith.muli %arg0, %mul3A_31 : i32
    %multiple_of3A_33 = tpu.assume_multiple %mul3A_32, 8 : i32
    %lt3A_34 = arith.constant 15 : i32
    %lt3A_35 = arith.cmpi slt, %arg1, %lt3A_34 : i32
    %convert_element_type3A_36 = arith.extui %lt3A_35 : i1 to i32
    %cond3A_37 = arith.constant 0 : i32
    %cond3A_38 = arith.cmpi ne, %convert_element_type3A_36, %cond3A_37 : i32
    scf.if %cond3A_38 {
      %add3A_44 = arith.addi %multiple_of3A_33, %multiple_of3A_30 : i32
      "tpu.region"() ({
        %run_scoped3A = tpu.sem_alloc : memref<!tpu.dma_semaphore, #tpu.memory_space<semaphore_mem>>
        %dma_start3A_45 = arith.constant 0 : i32
        %dma_start3A_46 = tpu.memref_slice %arg6[%add3A_44, %dma_start3A_45] : memref<10032x128xf32, #tpu.memory_space<hbm>> -> memref<312x128xf32, #tpu.memory_space<hbm>>
        %dma_start3A_47 = arith.constant 0 : i32
        %dma_start3A_48 = tpu.memref_slice %arg11[%multiple_of3A_30, %dma_start3A_47] : memref<5016x128xf32, #tpu.memory_space<vmem_shared>> -> memref<312x128xf32, #tpu.memory_space<vmem_shared>>
        tpu.enqueue_dma source(%dma_start3A_48 : memref<312x128xf32, #tpu.memory_space<vmem_shared>>) target(%dma_start3A_46 : memref<312x128xf32, #tpu.memory_space<hbm>>) target_semaphore(%run_scoped3A : memref<!tpu.dma_semaphore, #tpu.memory_space<semaphore_mem>>)
        %dma_wait3A = arith.constant 0 : i32
        %dma_wait3A_49 = tpu.memref_slice %arg6[%add3A_44, %dma_wait3A] : memref<10032x128xf32, #tpu.memory_space<hbm>> -> memref<312x128xf32, #tpu.memory_space<hbm>>
        %dma_wait3A_50 = arith.constant 0 : i32
        %dma_wait3A_51 = tpu.memref_slice %arg11[%multiple_of3A_30, %dma_wait3A_50] : memref<5016x128xf32, #tpu.memory_space<vmem_shared>> -> memref<312x128xf32, #tpu.memory_space<vmem_shared>>
        tpu.wait_dma2 semaphore(%run_scoped3A : memref<!tpu.dma_semaphore, #tpu.memory_space<semaphore_mem>>) src(%dma_wait3A_51 : memref<312x128xf32, #tpu.memory_space<vmem_shared>>) dst(%dma_wait3A_49 : memref<312x128xf32, #tpu.memory_space<hbm>>)
        tpu.yield
      }) : () -> ()
    } else {
    }
    %eq3A_39 = arith.constant 15 : i32
    %eq3A_40 = arith.cmpi eq, %arg1, %eq3A_39 : i32
    %convert_element_type3A_41 = arith.extui %eq3A_40 : i1 to i32
    %cond3A_42 = arith.constant 0 : i32
    %cond3A_43 = arith.cmpi ne, %convert_element_type3A_41, %cond3A_42 : i32
    scf.if %cond3A_43 {
      %add3A_44 = arith.constant 4680 : i32
      %add3A_45 = arith.addi %multiple_of3A_33, %add3A_44 : i32
      "tpu.region"() ({
        %run_scoped3A = tpu.sem_alloc : memref<!tpu.dma_semaphore, #tpu.memory_space<semaphore_mem>>
        %dma_start3A_46 = arith.constant 0 : i32
        %dma_start3A_47 = tpu.memref_slice %arg6[%add3A_45, %dma_start3A_46] : memref<10032x128xf32, #tpu.memory_space<hbm>> -> memref<320x128xf32, #tpu.memory_space<hbm>>
        %dma_start3A_48 = arith.constant 4680 : i32
        %dma_start3A_49 = arith.constant 0 : i32
        %dma_start3A_50 = tpu.memref_slice %arg11[%dma_start3A_48, %dma_start3A_49] : memref<5016x128xf32, #tpu.memory_space<vmem_shared>> -> memref<320x128xf32, #tpu.memory_space<vmem_shared>>
        tpu.enqueue_dma source(%dma_start3A_50 : memref<320x128xf32, #tpu.memory_space<vmem_shared>>) target(%dma_start3A_47 : memref<320x128xf32, #tpu.memory_space<hbm>>) target_semaphore(%run_scoped3A : memref<!tpu.dma_semaphore, #tpu.memory_space<semaphore_mem>>)
        %dma_wait3A = arith.constant 0 : i32
        %dma_wait3A_51 = tpu.memref_slice %arg6[%add3A_45, %dma_wait3A] : memref<10032x128xf32, #tpu.memory_space<hbm>> -> memref<320x128xf32, #tpu.memory_space<hbm>>
        %dma_wait3A_52 = arith.constant 4680 : i32
        %dma_wait3A_53 = arith.constant 0 : i32
        %dma_wait3A_54 = tpu.memref_slice %arg11[%dma_wait3A_52, %dma_wait3A_53] : memref<5016x128xf32, #tpu.memory_space<vmem_shared>> -> memref<320x128xf32, #tpu.memory_space<vmem_shared>>
        tpu.wait_dma2 semaphore(%run_scoped3A : memref<!tpu.dma_semaphore, #tpu.memory_space<semaphore_mem>>) src(%dma_wait3A_54 : memref<320x128xf32, #tpu.memory_space<vmem_shared>>) dst(%dma_wait3A_51 : memref<320x128xf32, #tpu.memory_space<hbm>>)
        tpu.yield
      }) : () -> ()
    } else {
    }
    return
  }
}

#map = affine_map<(d0, d1) -> (0, 0, 0)>
#map1 = affine_map<(d0, d1) -> (0, 0)>
module attributes {stable_mosaic.version = 14 : i64} {
  func.func @prop(%arg0: i32, %arg1: i32, %arg2: memref<16x250x80xi32, #tpu.memory_space<hbm>>, %arg3: memref<16x250x80xi32, #tpu.memory_space<hbm>>, %arg4: memref<10000x128xf32, #tpu.memory_space<hbm>>, %arg5: memref<5016x128xf32, #tpu.memory_space<hbm>>, %arg6: memref<10032x128xf32, #tpu.memory_space<hbm>>, %arg7: memref<250x80xi32, #tpu.memory_space<vmem>>, %arg8: memref<250x80xi32, #tpu.memory_space<vmem>>, %arg9: memref<80x128xf32, #tpu.memory_space<vmem>>, %arg10: memref<80x128xf32, #tpu.memory_space<vmem>>, %arg11: memref<5016x128xf32, #tpu.memory_space<vmem_shared>>, %arg12: memref<!tpu.dma_semaphore, #tpu.memory_space<semaphore_mem>>, %arg13: memref<!tpu.dma_semaphore, #tpu.memory_space<semaphore_mem>>) attributes {dimension_semantics = [#tpu.dimension_semantics<core_parallel>, #tpu.dimension_semantics<subcore_parallel>], iteration_bounds = array<i64: 2, 16>, scalar_prefetch = 0 : i64, scratch_operands = 7 : i64, tpu.core_type = #tpu.core_type<sc_vector_subcore>, window_params = [{transform_indices = #map}, {transform_indices = #map}, {transform_indices = #map1}, {transform_indices = #map1}, {transform_indices = #map1}]} {
    %mul3A = arith.constant 312 : i32
    %mul3A_0 = arith.muli %arg1, %mul3A : i32
    %multiple_of3A = tpu.assume_multiple %mul3A_0, 8 : i32
    %lt3A = arith.constant 15 : i32
    %lt3A_1 = arith.cmpi slt, %arg1, %lt3A : i32
    %convert_element_type3A = arith.extui %lt3A_1 : i1 to i32
    %cond3A = arith.constant 0 : i32
    %cond3A_2 = arith.cmpi ne, %convert_element_type3A, %cond3A : i32
    scf.if %cond3A_2 {
      "tpu.region"() ({
        %run_scoped3A = tpu.sem_alloc : memref<!tpu.dma_semaphore, #tpu.memory_space<semaphore_mem>>
        %dma_start3A_44 = arith.constant 0 : i32
        %dma_start3A_45 = tpu.memref_slice %arg11[%multiple_of3A, %dma_start3A_44] : memref<5016x128xf32, #tpu.memory_space<vmem_shared>> -> memref<312x128xf32, #tpu.memory_space<vmem_shared>>
        %dma_start3A_46 = arith.constant 0 : i32
        %dma_start3A_47 = tpu.memref_slice %arg5[%multiple_of3A, %dma_start3A_46] : memref<5016x128xf32, #tpu.memory_space<hbm>> -> memref<312x128xf32, #tpu.memory_space<hbm>>
        tpu.enqueue_dma source(%dma_start3A_47 : memref<312x128xf32, #tpu.memory_space<hbm>>) target(%dma_start3A_45 : memref<312x128xf32, #tpu.memory_space<vmem_shared>>) target_semaphore(%run_scoped3A : memref<!tpu.dma_semaphore, #tpu.memory_space<semaphore_mem>>)
        %dma_wait3A = arith.constant 0 : i32
        %dma_wait3A_48 = tpu.memref_slice %arg11[%multiple_of3A, %dma_wait3A] : memref<5016x128xf32, #tpu.memory_space<vmem_shared>> -> memref<312x128xf32, #tpu.memory_space<vmem_shared>>
        %dma_wait3A_49 = arith.constant 0 : i32
        %dma_wait3A_50 = tpu.memref_slice %arg5[%multiple_of3A, %dma_wait3A_49] : memref<5016x128xf32, #tpu.memory_space<hbm>> -> memref<312x128xf32, #tpu.memory_space<hbm>>
        tpu.wait_dma2 semaphore(%run_scoped3A : memref<!tpu.dma_semaphore, #tpu.memory_space<semaphore_mem>>) src(%dma_wait3A_50 : memref<312x128xf32, #tpu.memory_space<hbm>>) dst(%dma_wait3A_48 : memref<312x128xf32, #tpu.memory_space<vmem_shared>>)
        tpu.yield
      }) : () -> ()
    } else {
    }
    %eq3A = arith.constant 15 : i32
    %eq3A_3 = arith.cmpi eq, %arg1, %eq3A : i32
    %convert_element_type3A_4 = arith.extui %eq3A_3 : i1 to i32
    %cond3A_5 = arith.constant 0 : i32
    %cond3A_6 = arith.cmpi ne, %convert_element_type3A_4, %cond3A_5 : i32
    scf.if %cond3A_6 {
      "tpu.region"() ({
        %run_scoped3A = tpu.sem_alloc : memref<!tpu.dma_semaphore, #tpu.memory_space<semaphore_mem>>
        %dma_start3A_44 = arith.constant 4680 : i32
        %dma_start3A_45 = arith.constant 0 : i32
        %dma_start3A_46 = tpu.memref_slice %arg11[%dma_start3A_44, %dma_start3A_45] : memref<5016x128xf32, #tpu.memory_space<vmem_shared>> -> memref<336x128xf32, #tpu.memory_space<vmem_shared>>
        %dma_start3A_47 = arith.constant 4680 : i32
        %dma_start3A_48 = arith.constant 0 : i32
        %dma_start3A_49 = tpu.memref_slice %arg5[%dma_start3A_47, %dma_start3A_48] : memref<5016x128xf32, #tpu.memory_space<hbm>> -> memref<336x128xf32, #tpu.memory_space<hbm>>
        tpu.enqueue_dma source(%dma_start3A_49 : memref<336x128xf32, #tpu.memory_space<hbm>>) target(%dma_start3A_46 : memref<336x128xf32, #tpu.memory_space<vmem_shared>>) target_semaphore(%run_scoped3A : memref<!tpu.dma_semaphore, #tpu.memory_space<semaphore_mem>>)
        %dma_wait3A = arith.constant 4680 : i32
        %dma_wait3A_50 = arith.constant 0 : i32
        %dma_wait3A_51 = tpu.memref_slice %arg11[%dma_wait3A, %dma_wait3A_50] : memref<5016x128xf32, #tpu.memory_space<vmem_shared>> -> memref<336x128xf32, #tpu.memory_space<vmem_shared>>
        %dma_wait3A_52 = arith.constant 4680 : i32
        %dma_wait3A_53 = arith.constant 0 : i32
        %dma_wait3A_54 = tpu.memref_slice %arg5[%dma_wait3A_52, %dma_wait3A_53] : memref<5016x128xf32, #tpu.memory_space<hbm>> -> memref<336x128xf32, #tpu.memory_space<hbm>>
        tpu.wait_dma2 semaphore(%run_scoped3A : memref<!tpu.dma_semaphore, #tpu.memory_space<semaphore_mem>>) src(%dma_wait3A_54 : memref<336x128xf32, #tpu.memory_space<hbm>>) dst(%dma_wait3A_51 : memref<336x128xf32, #tpu.memory_space<vmem_shared>>)
        tpu.yield
      }) : () -> ()
    } else {
    }
    %mul3A_7 = arith.constant 5000 : i32
    %mul3A_8 = arith.muli %arg0, %mul3A_7 : i32
    %add3A = arith.constant 5000 : i32
    %add3A_9 = arith.addi %add3A, %arg1 : i32
    "tpu.region"() ({
      %run_scoped3A = tpu.sem_alloc : memref<!tpu.dma_semaphore, #tpu.memory_space<semaphore_mem>>
      %dma_start3A_44 = arith.constant 0 : i32
      %dma_start3A_45 = arith.constant 0 : i32
      %dma_start3A_46 = tpu.memref_slice %arg2[%arg1, %dma_start3A_44, %dma_start3A_45] : memref<16x250x80xi32, #tpu.memory_space<hbm>> -> memref<1x250x80xi32, #tpu.memory_space<hbm>>
      %dma_start3A_47 = tpu.memref_squeeze %dma_start3A_46 : memref<1x250x80xi32, #tpu.memory_space<hbm>> -> memref<250x80xi32, #tpu.memory_space<hbm>>
      %dma_start3A_48 = arith.constant 0 : i32
      %dma_start3A_49 = arith.constant 0 : i32
      %dma_start3A_50 = tpu.memref_slice %arg2[%arg1, %dma_start3A_48, %dma_start3A_49] : memref<16x250x80xi32, #tpu.memory_space<hbm>> -> memref<1x250x80xi32, #tpu.memory_space<hbm>>
      %dma_start3A_51 = tpu.memref_squeeze %dma_start3A_50 : memref<1x250x80xi32, #tpu.memory_space<hbm>> -> memref<250x80xi32, #tpu.memory_space<hbm>>
      tpu.enqueue_dma source(%dma_start3A_51 : memref<250x80xi32, #tpu.memory_space<hbm>>) target(%arg7 : memref<250x80xi32, #tpu.memory_space<vmem>>) target_semaphore(%run_scoped3A : memref<!tpu.dma_semaphore, #tpu.memory_space<semaphore_mem>>)
      %dma_wait3A = arith.constant 0 : i32
      %dma_wait3A_52 = arith.constant 0 : i32
      %dma_wait3A_53 = tpu.memref_slice %arg2[%arg1, %dma_wait3A, %dma_wait3A_52] : memref<16x250x80xi32, #tpu.memory_space<hbm>> -> memref<1x250x80xi32, #tpu.memory_space<hbm>>
      %dma_wait3A_54 = tpu.memref_squeeze %dma_wait3A_53 : memref<1x250x80xi32, #tpu.memory_space<hbm>> -> memref<250x80xi32, #tpu.memory_space<hbm>>
      %dma_wait3A_55 = arith.constant 0 : i32
      %dma_wait3A_56 = arith.constant 0 : i32
      %dma_wait3A_57 = tpu.memref_slice %arg2[%arg1, %dma_wait3A_55, %dma_wait3A_56] : memref<16x250x80xi32, #tpu.memory_space<hbm>> -> memref<1x250x80xi32, #tpu.memory_space<hbm>>
      %dma_wait3A_58 = tpu.memref_squeeze %dma_wait3A_57 : memref<1x250x80xi32, #tpu.memory_space<hbm>> -> memref<250x80xi32, #tpu.memory_space<hbm>>
      tpu.wait_dma2 semaphore(%run_scoped3A : memref<!tpu.dma_semaphore, #tpu.memory_space<semaphore_mem>>) src(%dma_wait3A_58 : memref<250x80xi32, #tpu.memory_space<hbm>>) dst(%arg7 : memref<250x80xi32, #tpu.memory_space<vmem>>)
      tpu.yield
    }) : () -> ()
    "tpu.region"() ({
      %run_scoped3A = tpu.sem_alloc : memref<!tpu.dma_semaphore, #tpu.memory_space<semaphore_mem>>
      %dma_start3A_44 = arith.constant 0 : i32
      %dma_start3A_45 = arith.constant 0 : i32
      %dma_start3A_46 = tpu.memref_slice %arg3[%arg1, %dma_start3A_44, %dma_start3A_45] : memref<16x250x80xi32, #tpu.memory_space<hbm>> -> memref<1x250x80xi32, #tpu.memory_space<hbm>>
      %dma_start3A_47 = tpu.memref_squeeze %dma_start3A_46 : memref<1x250x80xi32, #tpu.memory_space<hbm>> -> memref<250x80xi32, #tpu.memory_space<hbm>>
      %dma_start3A_48 = arith.constant 0 : i32
      %dma_start3A_49 = arith.constant 0 : i32
      %dma_start3A_50 = tpu.memref_slice %arg3[%arg1, %dma_start3A_48, %dma_start3A_49] : memref<16x250x80xi32, #tpu.memory_space<hbm>> -> memref<1x250x80xi32, #tpu.memory_space<hbm>>
      %dma_start3A_51 = tpu.memref_squeeze %dma_start3A_50 : memref<1x250x80xi32, #tpu.memory_space<hbm>> -> memref<250x80xi32, #tpu.memory_space<hbm>>
      tpu.enqueue_dma source(%dma_start3A_51 : memref<250x80xi32, #tpu.memory_space<hbm>>) target(%arg8 : memref<250x80xi32, #tpu.memory_space<vmem>>) target_semaphore(%run_scoped3A : memref<!tpu.dma_semaphore, #tpu.memory_space<semaphore_mem>>)
      %dma_wait3A = arith.constant 0 : i32
      %dma_wait3A_52 = arith.constant 0 : i32
      %dma_wait3A_53 = tpu.memref_slice %arg3[%arg1, %dma_wait3A, %dma_wait3A_52] : memref<16x250x80xi32, #tpu.memory_space<hbm>> -> memref<1x250x80xi32, #tpu.memory_space<hbm>>
      %dma_wait3A_54 = tpu.memref_squeeze %dma_wait3A_53 : memref<1x250x80xi32, #tpu.memory_space<hbm>> -> memref<250x80xi32, #tpu.memory_space<hbm>>
      %dma_wait3A_55 = arith.constant 0 : i32
      %dma_wait3A_56 = arith.constant 0 : i32
      %dma_wait3A_57 = tpu.memref_slice %arg3[%arg1, %dma_wait3A_55, %dma_wait3A_56] : memref<16x250x80xi32, #tpu.memory_space<hbm>> -> memref<1x250x80xi32, #tpu.memory_space<hbm>>
      %dma_wait3A_58 = tpu.memref_squeeze %dma_wait3A_57 : memref<1x250x80xi32, #tpu.memory_space<hbm>> -> memref<250x80xi32, #tpu.memory_space<hbm>>
      tpu.wait_dma2 semaphore(%run_scoped3A : memref<!tpu.dma_semaphore, #tpu.memory_space<semaphore_mem>>) src(%dma_wait3A_58 : memref<250x80xi32, #tpu.memory_space<hbm>>) dst(%arg8 : memref<250x80xi32, #tpu.memory_space<vmem>>)
      tpu.yield
    }) : () -> ()
    %scan3A = arith.constant 0 : i32
    %scan3A_10 = arith.constant 0 : i32
    %scan3A_11 = arith.constant 250 : i32
    %scan3A_12 = arith.addi %scan3A_10, %scan3A_11 : i32
    %scan3A_13 = arith.constant 1 : i32
    scf.for %scan3A_44 = %scan3A_10 to %scan3A_12 step %scan3A_13  : i32 {
      %get3A = arith.index_cast %scan3A_44 : i32 to index
      %get3A_45 = arith.constant 0 : index
      %get3A_46 = tpu.vector_load %arg8[%get3A, %get3A_45] {strides = array<i32>} : memref<250x80xi32, #tpu.memory_space<vmem>>, vector<1x16xi32>,
      %get3A_47 = vector.shape_cast %get3A_46 : vector<1x16xi32> to vector<16xi32>
      %sub3A = vector.broadcast %mul3A_8 : i32 to vector<16xi32>
      %sub3A_48 = arith.subi %get3A_47, %sub3A : vector<16xi32>
      %ge3A = arith.constant 0 : i32
      %ge3A_49 = vector.broadcast %ge3A : i32 to vector<16xi32>
      %ge3A_50 = arith.cmpi sge, %sub3A_48, %ge3A_49 : vector<16xi32>
      %lt3A_51 = arith.constant 5000 : i32
      %lt3A_52 = vector.broadcast %lt3A_51 : i32 to vector<16xi32>
      %lt3A_53 = arith.cmpi slt, %sub3A_48, %lt3A_52 : vector<16xi32>
      %and3A = arith.andi %ge3A_50, %lt3A_53 : vector<16xi1>
      %broadcast_in_dim3A = vector.broadcast %add3A_9 : i32 to vector<16xi32>
      %select_n3A = arith.select %and3A, %sub3A_48, %broadcast_in_dim3A : vector<16xi1>, vector<16xi32>
      %swap3A = arith.index_cast %scan3A_44 : i32 to index
      %swap3A_54 = arith.constant 0 : index
      %swap3A_55 = tpu.vector_load %arg8[%swap3A, %swap3A_54] {strides = array<i32>} : memref<250x80xi32, #tpu.memory_space<vmem>>, vector<1x16xi32>,
      %swap3A_56 = vector.shape_cast %swap3A_55 : vector<1x16xi32> to vector<16xi32>
      %swap3A_57 = vector.shape_cast %select_n3A : vector<16xi32> to vector<1x16xi32>
      tpu.vector_store %arg8[%swap3A, %swap3A_54], %swap3A_57 {strides = array<i32>} : memref<250x80xi32, #tpu.memory_space<vmem>>, vector<1x16xi32>,
      %get3A_58 = arith.index_cast %scan3A_44 : i32 to index
      %get3A_59 = arith.constant 16 : index
      %get3A_60 = tpu.vector_load %arg8[%get3A_58, %get3A_59] {strides = array<i32>} : memref<250x80xi32, #tpu.memory_space<vmem>>, vector<1x16xi32>,
      %get3A_61 = vector.shape_cast %get3A_60 : vector<1x16xi32> to vector<16xi32>
      %sub3A_62 = vector.broadcast %mul3A_8 : i32 to vector<16xi32>
      %sub3A_63 = arith.subi %get3A_61, %sub3A_62 : vector<16xi32>
      %ge3A_64 = arith.constant 0 : i32
      %ge3A_65 = vector.broadcast %ge3A_64 : i32 to vector<16xi32>
      %ge3A_66 = arith.cmpi sge, %sub3A_63, %ge3A_65 : vector<16xi32>
      %lt3A_67 = arith.constant 5000 : i32
      %lt3A_68 = vector.broadcast %lt3A_67 : i32 to vector<16xi32>
      %lt3A_69 = arith.cmpi slt, %sub3A_63, %lt3A_68 : vector<16xi32>
      %and3A_70 = arith.andi %ge3A_66, %lt3A_69 : vector<16xi1>
      %broadcast_in_dim3A_71 = vector.broadcast %add3A_9 : i32 to vector<16xi32>
      %select_n3A_72 = arith.select %and3A_70, %sub3A_63, %broadcast_in_dim3A_71 : vector<16xi1>, vector<16xi32>
      %swap3A_73 = arith.index_cast %scan3A_44 : i32 to index
      %swap3A_74 = arith.constant 16 : index
      %swap3A_75 = tpu.vector_load %arg8[%swap3A_73, %swap3A_74] {strides = array<i32>} : memref<250x80xi32, #tpu.memory_space<vmem>>, vector<1x16xi32>,
      %swap3A_76 = vector.shape_cast %swap3A_75 : vector<1x16xi32> to vector<16xi32>
      %swap3A_77 = vector.shape_cast %select_n3A_72 : vector<16xi32> to vector<1x16xi32>
      tpu.vector_store %arg8[%swap3A_73, %swap3A_74], %swap3A_77 {strides = array<i32>} : memref<250x80xi32, #tpu.memory_space<vmem>>, vector<1x16xi32>,
      %get3A_78 = arith.index_cast %scan3A_44 : i32 to index
      %get3A_79 = arith.constant 32 : index
      %get3A_80 = tpu.vector_load %arg8[%get3A_78, %get3A_79] {strides = array<i32>} : memref<250x80xi32, #tpu.memory_space<vmem>>, vector<1x16xi32>,
      %get3A_81 = vector.shape_cast %get3A_80 : vector<1x16xi32> to vector<16xi32>
      %sub3A_82 = vector.broadcast %mul3A_8 : i32 to vector<16xi32>
      %sub3A_83 = arith.subi %get3A_81, %sub3A_82 : vector<16xi32>
      %ge3A_84 = arith.constant 0 : i32
      %ge3A_85 = vector.broadcast %ge3A_84 : i32 to vector<16xi32>
      %ge3A_86 = arith.cmpi sge, %sub3A_83, %ge3A_85 : vector<16xi32>
      %lt3A_87 = arith.constant 5000 : i32
      %lt3A_88 = vector.broadcast %lt3A_87 : i32 to vector<16xi32>
      %lt3A_89 = arith.cmpi slt, %sub3A_83, %lt3A_88 : vector<16xi32>
      %and3A_90 = arith.andi %ge3A_86, %lt3A_89 : vector<16xi1>
      %broadcast_in_dim3A_91 = vector.broadcast %add3A_9 : i32 to vector<16xi32>
      %select_n3A_92 = arith.select %and3A_90, %sub3A_83, %broadcast_in_dim3A_91 : vector<16xi1>, vector<16xi32>
      %swap3A_93 = arith.index_cast %scan3A_44 : i32 to index
      %swap3A_94 = arith.constant 32 : index
      %swap3A_95 = tpu.vector_load %arg8[%swap3A_93, %swap3A_94] {strides = array<i32>} : memref<250x80xi32, #tpu.memory_space<vmem>>, vector<1x16xi32>,
      %swap3A_96 = vector.shape_cast %swap3A_95 : vector<1x16xi32> to vector<16xi32>
      %swap3A_97 = vector.shape_cast %select_n3A_92 : vector<16xi32> to vector<1x16xi32>
      tpu.vector_store %arg8[%swap3A_93, %swap3A_94], %swap3A_97 {strides = array<i32>} : memref<250x80xi32, #tpu.memory_space<vmem>>, vector<1x16xi32>,
      %get3A_98 = arith.index_cast %scan3A_44 : i32 to index
      %get3A_99 = arith.constant 48 : index
      %get3A_100 = tpu.vector_load %arg8[%get3A_98, %get3A_99] {strides = array<i32>} : memref<250x80xi32, #tpu.memory_space<vmem>>, vector<1x16xi32>,
      %get3A_101 = vector.shape_cast %get3A_100 : vector<1x16xi32> to vector<16xi32>
      %sub3A_102 = vector.broadcast %mul3A_8 : i32 to vector<16xi32>
      %sub3A_103 = arith.subi %get3A_101, %sub3A_102 : vector<16xi32>
      %ge3A_104 = arith.constant 0 : i32
      %ge3A_105 = vector.broadcast %ge3A_104 : i32 to vector<16xi32>
      %ge3A_106 = arith.cmpi sge, %sub3A_103, %ge3A_105 : vector<16xi32>
      %lt3A_107 = arith.constant 5000 : i32
      %lt3A_108 = vector.broadcast %lt3A_107 : i32 to vector<16xi32>
      %lt3A_109 = arith.cmpi slt, %sub3A_103, %lt3A_108 : vector<16xi32>
      %and3A_110 = arith.andi %ge3A_106, %lt3A_109 : vector<16xi1>
      %broadcast_in_dim3A_111 = vector.broadcast %add3A_9 : i32 to vector<16xi32>
      %select_n3A_112 = arith.select %and3A_110, %sub3A_103, %broadcast_in_dim3A_111 : vector<16xi1>, vector<16xi32>
      %swap3A_113 = arith.index_cast %scan3A_44 : i32 to index
      %swap3A_114 = arith.constant 48 : index
      %swap3A_115 = tpu.vector_load %arg8[%swap3A_113, %swap3A_114] {strides = array<i32>} : memref<250x80xi32, #tpu.memory_space<vmem>>, vector<1x16xi32>,
      %swap3A_116 = vector.shape_cast %swap3A_115 : vector<1x16xi32> to vector<16xi32>
      %swap3A_117 = vector.shape_cast %select_n3A_112 : vector<16xi32> to vector<1x16xi32>
      tpu.vector_store %arg8[%swap3A_113, %swap3A_114], %swap3A_117 {strides = array<i32>} : memref<250x80xi32, #tpu.memory_space<vmem>>, vector<1x16xi32>,
      %get3A_118 = arith.index_cast %scan3A_44 : i32 to index
      %get3A_119 = arith.constant 64 : index
      %get3A_120 = tpu.vector_load %arg8[%get3A_118, %get3A_119] {strides = array<i32>} : memref<250x80xi32, #tpu.memory_space<vmem>>, vector<1x16xi32>,
      %get3A_121 = vector.shape_cast %get3A_120 : vector<1x16xi32> to vector<16xi32>
      %sub3A_122 = vector.broadcast %mul3A_8 : i32 to vector<16xi32>
      %sub3A_123 = arith.subi %get3A_121, %sub3A_122 : vector<16xi32>
      %ge3A_124 = arith.constant 0 : i32
      %ge3A_125 = vector.broadcast %ge3A_124 : i32 to vector<16xi32>
      %ge3A_126 = arith.cmpi sge, %sub3A_123, %ge3A_125 : vector<16xi32>
      %lt3A_127 = arith.constant 5000 : i32
      %lt3A_128 = vector.broadcast %lt3A_127 : i32 to vector<16xi32>
      %lt3A_129 = arith.cmpi slt, %sub3A_123, %lt3A_128 : vector<16xi32>
      %and3A_130 = arith.andi %ge3A_126, %lt3A_129 : vector<16xi1>
      %broadcast_in_dim3A_131 = vector.broadcast %add3A_9 : i32 to vector<16xi32>
      %select_n3A_132 = arith.select %and3A_130, %sub3A_123, %broadcast_in_dim3A_131 : vector<16xi1>, vector<16xi32>
      %swap3A_133 = arith.index_cast %scan3A_44 : i32 to index
      %swap3A_134 = arith.constant 64 : index
      %swap3A_135 = tpu.vector_load %arg8[%swap3A_133, %swap3A_134] {strides = array<i32>} : memref<250x80xi32, #tpu.memory_space<vmem>>, vector<1x16xi32>,
      %swap3A_136 = vector.shape_cast %swap3A_135 : vector<1x16xi32> to vector<16xi32>
      %swap3A_137 = vector.shape_cast %select_n3A_132 : vector<16xi32> to vector<1x16xi32>
      tpu.vector_store %arg8[%swap3A_133, %swap3A_134], %swap3A_137 {strides = array<i32>} : memref<250x80xi32, #tpu.memory_space<vmem>>, vector<1x16xi32>,
    }
    %scan3A_14 = arith.constant 250 : i32
    %barrier3A = arith.constant 0 : index
    tpu.barrier barrier_id(%barrier3A)
    %dma_start3A = arith.constant 0 : i32
    %dma_start3A_15 = arith.constant 0 : i32
    %dma_start3A_16 = tpu.memref_slice %arg7[%dma_start3A, %dma_start3A_15] : memref<250x80xi32, #tpu.memory_space<vmem>> -> memref<1x80xi32, #tpu.memory_space<vmem>>
    %dma_start3A_17 = tpu.memref_squeeze %dma_start3A_16 : memref<1x80xi32, #tpu.memory_space<vmem>> -> memref<80xi32, #tpu.memory_space<vmem>>
    %dma_start3A_18 = arith.constant 0 : i32
    %dma_start3A_19 = arith.constant 0 : i32
    %dma_start3A_20 = tpu.memref_slice %arg4[%dma_start3A_18, %dma_start3A_19] : memref<10000x128xf32, #tpu.memory_space<hbm>> -> memref<10000x128xf32, #tpu.memory_space<hbm>>
    tpu.enqueue_indirect_dma source(%dma_start3A_20 : memref<10000x128xf32, #tpu.memory_space<hbm>>) target(%arg9 : memref<80x128xf32, #tpu.memory_space<vmem>>) offsets(%dma_start3A_17 : memref<80xi32, #tpu.memory_space<vmem>>) semaphore(%arg12 : memref<!tpu.dma_semaphore, #tpu.memory_space<semaphore_mem>>)
    %scan3A_21 = arith.constant 0 : i32
    %scan3A_22 = arith.constant 0 : i32
    %scan3A_23 = arith.constant 125 : i32
    %scan3A_24 = arith.addi %scan3A_22, %scan3A_23 : i32
    %scan3A_25 = arith.constant 1 : i32
    scf.for %scan3A_44 = %scan3A_22 to %scan3A_24 step %scan3A_25  : i32 {
      %mul3A_45 = arith.constant 2 : i32
      %mul3A_46 = arith.muli %mul3A_45, %scan3A_44 : i32
      %add3A_47 = arith.constant 1 : i32
      %add3A_48 = arith.addi %mul3A_46, %add3A_47 : i32
      %dma_start3A_49 = arith.constant 0 : i32
      %dma_start3A_50 = tpu.memref_slice %arg7[%add3A_48, %dma_start3A_49] : memref<250x80xi32, #tpu.memory_space<vmem>> -> memref<1x80xi32, #tpu.memory_space<vmem>>
      %dma_start3A_51 = tpu.memref_squeeze %dma_start3A_50 : memref<1x80xi32, #tpu.memory_space<vmem>> -> memref<80xi32, #tpu.memory_space<vmem>>
      %dma_start3A_52 = arith.constant 0 : i32
      %dma_start3A_53 = arith.constant 0 : i32
      %dma_start3A_54 = tpu.memref_slice %arg4[%dma_start3A_52, %dma_start3A_53] : memref<10000x128xf32, #tpu.memory_space<hbm>> -> memref<10000x128xf32, #tpu.memory_space<hbm>>
      tpu.enqueue_indirect_dma source(%dma_start3A_54 : memref<10000x128xf32, #tpu.memory_space<hbm>>) target(%arg10 : memref<80x128xf32, #tpu.memory_space<vmem>>) offsets(%dma_start3A_51 : memref<80xi32, #tpu.memory_space<vmem>>) semaphore(%arg13 : memref<!tpu.dma_semaphore, #tpu.memory_space<semaphore_mem>>)
      %dma_wait3A = arith.constant 0 : i32
      %dma_wait3A_55 = tpu.memref_slice %arg7[%mul3A_46, %dma_wait3A] : memref<250x80xi32, #tpu.memory_space<vmem>> -> memref<1x80xi32, #tpu.memory_space<vmem>>
      %dma_wait3A_56 = tpu.memref_squeeze %dma_wait3A_55 : memref<1x80xi32, #tpu.memory_space<vmem>> -> memref<80xi32, #tpu.memory_space<vmem>>
      %dma_wait3A_57 = arith.constant 0 : i32
      %dma_wait3A_58 = arith.constant 0 : i32
      %dma_wait3A_59 = tpu.memref_slice %arg4[%dma_wait3A_57, %dma_wait3A_58] : memref<10000x128xf32, #tpu.memory_space<hbm>> -> memref<10000x128xf32, #tpu.memory_space<hbm>>
      tpu.wait_indirect_dma semaphore(%arg12 : memref<!tpu.dma_semaphore, #tpu.memory_space<semaphore_mem>>) src(%dma_wait3A_59 : memref<10000x128xf32, #tpu.memory_space<hbm>>) dst(%arg9 : memref<80x128xf32, #tpu.memory_space<vmem>>)
      "tpu.region"() ({
        %run_scoped3A = tpu.sem_alloc : memref<!tpu.dma_semaphore, #tpu.memory_space<semaphore_mem>>
        %dma_start3A_77 = arith.constant 0 : i32
        %dma_start3A_78 = tpu.memref_slice %arg8[%mul3A_46, %dma_start3A_77] : memref<250x80xi32, #tpu.memory_space<vmem>> -> memref<1x80xi32, #tpu.memory_space<vmem>>
        %dma_start3A_79 = tpu.memref_squeeze %dma_start3A_78 : memref<1x80xi32, #tpu.memory_space<vmem>> -> memref<80xi32, #tpu.memory_space<vmem>>
        %dma_start3A_80 = arith.constant 0 : i32
        %dma_start3A_81 = arith.constant 0 : i32
        %dma_start3A_82 = tpu.memref_slice %arg11[%dma_start3A_80, %dma_start3A_81] : memref<5016x128xf32, #tpu.memory_space<vmem_shared>> -> memref<5016x128xf32, #tpu.memory_space<vmem_shared>>
        tpu.enqueue_indirect_dma source(%arg9 : memref<80x128xf32, #tpu.memory_space<vmem>>) target(%dma_start3A_82 : memref<5016x128xf32, #tpu.memory_space<vmem_shared>>) offsets(%dma_start3A_79 : memref<80xi32, #tpu.memory_space<vmem>>) semaphore(%run_scoped3A : memref<!tpu.dma_semaphore, #tpu.memory_space<semaphore_mem>>) {add = true}
        %dma_wait3A_83 = arith.constant 0 : i32
        %dma_wait3A_84 = tpu.memref_slice %arg8[%mul3A_46, %dma_wait3A_83] : memref<250x80xi32, #tpu.memory_space<vmem>> -> memref<1x80xi32, #tpu.memory_space<vmem>>
        %dma_wait3A_85 = tpu.memref_squeeze %dma_wait3A_84 : memref<1x80xi32, #tpu.memory_space<vmem>> -> memref<80xi32, #tpu.memory_space<vmem>>
        %dma_wait3A_86 = arith.constant 0 : i32
        %dma_wait3A_87 = arith.constant 0 : i32
        %dma_wait3A_88 = tpu.memref_slice %arg11[%dma_wait3A_86, %dma_wait3A_87] : memref<5016x128xf32, #tpu.memory_space<vmem_shared>> -> memref<5016x128xf32, #tpu.memory_space<vmem_shared>>
        tpu.wait_indirect_dma semaphore(%run_scoped3A : memref<!tpu.dma_semaphore, #tpu.memory_space<semaphore_mem>>) src(%arg9 : memref<80x128xf32, #tpu.memory_space<vmem>>) dst(%dma_wait3A_88 : memref<5016x128xf32, #tpu.memory_space<vmem_shared>>)
        tpu.yield
      }) : () -> ()
      %add3A_60 = arith.constant 2 : i32
      %add3A_61 = arith.addi %mul3A_46, %add3A_60 : i32
      %lt3A_62 = arith.constant 250 : i32
      %lt3A_63 = arith.cmpi slt, %add3A_61, %lt3A_62 : i32
      %convert_element_type3A_64 = arith.extui %lt3A_63 : i1 to i32
      %cond3A_65 = arith.constant 0 : i32
      %cond3A_66 = arith.cmpi ne, %convert_element_type3A_64, %cond3A_65 : i32
      scf.if %cond3A_66 {
        %add3A_77 = arith.constant 2 : i32
        %add3A_78 = arith.addi %mul3A_46, %add3A_77 : i32
        %dma_start3A_79 = arith.constant 0 : i32
        %dma_start3A_80 = tpu.memref_slice %arg7[%add3A_78, %dma_start3A_79] : memref<250x80xi32, #tpu.memory_space<vmem>> -> memref<1x80xi32, #tpu.memory_space<vmem>>
        %dma_start3A_81 = tpu.memref_squeeze %dma_start3A_80 : memref<1x80xi32, #tpu.memory_space<vmem>> -> memref<80xi32, #tpu.memory_space<vmem>>
        %dma_start3A_82 = arith.constant 0 : i32
        %dma_start3A_83 = arith.constant 0 : i32
        %dma_start3A_84 = tpu.memref_slice %arg4[%dma_start3A_82, %dma_start3A_83] : memref<10000x128xf32, #tpu.memory_space<hbm>> -> memref<10000x128xf32, #tpu.memory_space<hbm>>
        tpu.enqueue_indirect_dma source(%dma_start3A_84 : memref<10000x128xf32, #tpu.memory_space<hbm>>) target(%arg9 : memref<80x128xf32, #tpu.memory_space<vmem>>) offsets(%dma_start3A_81 : memref<80xi32, #tpu.memory_space<vmem>>) semaphore(%arg12 : memref<!tpu.dma_semaphore, #tpu.memory_space<semaphore_mem>>)
      } else {
      }
      %add3A_67 = arith.constant 1 : i32
      %add3A_68 = arith.addi %mul3A_46, %add3A_67 : i32
      %dma_wait3A_69 = arith.constant 0 : i32
      %dma_wait3A_70 = tpu.memref_slice %arg7[%add3A_68, %dma_wait3A_69] : memref<250x80xi32, #tpu.memory_space<vmem>> -> memref<1x80xi32, #tpu.memory_space<vmem>>
      %dma_wait3A_71 = tpu.memref_squeeze %dma_wait3A_70 : memref<1x80xi32, #tpu.memory_space<vmem>> -> memref<80xi32, #tpu.memory_space<vmem>>
      %dma_wait3A_72 = arith.constant 0 : i32
      %dma_wait3A_73 = arith.constant 0 : i32
      %dma_wait3A_74 = tpu.memref_slice %arg4[%dma_wait3A_72, %dma_wait3A_73] : memref<10000x128xf32, #tpu.memory_space<hbm>> -> memref<10000x128xf32, #tpu.memory_space<hbm>>
      tpu.wait_indirect_dma semaphore(%arg13 : memref<!tpu.dma_semaphore, #tpu.memory_space<semaphore_mem>>) src(%dma_wait3A_74 : memref<10000x128xf32, #tpu.memory_space<hbm>>) dst(%arg10 : memref<80x128xf32, #tpu.memory_space<vmem>>)
      %add3A_75 = arith.constant 1 : i32
      %add3A_76 = arith.addi %mul3A_46, %add3A_75 : i32
      "tpu.region"() ({
        %run_scoped3A = tpu.sem_alloc : memref<!tpu.dma_semaphore, #tpu.memory_space<semaphore_mem>>
        %dma_start3A_77 = arith.constant 0 : i32
        %dma_start3A_78 = tpu.memref_slice %arg8[%add3A_76, %dma_start3A_77] : memref<250x80xi32, #tpu.memory_space<vmem>> -> memref<1x80xi32, #tpu.memory_space<vmem>>
        %dma_start3A_79 = tpu.memref_squeeze %dma_start3A_78 : memref<1x80xi32, #tpu.memory_space<vmem>> -> memref<80xi32, #tpu.memory_space<vmem>>
        %dma_start3A_80 = arith.constant 0 : i32
        %dma_start3A_81 = arith.constant 0 : i32
        %dma_start3A_82 = tpu.memref_slice %arg11[%dma_start3A_80, %dma_start3A_81] : memref<5016x128xf32, #tpu.memory_space<vmem_shared>> -> memref<5016x128xf32, #tpu.memory_space<vmem_shared>>
        tpu.enqueue_indirect_dma source(%arg10 : memref<80x128xf32, #tpu.memory_space<vmem>>) target(%dma_start3A_82 : memref<5016x128xf32, #tpu.memory_space<vmem_shared>>) offsets(%dma_start3A_79 : memref<80xi32, #tpu.memory_space<vmem>>) semaphore(%run_scoped3A : memref<!tpu.dma_semaphore, #tpu.memory_space<semaphore_mem>>) {add = true}
        %dma_wait3A_83 = arith.constant 0 : i32
        %dma_wait3A_84 = tpu.memref_slice %arg8[%add3A_76, %dma_wait3A_83] : memref<250x80xi32, #tpu.memory_space<vmem>> -> memref<1x80xi32, #tpu.memory_space<vmem>>
        %dma_wait3A_85 = tpu.memref_squeeze %dma_wait3A_84 : memref<1x80xi32, #tpu.memory_space<vmem>> -> memref<80xi32, #tpu.memory_space<vmem>>
        %dma_wait3A_86 = arith.constant 0 : i32
        %dma_wait3A_87 = arith.constant 0 : i32
        %dma_wait3A_88 = tpu.memref_slice %arg11[%dma_wait3A_86, %dma_wait3A_87] : memref<5016x128xf32, #tpu.memory_space<vmem_shared>> -> memref<5016x128xf32, #tpu.memory_space<vmem_shared>>
        tpu.wait_indirect_dma semaphore(%run_scoped3A : memref<!tpu.dma_semaphore, #tpu.memory_space<semaphore_mem>>) src(%arg10 : memref<80x128xf32, #tpu.memory_space<vmem>>) dst(%dma_wait3A_88 : memref<5016x128xf32, #tpu.memory_space<vmem_shared>>)
        tpu.yield
      }) : () -> ()
    }
    %scan3A_26 = arith.constant 125 : i32
    %barrier3A_27 = arith.constant 0 : index
    tpu.barrier barrier_id(%barrier3A_27)
    %mul3A_28 = arith.constant 312 : i32
    %mul3A_29 = arith.muli %arg1, %mul3A_28 : i32
    %multiple_of3A_30 = tpu.assume_multiple %mul3A_29, 8 : i32
    %mul3A_31 = arith.constant 5016 : i32
    %mul3A_32 = arith.muli %arg0, %mul3A_31 : i32
    %multiple_of3A_33 = tpu.assume_multiple %mul3A_32, 8 : i32
    %lt3A_34 = arith.constant 15 : i32
    %lt3A_35 = arith.cmpi slt, %arg1, %lt3A_34 : i32
    %convert_element_type3A_36 = arith.extui %lt3A_35 : i1 to i32
    %cond3A_37 = arith.constant 0 : i32
    %cond3A_38 = arith.cmpi ne, %convert_element_type3A_36, %cond3A_37 : i32
    scf.if %cond3A_38 {
      %add3A_44 = arith.addi %multiple_of3A_33, %multiple_of3A_30 : i32
      "tpu.region"() ({
        %run_scoped3A = tpu.sem_alloc : memref<!tpu.dma_semaphore, #tpu.memory_space<semaphore_mem>>
        %dma_start3A_45 = arith.constant 0 : i32
        %dma_start3A_46 = tpu.memref_slice %arg6[%add3A_44, %dma_start3A_45] : memref<10032x128xf32, #tpu.memory_space<hbm>> -> memref<312x128xf32, #tpu.memory_space<hbm>>
        %dma_start3A_47 = arith.constant 0 : i32
        %dma_start3A_48 = tpu.memref_slice %arg11[%multiple_of3A_30, %dma_start3A_47] : memref<5016x128xf32, #tpu.memory_space<vmem_shared>> -> memref<312x128xf32, #tpu.memory_space<vmem_shared>>
        tpu.enqueue_dma source(%dma_start3A_48 : memref<312x128xf32, #tpu.memory_space<vmem_shared>>) target(%dma_start3A_46 : memref<312x128xf32, #tpu.memory_space<hbm>>) target_semaphore(%run_scoped3A : memref<!tpu.dma_semaphore, #tpu.memory_space<semaphore_mem>>)
        %dma_wait3A = arith.constant 0 : i32
        %dma_wait3A_49 = tpu.memref_slice %arg6[%add3A_44, %dma_wait3A] : memref<10032x128xf32, #tpu.memory_space<hbm>> -> memref<312x128xf32, #tpu.memory_space<hbm>>
        %dma_wait3A_50 = arith.constant 0 : i32
        %dma_wait3A_51 = tpu.memref_slice %arg11[%multiple_of3A_30, %dma_wait3A_50] : memref<5016x128xf32, #tpu.memory_space<vmem_shared>> -> memref<312x128xf32, #tpu.memory_space<vmem_shared>>
        tpu.wait_dma2 semaphore(%run_scoped3A : memref<!tpu.dma_semaphore, #tpu.memory_space<semaphore_mem>>) src(%dma_wait3A_51 : memref<312x128xf32, #tpu.memory_space<vmem_shared>>) dst(%dma_wait3A_49 : memref<312x128xf32, #tpu.memory_space<hbm>>)
        tpu.yield
      }) : () -> ()
    } else {
    }
    %eq3A_39 = arith.constant 15 : i32
    %eq3A_40 = arith.cmpi eq, %arg1, %eq3A_39 : i32
    %convert_element_type3A_41 = arith.extui %eq3A_40 : i1 to i32
    %cond3A_42 = arith.constant 0 : i32
    %cond3A_43 = arith.cmpi ne, %convert_element_type3A_41, %cond3A_42 : i32
    scf.if %cond3A_43 {
      %add3A_44 = arith.constant 4680 : i32
      %add3A_45 = arith.addi %multiple_of3A_33, %add3A_44 : i32
      "tpu.region"() ({
        %run_scoped3A = tpu.sem_alloc : memref<!tpu.dma_semaphore, #tpu.memory_space<semaphore_mem>>
        %dma_start3A_46 = arith.constant 0 : i32
        %dma_start3A_47 = tpu.memref_slice %arg6[%add3A_45, %dma_start3A_46] : memref<10032x128xf32, #tpu.memory_space<hbm>> -> memref<320x128xf32, #tpu.memory_space<hbm>>
        %dma_start3A_48 = arith.constant 4680 : i32
        %dma_start3A_49 = arith.constant 0 : i32
        %dma_start3A_50 = tpu.memref_slice %arg11[%dma_start3A_48, %dma_start3A_49] : memref<5016x128xf32, #tpu.memory_space<vmem_shared>> -> memref<320x128xf32, #tpu.memory_space<vmem_shared>>
        tpu.enqueue_dma source(%dma_start3A_50 : memref<320x128xf32, #tpu.memory_space<vmem_shared>>) target(%dma_start3A_47 : memref<320x128xf32, #tpu.memory_space<hbm>>) target_semaphore(%run_scoped3A : memref<!tpu.dma_semaphore, #tpu.memory_space<semaphore_mem>>)
        %dma_wait3A = arith.constant 0 : i32
        %dma_wait3A_51 = tpu.memref_slice %arg6[%add3A_45, %dma_wait3A] : memref<10032x128xf32, #tpu.memory_space<hbm>> -> memref<320x128xf32, #tpu.memory_space<hbm>>
        %dma_wait3A_52 = arith.constant 4680 : i32
        %dma_wait3A_53 = arith.constant 0 : i32
        %dma_wait3A_54 = tpu.memref_slice %arg11[%dma_wait3A_52, %dma_wait3A_53] : memref<5016x128xf32, #tpu.memory_space<vmem_shared>> -> memref<320x128xf32, #tpu.memory_space<vmem_shared>>
        tpu.wait_dma2 semaphore(%run_scoped3A : memref<!tpu.dma_semaphore, #tpu.memory_space<semaphore_mem>>) src(%dma_wait3A_54 : memref<320x128xf32, #tpu.memory_space<vmem_shared>>) dst(%dma_wait3A_51 : memref<320x128xf32, #tpu.memory_space<hbm>>)
        tpu.yield
      }) : () -> ()
    } else {
    }
    return
  }
}

module attributes {stable_mosaic.version = 14 : i64} {
  func.func @body(%arg0: i32, %arg1: memref<1000x1xf32, #tpu.memory_space<vmem>>, %arg2: memref<1000x128xf32, #tpu.memory_space<vmem>>, %arg3: memref<1000x128xf32, #tpu.memory_space<vmem>>, %arg4: memref<1000x1xf32, #tpu.memory_space<vmem>>) attributes {dimension_semantics = [#tpu.dimension_semantics<arbitrary>], iteration_bounds = array<i64: 10>, scalar_prefetch = 0 : i64, scratch_operands = 0 : i64, tpu.core_type = #tpu.core_type<tc>, window_params = [{transform_indices = @transform_0, window_bounds = array<i64: 1000, 1>}, {transform_indices = @transform_1, window_bounds = array<i64: 1000, 128>}, {transform_indices = @transform_2, window_bounds = array<i64: 1000, 128>}, {transform_indices = @transform_3, window_bounds = array<i64: 1000, 1>}]} {
    %get3A = arith.constant 0 : index
    %get3A_0 = arith.constant 0 : index
    %get3A_1 = vector.load %arg1[%get3A, %get3A_0] : memref<1000x1xf32, #tpu.memory_space<vmem>>, vector<1000x1xf32>
    %add3A = arith.constant 1.000000e+00 : f32
    %add3A_2 = vector.broadcast %add3A : f32 to vector<1000x1xf32>
    %add3A_3 = arith.addf %get3A_1, %add3A_2 : vector<1000x1xf32>
    %rsqrt3A = math.rsqrt %add3A_3 : vector<1000x1xf32>
    %swap3A = arith.constant 0 : index
    %swap3A_4 = arith.constant 0 : index
    %swap3A_5 = vector.load %arg4[%swap3A, %swap3A_4] : memref<1000x1xf32, #tpu.memory_space<vmem>>, vector<1000x1xf32>
    tpu.vector_store %arg4[%swap3A, %swap3A_4], %rsqrt3A {strides = array<i32>} : memref<1000x1xf32, #tpu.memory_space<vmem>>, vector<1000x1xf32>,
    %get3A_6 = arith.constant 0 : index
    %get3A_7 = arith.constant 0 : index
    %get3A_8 = vector.load %arg2[%get3A_6, %get3A_7] : memref<1000x128xf32, #tpu.memory_space<vmem>>, vector<1000x128xf32>
    %mul3A = vector.broadcast %rsqrt3A : vector<1000x1xf32> to vector<1000x128xf32>
    %mul3A_9 = arith.mulf %get3A_8, %mul3A : vector<1000x128xf32>
    %swap3A_10 = arith.constant 0 : index
    %swap3A_11 = arith.constant 0 : index
    %swap3A_12 = vector.load %arg3[%swap3A_10, %swap3A_11] : memref<1000x128xf32, #tpu.memory_space<vmem>>, vector<1000x128xf32>
    tpu.vector_store %arg3[%swap3A_10, %swap3A_11], %mul3A_9 {strides = array<i32>} : memref<1000x128xf32, #tpu.memory_space<vmem>>, vector<1000x128xf32>,
    return
  }
  func.func @transform_0(%arg0: i32) -> (i32, i32) {
    %c0_i32 = arith.constant 0 : i32
    %c0_i32_0 = arith.constant 0 : i32
    return %arg0, %c0_i32 : i32, i32
  }
  func.func @transform_1(%arg0: i32) -> (i32, i32) {
    %c0_i32 = arith.constant 0 : i32
    %c0_i32_0 = arith.constant 0 : i32
    return %arg0, %c0_i32 : i32, i32
  }
  func.func @transform_2(%arg0: i32) -> (i32, i32) {
    %c0_i32 = arith.constant 0 : i32
    %c0_i32_0 = arith.constant 0 : i32
    return %arg0, %c0_i32 : i32, i32
  }
  func.func @transform_3(%arg0: i32) -> (i32, i32) {
    %c0_i32 = arith.constant 0 : i32
    %c0_i32_0 = arith.constant 0 : i32
    return %arg0, %c0_i32 : i32, i32
  }
}

module attributes {stable_mosaic.version = 14 : i64} {
  func.func @body(%arg0: i32, %arg1: memref<1000x128xf32, #tpu.memory_space<vmem>>, %arg2: memref<1000x128xf32, #tpu.memory_space<vmem>>, %arg3: memref<1000x1xf32, #tpu.memory_space<vmem>>, %arg4: memref<128x300xf32, #tpu.memory_space<vmem>>, %arg5: memref<1x300xf32, #tpu.memory_space<vmem>>, %arg6: memref<300x100xf32, #tpu.memory_space<vmem>>, %arg7: memref<1000x128xf32, #tpu.memory_space<vmem>>) attributes {dimension_semantics = [#tpu.dimension_semantics<arbitrary>], iteration_bounds = array<i64: 10>, scalar_prefetch = 0 : i64, scratch_operands = 0 : i64, tpu.core_type = #tpu.core_type<tc>, window_params = [{transform_indices = @transform_0, window_bounds = array<i64: 1000, 128>}, {transform_indices = @transform_1, window_bounds = array<i64: 1000, 128>}, {transform_indices = @transform_2, window_bounds = array<i64: 1000, 1>}, {pipeline_mode = #tpu.pipeline_mode<synchronous>, transform_indices = @transform_3, window_bounds = array<i64: 128, 300>}, {pipeline_mode = #tpu.pipeline_mode<synchronous>, transform_indices = @transform_4, window_bounds = array<i64: 1, 300>}, {pipeline_mode = #tpu.pipeline_mode<synchronous>, transform_indices = @transform_5, window_bounds = array<i64: 300, 100>}, {transform_indices = @transform_6, window_bounds = array<i64: 1000, 128>}]} {
    %get3A = arith.constant 0 : index
    %get3A_0 = arith.constant 0 : index
    %get3A_1 = vector.load %arg1[%get3A, %get3A_0] : memref<1000x128xf32, #tpu.memory_space<vmem>>, vector<1000x128xf32>
    %get3A_2 = arith.constant 0 : index
    %get3A_3 = arith.constant 0 : index
    %get3A_4 = vector.load %arg2[%get3A_2, %get3A_3] : memref<1000x128xf32, #tpu.memory_space<vmem>>, vector<1000x128xf32>
    %add3A = arith.addf %get3A_1, %get3A_4 : vector<1000x128xf32>
    %get3A_5 = arith.constant 0 : index
    %get3A_6 = arith.constant 0 : index
    %get3A_7 = vector.load %arg3[%get3A_5, %get3A_6] : memref<1000x1xf32, #tpu.memory_space<vmem>>, vector<1000x1xf32>
    %mul3A = vector.broadcast %get3A_7 : vector<1000x1xf32> to vector<1000x128xf32>
    %mul3A_8 = arith.mulf %add3A, %mul3A : vector<1000x128xf32>
    %get3A_9 = arith.constant 0 : index
    %get3A_10 = arith.constant 0 : index
    %get3A_11 = vector.load %arg4[%get3A_9, %get3A_10] : memref<128x300xf32, #tpu.memory_space<vmem>>, vector<128x300xf32>
    %dot_general3A = arith.constant dense<0.000000e+00> : vector<1000x300xf32>
    %dot_general3A_12 = tpu.matmul %mul3A_8, %get3A_11, %dot_general3A {dimension_numbers = #tpu.dot_dimension_numbers<[1], [0], [0], [1], [0, 0, 1, 1], [], []>, transpose_lhs_hint = false} : vector<1000x128xf32>, vector<128x300xf32>, vector<1000x300xf32> -> vector<1000x300xf32>
    %get3A_13 = arith.constant 0 : index
    %get3A_14 = arith.constant 0 : index
    %get3A_15 = vector.load %arg5[%get3A_13, %get3A_14] : memref<1x300xf32, #tpu.memory_space<vmem>>, vector<1x300xf32>
    %add3A_16 = vector.broadcast %get3A_15 : vector<1x300xf32> to vector<1000x300xf32>
    %add3A_17 = arith.addf %dot_general3A_12, %add3A_16 : vector<1000x300xf32>
    %max3A = arith.constant 0.000000e+00 : f32
    %max3A_18 = vector.broadcast %max3A : f32 to vector<1000x300xf32>
    %max3A_19 = arith.maximumf %add3A_17, %max3A_18 : vector<1000x300xf32>
    %get3A_20 = arith.constant 0 : index
    %get3A_21 = arith.constant 0 : index
    %get3A_22 = vector.load %arg6[%get3A_20, %get3A_21] : memref<300x100xf32, #tpu.memory_space<vmem>>, vector<300x100xf32>
    %dot_general3A_23 = arith.constant dense<0.000000e+00> : vector<1000x100xf32>
    %dot_general3A_24 = tpu.matmul %max3A_19, %get3A_22, %dot_general3A_23 {dimension_numbers = #tpu.dot_dimension_numbers<[1], [0], [0], [1], [0, 0, 1, 1], [], []>, transpose_lhs_hint = false} : vector<1000x300xf32>, vector<300x100xf32>, vector<1000x100xf32> -> vector<1000x100xf32>
    %get3A_25 = arith.constant 0 : index
    %get3A_26 = arith.constant 0 : index
    %get3A_27 = vector.load %arg3[%get3A_25, %get3A_26] : memref<1000x1xf32, #tpu.memory_space<vmem>>, vector<1000x1xf32>
    %mul3A_28 = vector.broadcast %get3A_27 : vector<1000x1xf32> to vector<1000x100xf32>
    %mul3A_29 = arith.mulf %dot_general3A_24, %mul3A_28 : vector<1000x100xf32>
    %broadcast_in_dim3A = arith.constant 0.000000e+00 : f32
    %broadcast_in_dim3A_30 = vector.broadcast %broadcast_in_dim3A : f32 to vector<1000x28xf32>
    %concatenate3A = tpu.concatenate %mul3A_29, %broadcast_in_dim3A_30 in 1 : vector<1000x100xf32>, vector<1000x28xf32> -> vector<1000x128xf32>
    %swap3A = arith.constant 0 : index
    %swap3A_31 = arith.constant 0 : index
    %swap3A_32 = vector.load %arg7[%swap3A, %swap3A_31] : memref<1000x128xf32, #tpu.memory_space<vmem>>, vector<1000x128xf32>
    tpu.vector_store %arg7[%swap3A, %swap3A_31], %concatenate3A {strides = array<i32>} : memref<1000x128xf32, #tpu.memory_space<vmem>>, vector<1000x128xf32>,
    return
  }
  func.func @transform_0(%arg0: i32) -> (i32, i32) {
    %c0_i32 = arith.constant 0 : i32
    %c0_i32_0 = arith.constant 0 : i32
    return %arg0, %c0_i32 : i32, i32
  }
  func.func @transform_1(%arg0: i32) -> (i32, i32) {
    %c0_i32 = arith.constant 0 : i32
    %c0_i32_0 = arith.constant 0 : i32
    return %arg0, %c0_i32 : i32, i32
  }
  func.func @transform_2(%arg0: i32) -> (i32, i32) {
    %c0_i32 = arith.constant 0 : i32
    %c0_i32_0 = arith.constant 0 : i32
    return %arg0, %c0_i32 : i32, i32
  }
  func.func @transform_3(%arg0: i32) -> (i32, i32) {
    %c0_i32 = arith.constant 0 : i32
    %c0_i32_0 = arith.constant 0 : i32
    %c0_i32_1 = arith.constant 0 : i32
    return %c0_i32, %c0_i32_0 : i32, i32
  }
  func.func @transform_4(%arg0: i32) -> (i32, i32) {
    %c0_i32 = arith.constant 0 : i32
    %c0_i32_0 = arith.constant 0 : i32
    %c0_i32_1 = arith.constant 0 : i32
    return %c0_i32, %c0_i32_0 : i32, i32
  }
  func.func @transform_5(%arg0: i32) -> (i32, i32) {
    %c0_i32 = arith.constant 0 : i32
    %c0_i32_0 = arith.constant 0 : i32
    %c0_i32_1 = arith.constant 0 : i32
    return %c0_i32, %c0_i32_0 : i32, i32
  }
  func.func @transform_6(%arg0: i32) -> (i32, i32) {
    %c0_i32 = arith.constant 0 : i32
    %c0_i32_0 = arith.constant 0 : i32
    return %arg0, %c0_i32 : i32, i32
  }
}

module attributes {stable_mosaic.version = 14 : i64} {
  func.func @body(%arg0: i32, %arg1: memref<1000x128xf32, #tpu.memory_space<vmem>>, %arg2: memref<1000x128xf32, #tpu.memory_space<vmem>>, %arg3: memref<1000x1xf32, #tpu.memory_space<vmem>>, %arg4: memref<1x128xf32, #tpu.memory_space<vmem>>, %arg5: memref<128x64xf32, #tpu.memory_space<vmem>>, %arg6: memref<1000x128xf32, #tpu.memory_space<vmem>>) attributes {dimension_semantics = [#tpu.dimension_semantics<arbitrary>], iteration_bounds = array<i64: 10>, scalar_prefetch = 0 : i64, scratch_operands = 0 : i64, tpu.core_type = #tpu.core_type<tc>, window_params = [{transform_indices = @transform_0, window_bounds = array<i64: 1000, 128>}, {transform_indices = @transform_1, window_bounds = array<i64: 1000, 128>}, {transform_indices = @transform_2, window_bounds = array<i64: 1000, 1>}, {pipeline_mode = #tpu.pipeline_mode<synchronous>, transform_indices = @transform_3, window_bounds = array<i64: 1, 128>}, {pipeline_mode = #tpu.pipeline_mode<synchronous>, transform_indices = @transform_4, window_bounds = array<i64: 128, 64>}, {transform_indices = @transform_5, window_bounds = array<i64: 1000, 128>}]} {
    %get3A = arith.constant 0 : index
    %get3A_0 = arith.constant 0 : index
    %get3A_1 = vector.load %arg1[%get3A, %get3A_0] : memref<1000x128xf32, #tpu.memory_space<vmem>>, vector<1000x128xf32>
    %get3A_2 = arith.constant 0 : index
    %get3A_3 = arith.constant 0 : index
    %get3A_4 = vector.load %arg2[%get3A_2, %get3A_3] : memref<1000x128xf32, #tpu.memory_space<vmem>>, vector<1000x128xf32>
    %add3A = arith.addf %get3A_1, %get3A_4 : vector<1000x128xf32>
    %get3A_5 = arith.constant 0 : index
    %get3A_6 = arith.constant 0 : index
    %get3A_7 = vector.load %arg3[%get3A_5, %get3A_6] : memref<1000x1xf32, #tpu.memory_space<vmem>>, vector<1000x1xf32>
    %mul3A = vector.broadcast %get3A_7 : vector<1000x1xf32> to vector<1000x128xf32>
    %mul3A_8 = arith.mulf %add3A, %mul3A : vector<1000x128xf32>
    %get3A_9 = arith.constant 0 : index
    %get3A_10 = arith.constant 0 : index
    %get3A_11 = vector.load %arg4[%get3A_9, %get3A_10] : memref<1x128xf32, #tpu.memory_space<vmem>>, vector<1x128xf32>
    %add3A_12 = vector.broadcast %get3A_11 : vector<1x128xf32> to vector<1000x128xf32>
    %add3A_13 = arith.addf %mul3A_8, %add3A_12 : vector<1000x128xf32>
    %max3A = arith.constant 0.000000e+00 : f32
    %max3A_14 = vector.broadcast %max3A : f32 to vector<1000x128xf32>
    %max3A_15 = arith.maximumf %add3A_13, %max3A_14 : vector<1000x128xf32>
    %get3A_16 = arith.constant 0 : index
    %get3A_17 = arith.constant 0 : index
    %get3A_18 = vector.load %arg5[%get3A_16, %get3A_17] : memref<128x64xf32, #tpu.memory_space<vmem>>, vector<128x64xf32>
    %dot_general3A = arith.constant dense<0.000000e+00> : vector<1000x64xf32>
    %dot_general3A_19 = tpu.matmul %max3A_15, %get3A_18, %dot_general3A {dimension_numbers = #tpu.dot_dimension_numbers<[1], [0], [0], [1], [0, 0, 1, 1], [], []>, transpose_lhs_hint = false} : vector<1000x128xf32>, vector<128x64xf32>, vector<1000x64xf32> -> vector<1000x64xf32>
    %get3A_20 = arith.constant 0 : index
    %get3A_21 = arith.constant 0 : index
    %get3A_22 = vector.load %arg3[%get3A_20, %get3A_21] : memref<1000x1xf32, #tpu.memory_space<vmem>>, vector<1000x1xf32>
    %mul3A_23 = vector.broadcast %get3A_22 : vector<1000x1xf32> to vector<1000x64xf32>
    %mul3A_24 = arith.mulf %dot_general3A_19, %mul3A_23 : vector<1000x64xf32>
    %broadcast_in_dim3A = arith.constant 0.000000e+00 : f32
    %broadcast_in_dim3A_25 = vector.broadcast %broadcast_in_dim3A : f32 to vector<1000x64xf32>
    %concatenate3A = tpu.concatenate %mul3A_24, %broadcast_in_dim3A_25 in 1 : vector<1000x64xf32>, vector<1000x64xf32> -> vector<1000x128xf32>
    %swap3A = arith.constant 0 : index
    %swap3A_26 = arith.constant 0 : index
    %swap3A_27 = vector.load %arg6[%swap3A, %swap3A_26] : memref<1000x128xf32, #tpu.memory_space<vmem>>, vector<1000x128xf32>
    tpu.vector_store %arg6[%swap3A, %swap3A_26], %concatenate3A {strides = array<i32>} : memref<1000x128xf32, #tpu.memory_space<vmem>>, vector<1000x128xf32>,
    return
  }
  func.func @transform_0(%arg0: i32) -> (i32, i32) {
    %c0_i32 = arith.constant 0 : i32
    %c0_i32_0 = arith.constant 0 : i32
    return %arg0, %c0_i32 : i32, i32
  }
  func.func @transform_1(%arg0: i32) -> (i32, i32) {
    %c0_i32 = arith.constant 0 : i32
    %c0_i32_0 = arith.constant 0 : i32
    return %arg0, %c0_i32 : i32, i32
  }
  func.func @transform_2(%arg0: i32) -> (i32, i32) {
    %c0_i32 = arith.constant 0 : i32
    %c0_i32_0 = arith.constant 0 : i32
    return %arg0, %c0_i32 : i32, i32
  }
  func.func @transform_3(%arg0: i32) -> (i32, i32) {
    %c0_i32 = arith.constant 0 : i32
    %c0_i32_0 = arith.constant 0 : i32
    %c0_i32_1 = arith.constant 0 : i32
    return %c0_i32, %c0_i32_0 : i32, i32
  }
  func.func @transform_4(%arg0: i32) -> (i32, i32) {
    %c0_i32 = arith.constant 0 : i32
    %c0_i32_0 = arith.constant 0 : i32
    %c0_i32_1 = arith.constant 0 : i32
    return %c0_i32, %c0_i32_0 : i32, i32
  }
  func.func @transform_5(%arg0: i32) -> (i32, i32) {
    %c0_i32 = arith.constant 0 : i32
    %c0_i32_0 = arith.constant 0 : i32
    return %arg0, %c0_i32 : i32, i32
  }
}

module attributes {stable_mosaic.version = 14 : i64} {
  func.func @body(%arg0: i32, %arg1: memref<1000x128xf32, #tpu.memory_space<vmem>>, %arg2: memref<1000x128xf32, #tpu.memory_space<vmem>>, %arg3: memref<1000x1xf32, #tpu.memory_space<vmem>>, %arg4: memref<1x128xf32, #tpu.memory_space<vmem>>, %arg5: memref<128x16xf32, #tpu.memory_space<vmem>>, %arg6: memref<1x16xf32, #tpu.memory_space<vmem>>, %arg7: memref<16x1xf32, #tpu.memory_space<vmem>>, %arg8: memref<1x1xf32, #tpu.memory_space<vmem>>, %arg9: memref<1000x1xf32, #tpu.memory_space<vmem>>) attributes {dimension_semantics = [#tpu.dimension_semantics<arbitrary>], iteration_bounds = array<i64: 10>, scalar_prefetch = 0 : i64, scratch_operands = 0 : i64, tpu.core_type = #tpu.core_type<tc>, window_params = [{transform_indices = @transform_0, window_bounds = array<i64: 1000, 128>}, {transform_indices = @transform_1, window_bounds = array<i64: 1000, 128>}, {transform_indices = @transform_2, window_bounds = array<i64: 1000, 1>}, {pipeline_mode = #tpu.pipeline_mode<synchronous>, transform_indices = @transform_3, window_bounds = array<i64: 1, 128>}, {pipeline_mode = #tpu.pipeline_mode<synchronous>, transform_indices = @transform_4, window_bounds = array<i64: 128, 16>}, {pipeline_mode = #tpu.pipeline_mode<synchronous>, transform_indices = @transform_5, window_bounds = array<i64: 1, 16>}, {pipeline_mode = #tpu.pipeline_mode<synchronous>, transform_indices = @transform_6, window_bounds = array<i64: 16, 1>}, {pipeline_mode = #tpu.pipeline_mode<synchronous>, transform_indices = @transform_7, window_bounds = array<i64: 1, 1>}, {transform_indices = @transform_8, window_bounds = array<i64: 1000, 1>}]} {
    %get3A = arith.constant 0 : index
    %get3A_0 = arith.constant 0 : index
    %get3A_1 = vector.load %arg1[%get3A, %get3A_0] : memref<1000x128xf32, #tpu.memory_space<vmem>>, vector<1000x128xf32>
    %get3A_2 = arith.constant 0 : index
    %get3A_3 = arith.constant 0 : index
    %get3A_4 = vector.load %arg2[%get3A_2, %get3A_3] : memref<1000x128xf32, #tpu.memory_space<vmem>>, vector<1000x128xf32>
    %add3A = arith.addf %get3A_1, %get3A_4 : vector<1000x128xf32>
    %get3A_5 = arith.constant 0 : index
    %get3A_6 = arith.constant 0 : index
    %get3A_7 = vector.load %arg3[%get3A_5, %get3A_6] : memref<1000x1xf32, #tpu.memory_space<vmem>>, vector<1000x1xf32>
    %mul3A = vector.broadcast %get3A_7 : vector<1000x1xf32> to vector<1000x128xf32>
    %mul3A_8 = arith.mulf %add3A, %mul3A : vector<1000x128xf32>
    %get3A_9 = arith.constant 0 : index
    %get3A_10 = arith.constant 0 : index
    %get3A_11 = vector.load %arg4[%get3A_9, %get3A_10] : memref<1x128xf32, #tpu.memory_space<vmem>>, vector<1x128xf32>
    %add3A_12 = vector.broadcast %get3A_11 : vector<1x128xf32> to vector<1000x128xf32>
    %add3A_13 = arith.addf %mul3A_8, %add3A_12 : vector<1000x128xf32>
    %max3A = arith.constant 0.000000e+00 : f32
    %max3A_14 = vector.broadcast %max3A : f32 to vector<1000x128xf32>
    %max3A_15 = arith.maximumf %add3A_13, %max3A_14 : vector<1000x128xf32>
    %get3A_16 = arith.constant 0 : index
    %get3A_17 = arith.constant 0 : index
    %get3A_18 = vector.load %arg5[%get3A_16, %get3A_17] : memref<128x16xf32, #tpu.memory_space<vmem>>, vector<128x16xf32>
    %dot_general3A = arith.constant dense<0.000000e+00> : vector<1000x16xf32>
    %dot_general3A_19 = tpu.matmul %max3A_15, %get3A_18, %dot_general3A {dimension_numbers = #tpu.dot_dimension_numbers<[1], [0], [0], [1], [0, 0, 1, 1], [], []>, transpose_lhs_hint = false} : vector<1000x128xf32>, vector<128x16xf32>, vector<1000x16xf32> -> vector<1000x16xf32>
    %get3A_20 = arith.constant 0 : index
    %get3A_21 = arith.constant 0 : index
    %get3A_22 = vector.load %arg6[%get3A_20, %get3A_21] : memref<1x16xf32, #tpu.memory_space<vmem>>, vector<1x16xf32>
    %add3A_23 = vector.broadcast %get3A_22 : vector<1x16xf32> to vector<1000x16xf32>
    %add3A_24 = arith.addf %dot_general3A_19, %add3A_23 : vector<1000x16xf32>
    %get3A_25 = arith.constant 0 : index
    %get3A_26 = arith.constant 0 : index
    %get3A_27 = vector.load %arg7[%get3A_25, %get3A_26] : memref<16x1xf32, #tpu.memory_space<vmem>>, vector<16x1xf32>
    %dot_general3A_28 = arith.constant dense<0.000000e+00> : vector<1000x1xf32>
    %dot_general3A_29 = tpu.matmul %add3A_24, %get3A_27, %dot_general3A_28 {dimension_numbers = #tpu.dot_dimension_numbers<[1], [0], [0], [1], [0, 0, 1, 1], [], []>, transpose_lhs_hint = false} : vector<1000x16xf32>, vector<16x1xf32>, vector<1000x1xf32> -> vector<1000x1xf32>
    %get3A_30 = arith.constant 0 : index
    %get3A_31 = arith.constant 0 : index
    %get3A_32 = vector.load %arg8[%get3A_30, %get3A_31] : memref<1x1xf32, #tpu.memory_space<vmem>>, vector<1x1xf32>
    %add3A_33 = vector.broadcast %get3A_32 : vector<1x1xf32> to vector<1000x1xf32>
    %add3A_34 = arith.addf %dot_general3A_29, %add3A_33 : vector<1000x1xf32>
    %swap3A = arith.constant 0 : index
    %swap3A_35 = arith.constant 0 : index
    %swap3A_36 = vector.load %arg9[%swap3A, %swap3A_35] : memref<1000x1xf32, #tpu.memory_space<vmem>>, vector<1000x1xf32>
    tpu.vector_store %arg9[%swap3A, %swap3A_35], %add3A_34 {strides = array<i32>} : memref<1000x1xf32, #tpu.memory_space<vmem>>, vector<1000x1xf32>,
    return
  }
  func.func @transform_0(%arg0: i32) -> (i32, i32) {
    %c0_i32 = arith.constant 0 : i32
    %c0_i32_0 = arith.constant 0 : i32
    return %arg0, %c0_i32 : i32, i32
  }
  func.func @transform_1(%arg0: i32) -> (i32, i32) {
    %c0_i32 = arith.constant 0 : i32
    %c0_i32_0 = arith.constant 0 : i32
    return %arg0, %c0_i32 : i32, i32
  }
  func.func @transform_2(%arg0: i32) -> (i32, i32) {
    %c0_i32 = arith.constant 0 : i32
    %c0_i32_0 = arith.constant 0 : i32
    return %arg0, %c0_i32 : i32, i32
  }
  func.func @transform_3(%arg0: i32) -> (i32, i32) {
    %c0_i32 = arith.constant 0 : i32
    %c0_i32_0 = arith.constant 0 : i32
    %c0_i32_1 = arith.constant 0 : i32
    return %c0_i32, %c0_i32_0 : i32, i32
  }
  func.func @transform_4(%arg0: i32) -> (i32, i32) {
    %c0_i32 = arith.constant 0 : i32
    %c0_i32_0 = arith.constant 0 : i32
    %c0_i32_1 = arith.constant 0 : i32
    return %c0_i32, %c0_i32_0 : i32, i32
  }
  func.func @transform_5(%arg0: i32) -> (i32, i32) {
    %c0_i32 = arith.constant 0 : i32
    %c0_i32_0 = arith.constant 0 : i32
    %c0_i32_1 = arith.constant 0 : i32
    return %c0_i32, %c0_i32_0 : i32, i32
  }
  func.func @transform_6(%arg0: i32) -> (i32, i32) {
    %c0_i32 = arith.constant 0 : i32
    %c0_i32_0 = arith.constant 0 : i32
    %c0_i32_1 = arith.constant 0 : i32
    return %c0_i32, %c0_i32_0 : i32, i32
  }
  func.func @transform_7(%arg0: i32) -> (i32, i32) {
    %c0_i32 = arith.constant 0 : i32
    %c0_i32_0 = arith.constant 0 : i32
    %c0_i32_1 = arith.constant 0 : i32
    return %c0_i32, %c0_i32_0 : i32, i32
  }
  func.func @transform_8(%arg0: i32) -> (i32, i32) {
    %c0_i32 = arith.constant 0 : i32
    %c0_i32_0 = arith.constant 0 : i32
    return %arg0, %c0_i32 : i32, i32
  }
}

</mosaic_0001>

<sc_bundles>
// kernel: kernel.10.cloned.1.call-start
scs
__scs_entry_jumppad:
0x0: {  	(pc) =	sbr.rel $0x88, $3  }
0x1: {  	(tag) =	ssettag $0x0;
	lr =	simm.s32 $0x1  }
0x2: {  	[smem:$0x3F95] =	sst lr;
	_ =	strace $0xD0000000  }
0x3: {  	_ = 	snop  }
0x4: {  	_ = 	snop  }
0x5: {  	_ = 	snop  }
0x6: {  	_ = 	snop  }
0x7: {  	_ = 	snop  }
__scs_overlays_trampoline_lowered:
0x8: {  	[smem:$0x3FA4] =	sst s0  }
0x9: {  	[smem:$0x3FA5] =	sst s1  }
0xa: {  	[smem:$0x3FA6] =	sst s2  }
0xb: {  	[smem:$0x3FA7] =	sst s3  }
0xc: {  	[smem:$0x3FA8] =	sst s4  }
0xd: {  	[smem:$0x3FA9] =	sst s5  }
0xe: {  	[smem:$0x3FAA] =	sst s6  }
0xf: {  	[smem:$0x3FAB] =	sst s7  }
0x10: {  	[smem:$0x3FAC] =	sst s8  }
0x11: {  	[smem:$0x3FAD] =	sst s9;
	s0 =	simm.s32 @!p0 $0x0  }
0x12: {  	s1 =	sld [smem:$0x3F93];
	s0 =	simm.s32 @p0 $0x1  }
0x13: {  	[smem:$0x3FAE] =	sst s0;
	s0 =	simm.s32 @!p1 $0x0  }
0x14: {  	s2 =	sld [smem:$0x3F92];
	s0 =	simm.s32 @p1 $0x1  }
0x15: {  	[smem:$0x3FAF] =	sst s0;
	s0 =	simm.s32 @!p2 $0x0  }
0x16: {  	s3 =	sld [smem:$0x3FDB];
	s0 =	simm.s32 @p2 $0x1  }
0x17: {  	s4 =	simm.s32 $0x1BF5;
	[smem:$0x3FB1] =	sst s0  }
0x18: {  	s0 =	sld [smem:$0x3F94];
	_ =	swait.ge [sflag:s4], $0x0  }
0x19: {  	s7 =	sld [smem:$0x3F95]  }
0x1a: {  	s8 =	sadd.s32 $0xFFFFE003, lr  }
0x1b: {  	s9 =	sadd.s32 $0xFFFFFEF7, lr;
	s5 =	simm.s32 $0xFFFFFFFF;
	p2 =	slt.u32 s8, $0xFFFFF086  }
0x1c: {  	p1 =	slt.u32 s9, $0xF7A;
	s5 =	simm.s32 @!p2 $0x0  }
0x1d: {  	s5 =	simm.s32 @p1 $0x1;
	p0 =	seq.s32 s7, s2  }
0x1e: {  	s7 =	smul.u32 @!p0 $0xF7A, s2;
	p2 =	seq.s32 @!p0 s5, $0x0  }
0x1f: {  	s9 =	smul.u32 $0xF7A, s1;
	s8 =	simm.s32 @!p0 $0x1BF5;
	p2 =	por !p2, p0  }
0x20: {  	[sflag:s8] =	ssyncset.s32 @!p0 $0xFFFFF086;
	s6 =	sadd.s32 @!p0 s3, s7;
	s7 =	simm.s32 @!p0 $0x108  }
0x21: {  	s3 =	sadd.s32 s3, s9;
	s6 =	sadd.s32 @!p0 $0x88, s6;
	s7 =	simm.s32 @p2 $0x1082  }
0x22: {  	[simem:s7], [sflag:s8] =	dma.local @!p0 [hbm:s6], $0xF7A  }
0x23: {  	s9 =	sor.u32 $0xD0000000, s2;
	s6 =	simm.s32 $0x108;
	_ =	swait.ge @!p0 [sflag:s8], $0x0  }
0x24: {  	s3 =	sadd.s32 $0x88, s3;
	s6 =	simm.s32 @!p1 $0x1082;
	[sflag:s4] =	ssyncset.s32 $0xFFFFF086  }
0x25: {  	[simem:s6], [sflag:s4] =	dma.local [hbm:s3], $0xF7A  }
0x26: {  	[smem:$0x3F95] =	sst s1;
	(tag) =	ssettag s2;
	_ =	strace s9  }
0x27: {  	s1 =	sld [smem:$0x3FA5]  }
0x28: {  	s2 =	sld [smem:$0x3FA6]  }
0x29: {  	s4 =	sld [smem:$0x3FA8]  }
0x2a: {  	p0 =	seq.s32 s5, $0x0;
	s5 =	sld [smem:$0x3FA9]  }
0x2b: {  	s6 =	sld [smem:$0x3FAA]  }
0x2c: {  	s7 =	sld [smem:$0x3FAB]  }
0x2d: {  	s3 =	simm.s32 $0x108;
	s8 =	sld [smem:$0x3FAC]  }
0x2e: {  	s3 =	simm.s32 @!p0 $0x1082;
	s9 =	sld [smem:$0x3FAD]  }
0x2f: {  	lr =	sadd.s32 s0, s3;
	s0 =	sld [smem:$0x3FA4]  }
0x30: {  	s3 =	sld [smem:$0x3FA7]  }
0x31: {  	[smem:$0x3FB0] =	sst s10  }
0x32: {  	s10 =	sld [smem:$0x3FAE];
	_ =	sdelay $0x3  }
0x33: {  	p0 =	seq.s32 s10, $0x1;
	s10 =	sld [smem:$0x3FB0];
	_ =	sdelay $0x3  }
0x34: {  	[smem:$0x3FB0] =	sst s10  }
0x35: {  	s10 =	sld [smem:$0x3FAF];
	_ =	sdelay $0x3  }
0x36: {  	p1 =	seq.s32 s10, $0x1;
	s10 =	sld [smem:$0x3FB0];
	_ =	sdelay $0x3  }
0x37: {  	[smem:$0x3FB0] =	sst s10  }
0x38: {  	s10 =	sld [smem:$0x3FB1]  }
0x39: {  	_ = 	snop;
	(pc) =	sbr.ind lr, $3  }
0x3a: {  	_ = 	snop  }
0x3b: {  	_ = 	snop  }
0x3c: {  	p2 =	seq.s32 s10, $0x1;
	s10 =	sld [smem:$0x3FB0]  }
0x3d: {  	_ =	shalt  }
0x3e: {  	_ =	shalt  }
0x3f: {  	_ =	shalt  }
0x40: {  	_ =	shalt  }
0x41: {  	_ =	shalt  }
0x42: {  	_ =	shalt  }
0x43: {  	_ =	shalt  }
0x44: {  	_ =	shalt  }
0x45: {  	_ =	shalt  }
0x46: {  	_ =	shalt  }
0x47: {  	_ =	shalt  }
0x48: {  	_ =	shalt  }
0x49: {  	_ =	shalt  }
0x4a: {  	_ =	shalt  }
0x4b: {  	_ =	shalt  }
0x4c: {  	_ =	shalt  }
0x4d: {  	_ =	shalt  }
0x4e: {  	_ =	shalt  }
0x4f: {  	_ =	shalt  }
0x50: {  	_ =	shalt  }
0x51: {  	_ =	shalt  }
0x52: {  	_ =	shalt  }
0x53: {  	_ =	shalt  }
0x54: {  	_ =	shalt  }
0x55: {  	_ =	shalt  }
0x56: {  	_ =	shalt  }
0x57: {  	_ =	shalt  }
0x58: {  	_ =	shalt  }
0x59: {  	_ =	shalt  }
0x5a: {  	_ =	shalt  }
0x5b: {  	_ =	shalt  }
0x5c: {  	_ =	shalt  }
0x5d: {  	_ =	shalt  }
0x5e: {  	_ =	shalt  }
0x5f: {  	_ =	shalt  }
0x60: {  	_ =	shalt  }
0x61: {  	_ =	shalt  }
0x62: {  	_ =	shalt  }
0x63: {  	_ =	shalt  }
0x64: {  	_ =	shalt  }
0x65: {  	_ =	shalt  }
0x66: {  	_ =	shalt  }
0x67: {  	_ =	shalt  }
0x68: {  	_ =	shalt  }
0x69: {  	_ =	shalt  }
0x6a: {  	_ =	shalt  }
0x6b: {  	_ =	shalt  }
0x6c: {  	_ =	shalt  }
0x6d: {  	_ =	shalt  }
0x6e: {  	_ =	shalt  }
0x6f: {  	_ =	shalt  }
0x70: {  	_ =	shalt  }
0x71: {  	_ =	shalt  }
0x72: {  	_ =	shalt  }
0x73: {  	_ =	shalt  }
0x74: {  	_ =	shalt  }
0x75: {  	_ =	shalt  }
0x76: {  	_ =	shalt  }
0x77: {  	_ =	shalt  }
0x78: {  	_ =	shalt  }
0x79: {  	_ =	shalt  }
0x7a: {  	_ =	shalt  }
0x7b: {  	_ =	shalt  }
0x7c: {  	_ =	shalt  }
0x7d: {  	_ =	shalt  }
0x7e: {  	_ =	shalt  }
0x7f: {  	_ =	shalt  }
0x80: {  	_ =	shalt  }
0x81: {  	_ =	shalt  }
0x82: {  	_ =	shalt  }
0x83: {  	_ =	shalt  }
0x84: {  	_ =	shalt  }
0x85: {  	_ =	shalt  }
0x86: {  	_ =	shalt  }
0x87: {  	_ =	shalt  }
.Lfunc_end0:
.L_simem_size_0:
called_computation_lowered:
.L_overlay_start_0:
0x88: {  	s2 =	sld [smem:$0x3FD9]  }
0x89: {  	s3 =	sld [smem:$0x3FFE];
	_ =	sdelay $0x1  }
0x8a: {  	s1 =	srdreg.scid  }
0x8b: {  	s0 =	sand.u32 $0x1, s1  }
0x8c: {  	s16 =	sshll.u32 s0, $0xA;
	s2 =	sadd.s32 s3, s2  }
0x8d: {  	s2 =	sadd.s32 s2, s16  }
0x8e: {  	[smem:$0x3FBC] =	sst s2  }
0x8f: {  	_ = 	snop  }
0x90: {  	(tm) =	ssettm $0x1  }
0x91: {  	s17 =	sld [smem:$0x3FFB];
	_ =	sdelay $0x3  }
0x92: {  	_ =	strace s17  }
0x93: {  	s2 =	sld [smem:$0x3FFC];
	_ =	sdelay $0x3  }
0x94: {  	_ =	strace s2  }
0x95: {  	s2 =	sld [smem:$0x3FFD];
	_ =	sdelay $0x3  }
0x96: {  	_ =	strace s2  }
0x97: {  	_ =	strace $0x8FFFFFFF  }
0x98: {  	s18 =	sld [smem:$0x3FDB];
	_ =	sdelay $0x1  }
0x99: {  	s19 =	simm.s32 $_scs_section_size  }
0x9a: {  	s4 =	simm.s32 $_size__tile_overlayer_lowered;
	s5 =	simm.s32 $_tile_overlayer_lowered  }
0x9b: {  	s22 =	simm.s32 $0x1BFF;
	s21 =	sshll.u32 s5, $0x1;
	s2 =	sadd.s32 s19, s18  }
0x9c: {  	s6 =	simm.s32 $0x0;
	s20 =	sshll.u32 s4, $0x1;
	s4 =	sadd.s32 s21, s2  }
0x9d: {  	[timem:s6], [sflag:s22] =	dma.local [hbm:s4], s20  }
0x9e: {  	_ =	swait.ge [sflag:s22], s20  }
0x9f: {  	s3 =	ssub.s32 $0x0, s20;
	[sflag:s22] =	ssyncset.done $0x0  }
0xa0: {  	[sflag:s22] =	ssyncadd.s32 s3;
	_ =	sdelay $0x1  }
0xa1: {  	s23 =	simm.s32 $0x1B8B  }
0xa2: {  	_ =	swait.ge [sflag:s23], $0x1  }
0xa3: {  	[sflag:s23] =	ssyncset.done $0x0  }
0xa4: {  	s25 =	simm.s32 $0x1B8E;
	s24 =	sld [smem:$0x3FFE];
	[sflag:s23] =	ssyncadd.s32 $0xFFFFFFFF  }
0xa5: {  	s26 =	simm.s32 $execute0_lowered;
	[smem:$0x3FD2] =	sst s25  }
0xa6: {  	s4 =	sshll.u32 s26, $0x1;
	_ =	strace $0x80000046;
	[dreg:$0x1] =	wrdreg $0xFFFFFFFF  }
0xa7: {  	s28 =	simm.s32 $_size_execute0_lowered;
	s2 =	sadd.s32 s2, s4;
	[dreg:$0x0] =	wrdreg $0x0  }
0xa8: {  	s4 =	sshll.u32 s28, $0x1;
	[dreg:$0x2] =	wrdreg s2  }
0xa9: {  	[dreg:$0x3] =	wrdreg s4  }
0xaa: {  	[dreg:$0x4] =	wrdreg $0xC0  }
0xab: {  	_ =	task [dreg:s6], $0x5FFFF  }
0xac: {  	[dreg:$0x1] =	wrdreg $0xFFFFFFFF  }
0xad: {  	[dreg:$0x0] =	wrdreg $0x60  }
0xae: {  	[dreg:$0x2] =	wrdreg s24  }
0xaf: {  	[dreg:$0x3] =	wrdreg $0x68000  }
0xb0: {  	[dreg:$0x4] =	wrdreg $0x9  }
0xb1: {  	_ =	task.clear_ibuf [dreg:s6], $0x5FFFF;
	_ =	strace $0x90000046  }
0xb2: {  	s29 =	simm.s32 $0x9;
	_ =	strace $0x80000048  }
0xb3: {  	_ =	swait.ge [sflag:s29], $0x1  }
0xb4: {  	[sflag:s29] =	ssyncadd.s32 $0xFFFFFFFF  }
0xb5: {  	_ =	strace $0x90000048  }
0xb6: {  	_ =	sfence  }
0xb7: {  	s30 =	sld [smem:$0x0];
	_ =	sdelay $0x2  }
0xb8: {  	s31 =	sshll.u32 s1, $0xD;
	s1 =	sshrl.u32 s1, $0x2  }
0xb9: {  	s3 =	sand.u32 $0x4000, s31;
	s1 =	sadd.s32 s1, s30  }
0xba: {  	s0 =	sor.u32 s3, s0;
	s1 =	sshll.u32 s1, $0x11  }
0xbb: {  	s0 =	sor.u32 s1, s0  }
0xbc: {  	s0 =	sadd.s32 $0x8F2B, s0  }
0xbd: {  	[sflag:s0] =	ssyncadd.remote.s32 $0x1  }
0xbe: {  	_ =	sfence.sel $0xFFFF  }
0xbf: {  	[dreg:$0x0] =	wrdreg $0xFFFFFFFF;
	(pc) =	sbr.abs _section_cstart, $3  }
0xc0: {  	[dreg:$0x1] =	wrdreg $0xFFFFFFFF  }
0xc1: {  	_ =	task.clear_ibuf [dreg:s6], $0x2FFFF;
	_ =	strace $0x9FFFFFFF  }
0xc2: {  	(tm) =	ssettm $0x7FFFFFFF  }
0xc3: {  	_ =	shalt  }
tec
execute0_lowered:
.L_overlay_start_1:
0x0: {  	(tag) =	ssettag $0x1  }
0x1: {  	s7 =	rddreg [dreg:$0x0]  }
0x2: {  	s1 =	rddreg [dreg:$0x1]  }
0x3: {  	s0 =	rddreg [dreg:$0x2];
	s3 =	simm.s32 $0x0;
	s2 =	stileid.u32  }
0x4: {  	s4 =	srdreg.scid;
	s17 =	simm.s32 $0x0;
	[smem:$0x7FF] =	sst s3  }
0x5: {  	s5 =	sshll.u32 s2, $0xB;
	s8 =	smul.u32 $0x2700, s2;
	s6 =	sand.u32 $0x1, s4  }
0x6: {  	s4 =	sadd.s32 $0x3BA00, s7;
	s12 =	smul.u32 $0x4E000, s2;
	s14 =	sadd.s32 $0x124800, s1  }
0x7: {  	s13 =	sadd.s32 $0x3C000, s7;
	p0 =	seq.s32 s2, $0xF;
	_ =	strace $0x80000047  }
0x8: {  	s5 =	sadd.s32 s5, s7;
	s9 =	ssub.s32 $0x2, s6;
	s28 =	smul.u32 $0x138800, s6  }
0x9: {  	s25 =	sshll.u32 s6, $0xF;
	s29 =	smul.u32 $0x27100, s6;
	s16 =	sshll.u32 @!p0 s2, $0x6  }
0xa: {  	s10 =	sadd.s32 s8, s7;
	s11 =	sshrl.u32 s9, $0x1;
	s5 =	sadd.s32 s25, s5  }
0xb: {  	s26 =	sshrl.u32 s12, $0x2;
	s7 =	sadd.s32 $0x39100, s7;
	s12 =	simm.s32 $0x4000  }
0xc: {  	s11 =	ssub.s32 s9, s11;
	s5 =	sadd.s32 $0x4800, s5;
	s15 =	sadd.s32 s26, s1  }
0xd: {  	s6 =	sadd.s32 $0x14800, s10;
	s30 =	sshrl.u32 s28, $0x3;
	s8 =	sadd.s32 s8, s29  }
0xe: {  	s31 =	sadd.s32 s13, s30;
	s8 =	sadd.s32 s13, s8;
	s10 =	smax.u32 s11, $0x1  }
0xf: {  	s11 =	simm.s32 $0x1;
	s13 =	sshrl.u32 @p0 s14, $0x3;
	s14 =	sor.u32 @!p0 $0x1C01, s16  }
0x10: {  	s15 =	sshrl.u32 @!p0 s15, $0x3;
	s16 =	simm.s32 $0x50;
	s9 =	sadd.s32 $0x24900, s31  }
.LBB2_1:
0x11: {  	[tilespmem:s3], [sflag:$0x1] =	stream.linear.gather [hbm4b:s5+s3], $0x3E80, $0x38;
	[tilespmem:$0x1A080] =	vst v63  }
0x12: {  	_ =	swait.ge [sflag:s11], $0x3E80  }
0x13: {  	[sflag:s11] =	ssyncset.done $0x0  }
0x14: {  	[sflag:s11] =	ssyncadd.s32 $0xFFFFC180  }
0x15: {  	[tilespmem:s12], [sflag:$0x1] =	stream.linear.gather [hbm4b:s4+s3], $0x2800, $0x38;
	[tilespmem:$0x1A080] =	vst v63  }
0x16: {  	_ =	swait.ge [sflag:s11], $0x2800  }
0x17: {  	[sflag:s11] =	ssyncset.done $0x0  }
0x18: {  	s18 =	simm.s32 @p0 $0x1FC1;
	[sflag:s11] =	ssyncadd.s32 $0xFFFFD800  }
0x19: {  	[spmem:s13], [sflag:s18] =	dma.local @p0 [hbm:s7], $0x2800  }
0x1a: {  	s18 =	simm.s32 @p0 $0x1  }
0x1b: {  	_ =	swait.ge @p0 [sflag:s18], $0x2800  }
0x1c: {  	[sflag:s18] =	ssyncset.done @p0 $0x0  }
0x1d: {  	[sflag:s18] =	ssyncadd.s32 @p0 $0xFFFFD800;
	s18 =	simm.s32 @!p0 $0x1  }
0x1e: {  	[spmem:s15], [sflag:s14] =	dma.local @!p0 [hbm:s6], $0x2700  }
0x1f: {  	_ =	swait.ge @!p0 [sflag:s18], $0x2700  }
0x20: {  	[sflag:s18] =	ssyncset.done @!p0 $0x0  }
0x21: {  	[sflag:s18] =	ssyncadd.s32 @!p0 $0xFFFFD900  }
0x22: {  	s31 =	simm.s32 $0x0;
	[bflag:$0x0] =	sbarrier.arrive $0xFFFF  }
0x23: {  	[spmem:s1] =	stream.indirect.scatter.add.f32 [tilespmem:s12], [sflag:$0x1], $0x80, s31, s16, $0xb8;
	[tilespmem:$0x1A080] =	vst v63  }
0x24: {  	_ =	swait.ge [sflag:s11], $0x2800  }
0x25: {  	s18 =	simm.s32 $0x200;
	[sflag:s11] =	ssyncset.done $0x0  }
.LBB2_2:
0x26: {  	s19 =	sshra.s32 s18, $0x2;
	[sflag:s11] =	ssyncadd.s32 $0xFFFFD800;
	p1 =	sne.s32 s18, $0xF800  }
0x27: {  	[spmem:s1] =	stream.indirect.scatter.add.f32 [tilespmem:s12], [sflag:$0x1], $0x80, s19, s16, $0xb8;
	[tilespmem:$0x1A080] =	vst v63  }
.Ltmp0:
0x28: {  	_ = 	snop;
	(pc) =	sbr.rel @p1 .LBB2_2-.Ltmp0, $4  }
0x29: {  	_ = 	snop  }
0x2a: {  	s18 =	sadd.s32 $0x200, s18  }
0x2b: {  	_ =	swait.ge [sflag:s11], $0x2800  }
0x2c: {  	[sflag:s11] =	ssyncset.done $0x0  }
0x2d: {  	[sflag:s11] =	ssyncadd.s32 $0xFFFFD800  }
0x2e: {  	s18 =	simm.s32 @p0 $0x1FC1;
	[bflag:$0x0] =	sbarrier.arrive $0xFFFF  }
0x2f: {  	[hbm:s9], [sflag:s18] =	dma.local @p0 [spmem:s13], $0x2800  }
0x30: {  	s18 =	simm.s32 @p0 $0x1  }
0x31: {  	s17 =	sadd.s32 $0x1, s17;
	_ =	swait.ge @p0 [sflag:s18], $0x2800  }
0x32: {  	p1 =	sne.s32 s17, s10;
	[sflag:s18] =	ssyncset.done @p0 $0x0  }
.Ltmp1:
0x33: {  	[sflag:s18] =	ssyncadd.s32 @p0 $0xFFFFD800;
	s18 =	simm.s32 @!p0 $0x1;
	(pc) =	sbr.rel @p1 .LBB2_1-.Ltmp1, $4  }
0x34: {  	[hbm:s8], [sflag:s14] =	dma.local @!p0 [spmem:s15], $0x2700  }
0x35: {  	_ =	swait.ge @!p0 [sflag:s18], $0x2700  }
0x36: {  	[sflag:s18] =	ssyncset.done @!p0 $0x0  }
0x37: {  	[sflag:s18] =	ssyncadd.s32 @!p0 $0xFFFFD900  }
0x38: {  	_ =	sfence.sel $0x180000  }
0x39: {  	[bflag:$0x0] =	sbarrier.arrive $0xFFFF  }
0x3a: {  	p0 =	sne.s32 s2, $0x0;
	_ =	strace $0x90000047  }
0x3b: {  	s0 =	sadd.s32 @!p0 $0x100000, s0;
	[bflag:$0x2] =	sbarrier.arrive $0xFFFF  }
0x3c: {  	[sflag:s0] =	ssyncadd.tile.s32 @!p0 $0x1;
	_ =	shalt  }
.Lfunc_end2:
_tile_overlayer_lowered:
.L_overlay_start_2:
0x3d: {  	(tag) =	ssettag $0x2  }
0x3e: {  	s0 =	rddreg [dreg:$0x0];
	s2 =	stileid.u32  }
0x3f: {  	s1 =	rddreg [dreg:$0x1];
	p0 =	sne.s32 s2, $0x0  }
0x40: {  	s3 =	rddreg [dreg:$0x2];
	[bflag:$0x3] =	sbarrier.arrive $0xFFFF;
	s2 =	simm.s32 @!p0 $0x1C01  }
0x41: {  	[timem:s3], [sflag:s2] =	dma.local @!p0 [hbm:s0], s1  }
0x42: {  	s0 =	simm.s32 @!p0 $0x1  }
0x43: {  	_ =	swait.ge @!p0 [sflag:s0], s1  }
0x44: {  	s1 =	ssub.s32 @!p0 $0x0, s1;
	[sflag:s0] =	ssyncset.done @!p0 $0x0  }
0x45: {  	[sflag:s0] =	ssyncadd.s32 @!p0 s1  }
0x46: {  	[bflag:$0x3] =	sbarrier.arrive $0xFFFF  }
0x47: {  	_ =	shalt  }

// kernel: kernel.13.cloned.1.call-start
scs
__scs_entry_jumppad:
0x0: {  	(pc) =	sbr.rel $0x88, $3  }
0x1: {  	(tag) =	ssettag $0x0;
	lr =	simm.s32 $0x1  }
0x2: {  	[smem:$0x3F95] =	sst lr;
	_ =	strace $0xD0000000  }
0x3: {  	_ = 	snop  }
0x4: {  	_ = 	snop  }
0x5: {  	_ = 	snop  }
0x6: {  	_ = 	snop  }
0x7: {  	_ = 	snop  }
__scs_overlays_trampoline_lowered:
0x8: {  	[smem:$0x3FA4] =	sst s0  }
0x9: {  	[smem:$0x3FA5] =	sst s1  }
0xa: {  	[smem:$0x3FA6] =	sst s2  }
0xb: {  	[smem:$0x3FA7] =	sst s3  }
0xc: {  	[smem:$0x3FA8] =	sst s4  }
0xd: {  	[smem:$0x3FA9] =	sst s5  }
0xe: {  	[smem:$0x3FAA] =	sst s6  }
0xf: {  	[smem:$0x3FAB] =	sst s7  }
0x10: {  	[smem:$0x3FAC] =	sst s8  }
0x11: {  	[smem:$0x3FAD] =	sst s9;
	s0 =	simm.s32 @!p0 $0x0  }
0x12: {  	s1 =	sld [smem:$0x3F93];
	s0 =	simm.s32 @p0 $0x1  }
0x13: {  	[smem:$0x3FAE] =	sst s0;
	s0 =	simm.s32 @!p1 $0x0  }
0x14: {  	s2 =	sld [smem:$0x3F92];
	s0 =	simm.s32 @p1 $0x1  }
0x15: {  	[smem:$0x3FAF] =	sst s0;
	s0 =	simm.s32 @!p2 $0x0  }
0x16: {  	s3 =	sld [smem:$0x3FDB];
	s0 =	simm.s32 @p2 $0x1  }
0x17: {  	s4 =	simm.s32 $0x1BF5;
	[smem:$0x3FB1] =	sst s0  }
0x18: {  	s0 =	sld [smem:$0x3F94];
	_ =	swait.ge [sflag:s4], $0x0  }
0x19: {  	s7 =	sld [smem:$0x3F95]  }
0x1a: {  	s8 =	sadd.s32 $0xFFFFE003, lr  }
0x1b: {  	s9 =	sadd.s32 $0xFFFFFEF7, lr;
	s5 =	simm.s32 $0xFFFFFFFF;
	p2 =	slt.u32 s8, $0xFFFFF086  }
0x1c: {  	p1 =	slt.u32 s9, $0xF7A;
	s5 =	simm.s32 @!p2 $0x0  }
0x1d: {  	s5 =	simm.s32 @p1 $0x1;
	p0 =	seq.s32 s7, s2  }
0x1e: {  	s7 =	smul.u32 @!p0 $0xF7A, s2;
	p2 =	seq.s32 @!p0 s5, $0x0  }
0x1f: {  	s9 =	smul.u32 $0xF7A, s1;
	s8 =	simm.s32 @!p0 $0x1BF5;
	p2 =	por !p2, p0  }
0x20: {  	[sflag:s8] =	ssyncset.s32 @!p0 $0xFFFFF086;
	s6 =	sadd.s32 @!p0 s3, s7;
	s7 =	simm.s32 @!p0 $0x108  }
0x21: {  	s3 =	sadd.s32 s3, s9;
	s6 =	sadd.s32 @!p0 $0x88, s6;
	s7 =	simm.s32 @p2 $0x1082  }
0x22: {  	[simem:s7], [sflag:s8] =	dma.local @!p0 [hbm:s6], $0xF7A  }
0x23: {  	s9 =	sor.u32 $0xD0000000, s2;
	s6 =	simm.s32 $0x108;
	_ =	swait.ge @!p0 [sflag:s8], $0x0  }
0x24: {  	s3 =	sadd.s32 $0x88, s3;
	s6 =	simm.s32 @!p1 $0x1082;
	[sflag:s4] =	ssyncset.s32 $0xFFFFF086  }
0x25: {  	[simem:s6], [sflag:s4] =	dma.local [hbm:s3], $0xF7A  }
0x26: {  	[smem:$0x3F95] =	sst s1;
	(tag) =	ssettag s2;
	_ =	strace s9  }
0x27: {  	s1 =	sld [smem:$0x3FA5]  }
0x28: {  	s2 =	sld [smem:$0x3FA6]  }
0x29: {  	s4 =	sld [smem:$0x3FA8]  }
0x2a: {  	p0 =	seq.s32 s5, $0x0;
	s5 =	sld [smem:$0x3FA9]  }
0x2b: {  	s6 =	sld [smem:$0x3FAA]  }
0x2c: {  	s7 =	sld [smem:$0x3FAB]  }
0x2d: {  	s3 =	simm.s32 $0x108;
	s8 =	sld [smem:$0x3FAC]  }
0x2e: {  	s3 =	simm.s32 @!p0 $0x1082;
	s9 =	sld [smem:$0x3FAD]  }
0x2f: {  	lr =	sadd.s32 s0, s3;
	s0 =	sld [smem:$0x3FA4]  }
0x30: {  	s3 =	sld [smem:$0x3FA7]  }
0x31: {  	[smem:$0x3FB0] =	sst s10  }
0x32: {  	s10 =	sld [smem:$0x3FAE];
	_ =	sdelay $0x3  }
0x33: {  	p0 =	seq.s32 s10, $0x1;
	s10 =	sld [smem:$0x3FB0];
	_ =	sdelay $0x3  }
0x34: {  	[smem:$0x3FB0] =	sst s10  }
0x35: {  	s10 =	sld [smem:$0x3FAF];
	_ =	sdelay $0x3  }
0x36: {  	p1 =	seq.s32 s10, $0x1;
	s10 =	sld [smem:$0x3FB0];
	_ =	sdelay $0x3  }
0x37: {  	[smem:$0x3FB0] =	sst s10  }
0x38: {  	s10 =	sld [smem:$0x3FB1]  }
0x39: {  	_ = 	snop;
	(pc) =	sbr.ind lr, $3  }
0x3a: {  	_ = 	snop  }
0x3b: {  	_ = 	snop  }
0x3c: {  	p2 =	seq.s32 s10, $0x1;
	s10 =	sld [smem:$0x3FB0]  }
0x3d: {  	_ =	shalt  }
0x3e: {  	_ =	shalt  }
0x3f: {  	_ =	shalt  }
0x40: {  	_ =	shalt  }
0x41: {  	_ =	shalt  }
0x42: {  	_ =	shalt  }
0x43: {  	_ =	shalt  }
0x44: {  	_ =	shalt  }
0x45: {  	_ =	shalt  }
0x46: {  	_ =	shalt  }
0x47: {  	_ =	shalt  }
0x48: {  	_ =	shalt  }
0x49: {  	_ =	shalt  }
0x4a: {  	_ =	shalt  }
0x4b: {  	_ =	shalt  }
0x4c: {  	_ =	shalt  }
0x4d: {  	_ =	shalt  }
0x4e: {  	_ =	shalt  }
0x4f: {  	_ =	shalt  }
0x50: {  	_ =	shalt  }
0x51: {  	_ =	shalt  }
0x52: {  	_ =	shalt  }
0x53: {  	_ =	shalt  }
0x54: {  	_ =	shalt  }
0x55: {  	_ =	shalt  }
0x56: {  	_ =	shalt  }
0x57: {  	_ =	shalt  }
0x58: {  	_ =	shalt  }
0x59: {  	_ =	shalt  }
0x5a: {  	_ =	shalt  }
0x5b: {  	_ =	shalt  }
0x5c: {  	_ =	shalt  }
0x5d: {  	_ =	shalt  }
0x5e: {  	_ =	shalt  }
0x5f: {  	_ =	shalt  }
0x60: {  	_ =	shalt  }
0x61: {  	_ =	shalt  }
0x62: {  	_ =	shalt  }
0x63: {  	_ =	shalt  }
0x64: {  	_ =	shalt  }
0x65: {  	_ =	shalt  }
0x66: {  	_ =	shalt  }
0x67: {  	_ =	shalt  }
0x68: {  	_ =	shalt  }
0x69: {  	_ =	shalt  }
0x6a: {  	_ =	shalt  }
0x6b: {  	_ =	shalt  }
0x6c: {  	_ =	shalt  }
0x6d: {  	_ =	shalt  }
0x6e: {  	_ =	shalt  }
0x6f: {  	_ =	shalt  }
0x70: {  	_ =	shalt  }
0x71: {  	_ =	shalt  }
0x72: {  	_ =	shalt  }
0x73: {  	_ =	shalt  }
0x74: {  	_ =	shalt  }
0x75: {  	_ =	shalt  }
0x76: {  	_ =	shalt  }
0x77: {  	_ =	shalt  }
0x78: {  	_ =	shalt  }
0x79: {  	_ =	shalt  }
0x7a: {  	_ =	shalt  }
0x7b: {  	_ =	shalt  }
0x7c: {  	_ =	shalt  }
0x7d: {  	_ =	shalt  }
0x7e: {  	_ =	shalt  }
0x7f: {  	_ =	shalt  }
0x80: {  	_ =	shalt  }
0x81: {  	_ =	shalt  }
0x82: {  	_ =	shalt  }
0x83: {  	_ =	shalt  }
0x84: {  	_ =	shalt  }
0x85: {  	_ =	shalt  }
0x86: {  	_ =	shalt  }
0x87: {  	_ =	shalt  }
.Lfunc_end0:
.L_simem_size_0:
called_computation.1_lowered:
.L_overlay_start_0:
0x88: {  	s2 =	sld [smem:$0x3FD9]  }
0x89: {  	s3 =	sld [smem:$0x3FFE];
	_ =	sdelay $0x1  }
0x8a: {  	s1 =	srdreg.scid  }
0x8b: {  	s0 =	sand.u32 $0x1, s1  }
0x8c: {  	s16 =	sshll.u32 s0, $0xA;
	s2 =	sadd.s32 s3, s2  }
0x8d: {  	s2 =	sadd.s32 s2, s16  }
0x8e: {  	[smem:$0x3FBC] =	sst s2  }
0x8f: {  	_ = 	snop  }
0x90: {  	(tm) =	ssettm $0x1  }
0x91: {  	s17 =	sld [smem:$0x3FFB];
	_ =	sdelay $0x3  }
0x92: {  	_ =	strace s17  }
0x93: {  	s2 =	sld [smem:$0x3FFC];
	_ =	sdelay $0x3  }
0x94: {  	_ =	strace s2  }
0x95: {  	s2 =	sld [smem:$0x3FFD];
	_ =	sdelay $0x3  }
0x96: {  	_ =	strace s2  }
0x97: {  	_ =	strace $0x8FFFFFFF  }
0x98: {  	s18 =	sld [smem:$0x3FDB];
	_ =	sdelay $0x1  }
0x99: {  	s19 =	simm.s32 $_scs_section_size  }
0x9a: {  	s4 =	simm.s32 $_size__tile_overlayer_lowered;
	s5 =	simm.s32 $_tile_overlayer_lowered  }
0x9b: {  	s22 =	simm.s32 $0x1BFF;
	s21 =	sshll.u32 s5, $0x1;
	s2 =	sadd.s32 s19, s18  }
0x9c: {  	s6 =	simm.s32 $0x0;
	s20 =	sshll.u32 s4, $0x1;
	s4 =	sadd.s32 s21, s2  }
0x9d: {  	[timem:s6], [sflag:s22] =	dma.local [hbm:s4], s20  }
0x9e: {  	_ =	swait.ge [sflag:s22], s20  }
0x9f: {  	s3 =	ssub.s32 $0x0, s20;
	[sflag:s22] =	ssyncset.done $0x0  }
0xa0: {  	[sflag:s22] =	ssyncadd.s32 s3;
	_ =	sdelay $0x1  }
0xa1: {  	s23 =	simm.s32 $0x1B8B  }
0xa2: {  	_ =	swait.ge [sflag:s23], $0x1  }
0xa3: {  	[sflag:s23] =	ssyncset.done $0x0  }
0xa4: {  	s25 =	simm.s32 $0x1B8E;
	s24 =	sld [smem:$0x3FFE];
	[sflag:s23] =	ssyncadd.s32 $0xFFFFFFFF  }
0xa5: {  	s26 =	simm.s32 $execute0_lowered;
	[smem:$0x3FD2] =	sst s25  }
0xa6: {  	s4 =	sshll.u32 s26, $0x1;
	_ =	strace $0x80000049;
	[dreg:$0x1] =	wrdreg $0xFFFFFFFF  }
0xa7: {  	s28 =	simm.s32 $_size_execute0_lowered;
	s2 =	sadd.s32 s2, s4;
	[dreg:$0x0] =	wrdreg $0x0  }
0xa8: {  	s4 =	sshll.u32 s28, $0x1;
	[dreg:$0x2] =	wrdreg s2  }
0xa9: {  	[dreg:$0x3] =	wrdreg s4  }
0xaa: {  	[dreg:$0x4] =	wrdreg $0xC0  }
0xab: {  	_ =	task [dreg:s6], $0x5FFFF  }
0xac: {  	[dreg:$0x1] =	wrdreg $0xFFFFFFFF  }
0xad: {  	[dreg:$0x0] =	wrdreg $0x60  }
0xae: {  	[dreg:$0x2] =	wrdreg s24  }
0xaf: {  	[dreg:$0x3] =	wrdreg $0x150000  }
0xb0: {  	[dreg:$0x4] =	wrdreg $0x9  }
0xb1: {  	_ =	task.clear_ibuf [dreg:s6], $0x5FFFF;
	_ =	strace $0x90000049  }
0xb2: {  	s29 =	simm.s32 $0x9;
	_ =	strace $0x8000004B  }
0xb3: {  	_ =	swait.ge [sflag:s29], $0x1  }
0xb4: {  	[sflag:s29] =	ssyncadd.s32 $0xFFFFFFFF  }
0xb5: {  	_ =	strace $0x9000004B  }
0xb6: {  	_ =	sfence  }
0xb7: {  	s30 =	sld [smem:$0x0];
	_ =	sdelay $0x2  }
0xb8: {  	s31 =	sshll.u32 s1, $0xD;
	s1 =	sshrl.u32 s1, $0x2  }
0xb9: {  	s3 =	sand.u32 $0x4000, s31;
	s1 =	sadd.s32 s1, s30  }
0xba: {  	s0 =	sor.u32 s3, s0;
	s1 =	sshll.u32 s1, $0x11  }
0xbb: {  	s0 =	sor.u32 s1, s0  }
0xbc: {  	s0 =	sadd.s32 $0x8F2B, s0  }
0xbd: {  	[sflag:s0] =	ssyncadd.remote.s32 $0x1  }
0xbe: {  	_ =	sfence.sel $0xFFFF  }
0xbf: {  	[dreg:$0x0] =	wrdreg $0xFFFFFFFF;
	(pc) =	sbr.abs _section_cstart, $3  }
0xc0: {  	[dreg:$0x1] =	wrdreg $0xFFFFFFFF  }
0xc1: {  	_ =	task.clear_ibuf [dreg:s6], $0x2FFFF;
	_ =	strace $0x9FFFFFFF  }
0xc2: {  	(tm) =	ssettm $0x7FFFFFFF  }
0xc3: {  	_ =	shalt  }
tec
execute0_lowered:
.L_overlay_start_1:
0x0: {  	(tag) =	ssettag $0x1  }
0x1: {  	s6 =	rddreg [dreg:$0x0]  }
0x2: {  	s1 =	rddreg [dreg:$0x1]  }
0x3: {  	s0 =	rddreg [dreg:$0x2];
	s3 =	simm.s32 $0x0  }
0x4: {  	s2 =	stileid.u32;
	s5 =	srdreg.scid;
	s16 =	simm.s32 $0x8000  }
0x5: {  	s17 =	simm.s32 $0x50;
	s18 =	simm.s32 $0x10000;
	s19 =	simm.s32 $0x12800  }
0x6: {  	s20 =	simm.s32 $0x1;
	s21 =	simm.s32 $0x2;
	s22 =	simm.s32 $0x7C80  }
0x7: {  	s25 =	simm.s32 $0x0;
	[smem:$0x7FF] =	sst s3;
	s9 =	smul.u32 $0x1380, s2  }
0x8: {  	s4 =	sshll.u32 s2, $0xC;
	s7 =	sand.u32 $0x1, s5;
	s30 =	smul.u32 $0x27000, s2  }
0x9: {  	s12 =	sadd.s32 $0x3F400, s6;
	s24 =	sadd.s32 $0x1388, s2;
	p0 =	seq.s32 s2, $0xF  }
0xa: {  	_ =	strace $0x8000004A;
	s8 =	sadd.s32 s4, s6;
	s23 =	smul.u32 $0x1388, s7  }
0xb: {  	s4 =	sadd.s32 $0x4800, s6;
	s11 =	ssub.s32 $0x2, s7;
	s31 =	smul.u32 $0x9CC00, s7  }
0xc: {  	s15 =	smul.u32 $0x13980, s7;
	v1 =	vmov s24;
	s24 =	simm.s32 $0xFC80;
	s10 =	sadd.s32 s9, s6  }
0xd: {  	s13 =	sshrl.u32 s11, $0x1;
	s5 =	sshrl.u32 s30, $0x2;
	s6 =	sadd.s32 $0x3DE80, s6  }
0xe: {  	s7 =	sadd.s32 $0x9A200, s8;
	s8 =	sadd.s32 $0x8A200, s8;
	s11 =	ssub.s32 s11, s13  }
0xf: {  	s14 =	sadd.s32 s5, s1;
	s5 =	sadd.s32 $0x2BA00, s10;
	s13 =	sadd.s32 $0x92400, s1  }
0x10: {  	s10 =	sshrl.u32 s31, $0x3;
	s9 =	sadd.s32 s9, s15;
	s15 =	sshll.u32 @!p0 s2, $0x6  }
0x11: {  	v0 =	vmov s23;
	s23 =	simm.s32 $0xFC00;
	s10 =	sadd.s32 s12, s10;
	s9 =	sadd.s32 s12, s9  }
0x12: {  	s11 =	smax.u32 s11, $0x1;
	s12 =	sshrl.u32 @p0 s13, $0x3;
	s13 =	sor.u32 @!p0 $0x1C03, s15  }
0x13: {  	s14 =	sshrl.u32 @!p0 s14, $0x3;
	s15 =	simm.s32 $0x3;
	s10 =	sadd.s32 $0x12480, s10  }
.LBB2_1:
0x14: {  	s26 =	simm.s32 @p0 $0x1FC3  }
0x15: {  	[spmem:s12], [sflag:s26] =	dma.local @p0 [hbm:s6], $0x1500  }
0x16: {  	s26 =	simm.s32 @p0 $0x3  }
0x17: {  	_ =	swait.ge @p0 [sflag:s26], $0x1500  }
0x18: {  	[sflag:s26] =	ssyncset.done @p0 $0x0  }
0x19: {  	[sflag:s26] =	ssyncadd.s32 @p0 $0xFFFFEB00;
	s26 =	simm.s32 @!p0 $0x3  }
0x1a: {  	[spmem:s14], [sflag:s13] =	dma.local @!p0 [hbm:s5], $0x1380  }
0x1b: {  	_ =	swait.ge @!p0 [sflag:s26], $0x1380  }
0x1c: {  	[sflag:s26] =	ssyncset.done @!p0 $0x0  }
0x1d: {  	[sflag:s26] =	ssyncadd.s32 @!p0 $0xFFFFEC80  }
0x1e: {  	[tilespmem:s3], [sflag:$0x3] =	stream.linear.gather [hbm4b:s7+s3], $0x7D00, $0x38;
	[tilespmem:$0x1ECC0] =	vst v63  }
0x1f: {  	_ =	swait.ge [sflag:s15], $0x7D00  }
0x20: {  	[sflag:s15] =	ssyncset.done $0x0  }
0x21: {  	[sflag:s15] =	ssyncadd.s32 $0xFFFF8300  }
0x22: {  	[tilespmem:s16], [sflag:$0x3] =	stream.linear.gather [hbm4b:s8+s3], $0x7D00, $0x38;
	[tilespmem:$0x1ECC0] =	vst v63  }
0x23: {  	_ =	swait.ge [sflag:s15], $0x7D00  }
0x24: {  	[sflag:s15] =	ssyncset.done $0x0  }
0x25: {  	s26 =	simm.s32 $0x0;
	[sflag:s15] =	ssyncadd.s32 $0xFFFF8300  }
0x26: {  	v3 =	vld [tilespmem:s26+$0x8000]  }
0x27: {  	v5 =	vld [tilespmem:s26+$0x8010]  }
0x28: {  	v4 =	vld [tilespmem:s26+$0x8020]  }
0x29: {  	s28 =	simm.s32 $0x200;
	v2 =	vld [tilespmem:s26+$0x8030]  }
.LBB2_2:
0x2a: {  	p1 =	sne.s32 s28, $0x1F200;
	v6 =	vld [tilespmem:s26+$0x8040]  }
0x2b: {  	v3 =	vsub.s32 v3, v0  }
0x2c: {  	vm0 =	vlt.u32 v3, $0x1388;
	v5 =	vsub.s32 v5, v0  }
0x2d: {  	v3 =	vsel vm0, v3, v1;
	vm0 =	vlt.u32 v5, $0x1388;
	v4 =	vsub.s32 v4, v0  }
.Ltmp0:
0x2e: {  	s29 =	sshra.s32 s28, $0x2;
	[tilespmem:s26+$0x8000] =	vst v3;
	v5 =	vsel vm0, v5, v1;
	vm0 =	vlt.u32 v4, $0x1388;
	v2 =	vsub.s32 v2, v0;
	(pc) =	sbr.rel @p1 .LBB2_2-.Ltmp0, $4  }
0x2f: {  	v3 =	vld [tilespmem:s29+$0x8000];
	[tilespmem:s26+$0x8010] =	vst v5;
	v4 =	vsel vm0, v4, v1;
	vm0 =	vlt.u32 v2, $0x1388;
	v6 =	vsub.s32 v6, v0  }
0x30: {  	v5 =	vld [tilespmem:s29+$0x8010];
	[tilespmem:s26+$0x8020] =	vst v4;
	v2 =	vsel vm0, v2, v1;
	vm0 =	vlt.u32 v6, $0x1388  }
0x31: {  	v4 =	vld [tilespmem:s29+$0x8020];
	[tilespmem:s26+$0x8030] =	vst v2;
	v6 =	vsel vm0, v6, v1  }
0x32: {  	s28 =	sadd.s32 $0x200, s28;
	v2 =	vld [tilespmem:s29+$0x8030];
	[tilespmem:s26+$0x8040] =	vst v6;
	s26 =	smov.u32 s29  }
0x33: {  	v6 =	vld [tilespmem:s26+$0x8040]  }
0x34: {  	v3 =	vsub.s32 v3, v0  }
0x35: {  	vm0 =	vlt.u32 v3, $0x1388;
	v5 =	vsub.s32 v5, v0  }
0x36: {  	v3 =	vsel vm0, v3, v1;
	vm12 =	vlt.u32 v5, $0x1388;
	v4 =	vsub.s32 v4, v0  }
0x37: {  	[tilespmem:s26+$0x8000] =	vst v3;
	v3 =	vsel vm12, v5, v1;
	vm13 =	vlt.u32 v4, $0x1388;
	v2 =	vsub.s32 v2, v0  }
0x38: {  	[tilespmem:s26+$0x8010] =	vst v3;
	v3 =	vsel vm13, v4, v1;
	vm14 =	vlt.u32 v2, $0x1388;
	v63 =	vsub.s32 v6, v0  }
0x39: {  	[tilespmem:s26+$0x8020] =	vst v3;
	v2 =	vsel vm14, v2, v1;
	vm15 =	vlt.u32 v63, $0x1388  }
0x3a: {  	[tilespmem:s26+$0x8030] =	vst v2;
	v2 =	vsel vm15, v63, v1  }
0x3b: {  	[tilespmem:s26+$0x8040] =	vst v2  }
0x3c: {  	s30 =	simm.s32 $0x0;
	[bflag:$0x0] =	sbarrier.arrive $0xFFFF  }
0x3d: {  	[tilespmem:s18], [sflag:$0x1] =	stream.indirect.gather [hbm4b:s4+s17], $0x80, s30, s17, $0xb8;
	[tilespmem:$0x1ECC0] =	vst v63  }
0x3e: {  	s31 =	simm.s32 $0x80  }
0x3f: {  	[tilespmem:s19], [sflag:$0x2] =	stream.indirect.gather [hbm4b:s4+s17], $0x80, s31, s17, $0xb8;
	[tilespmem:$0x1ECC0] =	vst v63  }
0x40: {  	_ =	swait.ge [sflag:s20], $0x2800  }
0x41: {  	[sflag:s20] =	ssyncset.done $0x0  }
0x42: {  	s29 =	simm.s32 $0x8000;
	[sflag:s20] =	ssyncadd.s32 $0xFFFFD800  }
0x43: {  	[spmem:s1] =	stream.indirect.scatter.add.f32 [tilespmem:s18], [sflag:$0x3], $0x80, s29, s17, $0xb8;
	[tilespmem:$0x1ECC0] =	vst v63  }
0x44: {  	_ =	swait.ge [sflag:s15], $0x2800  }
0x45: {  	[sflag:s15] =	ssyncset.done $0x0  }
0x46: {  	s30 =	simm.s32 $0x100;
	[sflag:s15] =	ssyncadd.s32 $0xFFFFD800  }
0x47: {  	[tilespmem:s18], [sflag:$0x1] =	stream.indirect.gather [hbm4b:s4+s17], $0x80, s30, s17, $0xb8;
	[tilespmem:$0x1ECC0] =	vst v63  }
0x48: {  	_ =	swait.ge [sflag:s21], $0x2800  }
0x49: {  	[sflag:s21] =	ssyncset.done $0x0  }
0x4a: {  	s31 =	simm.s32 $0x8080;
	[sflag:s21] =	ssyncadd.s32 $0xFFFFD800  }
0x4b: {  	[spmem:s1] =	stream.indirect.scatter.add.f32 [tilespmem:s19], [sflag:$0x3], $0x80, s31, s17, $0xb8;
	[tilespmem:$0x1ECC0] =	vst v63  }
0x4c: {  	_ =	swait.ge [sflag:s15], $0x2800  }
0x4d: {  	s28 =	simm.s32 $0x800;
	s26 =	simm.s32 $0x100;
	[sflag:s15] =	ssyncset.done $0x0  }
.LBB2_4:
0x4e: {  	s29 =	sadd.s32 $0x80, s26  }
0x4f: {  	[sflag:s15] =	ssyncadd.s32 $0xFFFFD800;
	s30 =	smov.u32 s28;
	s31 =	sadd.s32 $0x400, s28  }
0x50: {  	[tilespmem:s19], [sflag:$0x2] =	stream.indirect.gather [hbm4b:s4+s17], $0x80, s29, s17, $0xb8;
	[tilespmem:$0x1ECC0] =	vst v63  }
0x51: {  	p1 =	sne.s32 s28, $0x1EC00;
	_ =	swait.ge [sflag:s20], $0x2800  }
0x52: {  	[sflag:s20] =	ssyncset.done $0x0  }
0x53: {  	s28 =	sadd.s32 $0x8000, s26;
	[sflag:s20] =	ssyncadd.s32 $0xFFFFD800  }
0x54: {  	[spmem:s1] =	stream.indirect.scatter.add.f32 [tilespmem:s18], [sflag:$0x3], $0x80, s28, s17, $0xb8;
	[tilespmem:$0x1ECC0] =	vst v63  }
0x55: {  	_ =	swait.ge [sflag:s15], $0x2800  }
0x56: {  	[sflag:s15] =	ssyncset.done $0x0  }
0x57: {  	s28 =	sadd.s32 $0x100, s26;
	[sflag:s15] =	ssyncadd.s32 $0xFFFFD800  }
0x58: {  	[tilespmem:s18], [sflag:$0x1] =	stream.indirect.gather [hbm4b:s4+s17], $0x80, s28, s17, $0xb8;
	[tilespmem:$0x1ECC0] =	vst v63  }
0x59: {  	_ =	swait.ge [sflag:s21], $0x2800  }
.Ltmp1:
0x5a: {  	[sflag:s21] =	ssyncset.done $0x0;
	(pc) =	sbr.rel @p1 .LBB2_4-.Ltmp1, $4  }
0x5b: {  	s26 =	sadd.s32 $0x8080, s26;
	[sflag:s21] =	ssyncadd.s32 $0xFFFFD800  }
0x5c: {  	[spmem:s1] =	stream.indirect.scatter.add.f32 [tilespmem:s19], [sflag:$0x3], $0x80, s26, s17, $0xb8;
	[tilespmem:$0x1ECC0] =	vst v63  }
0x5d: {  	_ =	swait.ge [sflag:s15], $0x2800  }
0x5e: {  	s28 =	smov.u32 s31;
	s26 =	sshra.s32 s30, $0x2;
	[sflag:s15] =	ssyncset.done $0x0  }
0x5f: {  	s28 =	sadd.s32 $0x80, s26;
	[sflag:s15] =	ssyncadd.s32 $0xFFFFD800  }
0x60: {  	[tilespmem:s19], [sflag:$0x2] =	stream.indirect.gather [hbm4b:s4+s17], $0x80, s28, s17, $0xb8;
	[tilespmem:$0x1ECC0] =	vst v63  }
0x61: {  	_ =	swait.ge [sflag:s20], $0x2800  }
0x62: {  	[sflag:s20] =	ssyncset.done $0x0  }
0x63: {  	s29 =	sadd.s32 $0x8000, s26;
	[sflag:s20] =	ssyncadd.s32 $0xFFFFD800  }
0x64: {  	[spmem:s1] =	stream.indirect.scatter.add.f32 [tilespmem:s18], [sflag:$0x3], $0x80, s29, s17, $0xb8;
	[tilespmem:$0x1ECC0] =	vst v63  }
0x65: {  	_ =	swait.ge [sflag:s15], $0x2800  }
0x66: {  	[sflag:s15] =	ssyncset.done $0x0  }
0x67: {  	s30 =	sadd.s32 $0x100, s26;
	[sflag:s15] =	ssyncadd.s32 $0xFFFFD800  }
0x68: {  	[tilespmem:s18], [sflag:$0x1] =	stream.indirect.gather [hbm4b:s4+s17], $0x80, s30, s17, $0xb8;
	[tilespmem:$0x1ECC0] =	vst v63  }
0x69: {  	_ =	swait.ge [sflag:s21], $0x2800  }
0x6a: {  	[sflag:s21] =	ssyncset.done $0x0  }
0x6b: {  	s31 =	sadd.s32 $0x8080, s26;
	[sflag:s21] =	ssyncadd.s32 $0xFFFFD800  }
0x6c: {  	[spmem:s1] =	stream.indirect.scatter.add.f32 [tilespmem:s19], [sflag:$0x3], $0x80, s31, s17, $0xb8;
	[tilespmem:$0x1ECC0] =	vst v63  }
0x6d: {  	_ =	swait.ge [sflag:s15], $0x2800  }
0x6e: {  	[sflag:s15] =	ssyncset.done $0x0  }
0x6f: {  	[sflag:s15] =	ssyncadd.s32 $0xFFFFD800  }
0x70: {  	[tilespmem:s19], [sflag:$0x2] =	stream.indirect.gather [hbm4b:s4+s17], $0x80, s22, s17, $0xb8;
	[tilespmem:$0x1ECC0] =	vst v63  }
0x71: {  	_ =	swait.ge [sflag:s20], $0x2800  }
0x72: {  	[sflag:s20] =	ssyncset.done $0x0  }
0x73: {  	[sflag:s20] =	ssyncadd.s32 $0xFFFFD800  }
0x74: {  	[spmem:s1] =	stream.indirect.scatter.add.f32 [tilespmem:s18], [sflag:$0x3], $0x80, s23, s17, $0xb8;
	[tilespmem:$0x1ECC0] =	vst v63  }
0x75: {  	_ =	swait.ge [sflag:s15], $0x2800  }
0x76: {  	[sflag:s15] =	ssyncset.done $0x0  }
0x77: {  	[sflag:s15] =	ssyncadd.s32 $0xFFFFD800  }
0x78: {  	_ =	swait.ge [sflag:s21], $0x2800  }
0x79: {  	[sflag:s21] =	ssyncset.done $0x0  }
0x7a: {  	[sflag:s21] =	ssyncadd.s32 $0xFFFFD800  }
0x7b: {  	[spmem:s1] =	stream.indirect.scatter.add.f32 [tilespmem:s19], [sflag:$0x3], $0x80, s24, s17, $0xb8;
	[tilespmem:$0x1ECC0] =	vst v63  }
0x7c: {  	_ =	swait.ge [sflag:s15], $0x2800  }
0x7d: {  	[sflag:s15] =	ssyncset.done $0x0  }
0x7e: {  	[sflag:s15] =	ssyncadd.s32 $0xFFFFD800  }
0x7f: {  	s26 =	simm.s32 @p0 $0x1FC3;
	[bflag:$0x0] =	sbarrier.arrive $0xFFFF  }
0x80: {  	[hbm:s10], [sflag:s26] =	dma.local @p0 [spmem:s12], $0x1400  }
0x81: {  	s26 =	simm.s32 @p0 $0x3  }
0x82: {  	s25 =	sadd.s32 $0x1, s25;
	_ =	swait.ge @p0 [sflag:s26], $0x1400  }
0x83: {  	p1 =	sne.s32 s25, s11;
	[sflag:s26] =	ssyncset.done @p0 $0x0  }
.Ltmp2:
0x84: {  	[sflag:s26] =	ssyncadd.s32 @p0 $0xFFFFEC00;
	s26 =	simm.s32 @!p0 $0x3;
	(pc) =	sbr.rel @p1 .LBB2_1-.Ltmp2, $4  }
0x85: {  	[hbm:s9], [sflag:s13] =	dma.local @!p0 [spmem:s14], $0x1380  }
0x86: {  	_ =	swait.ge @!p0 [sflag:s26], $0x1380  }
0x87: {  	[sflag:s26] =	ssyncset.done @!p0 $0x0  }
0x88: {  	[sflag:s26] =	ssyncadd.s32 @!p0 $0xFFFFEC80  }
0x89: {  	_ =	sfence.sel $0x180000  }
0x8a: {  	[bflag:$0x0] =	sbarrier.arrive $0xFFFF  }
0x8b: {  	p0 =	sne.s32 s2, $0x0;
	_ =	strace $0x9000004A  }
0x8c: {  	s0 =	sadd.s32 @!p0 $0x100000, s0;
	[bflag:$0x2] =	sbarrier.arrive $0xFFFF  }
0x8d: {  	[sflag:s0] =	ssyncadd.tile.s32 @!p0 $0x1;
	_ =	shalt  }
.Lfunc_end2:
_tile_overlayer_lowered:
.L_overlay_start_2:
0x8e: {  	(tag) =	ssettag $0x2  }
0x8f: {  	s0 =	rddreg [dreg:$0x0];
	s2 =	stileid.u32  }
0x90: {  	s1 =	rddreg [dreg:$0x1];
	p0 =	sne.s32 s2, $0x0  }
0x91: {  	s3 =	rddreg [dreg:$0x2];
	[bflag:$0x3] =	sbarrier.arrive $0xFFFF;
	s2 =	simm.s32 @!p0 $0x1C03  }
0x92: {  	[timem:s3], [sflag:s2] =	dma.local @!p0 [hbm:s0], s1  }
0x93: {  	s0 =	simm.s32 @!p0 $0x3  }
0x94: {  	_ =	swait.ge @!p0 [sflag:s0], s1  }
0x95: {  	s1 =	ssub.s32 @!p0 $0x0, s1;
	[sflag:s0] =	ssyncset.done @!p0 $0x0  }
0x96: {  	[sflag:s0] =	ssyncadd.s32 @!p0 s1  }
0x97: {  	[bflag:$0x3] =	sbarrier.arrive $0xFFFF  }
0x98: {  	_ =	shalt  }

// kernel: kernel.16.cloned.1.call-start
scs
__scs_entry_jumppad:
0x0: {  	(pc) =	sbr.rel $0x88, $3  }
0x1: {  	(tag) =	ssettag $0x0;
	lr =	simm.s32 $0x1  }
0x2: {  	[smem:$0x3F95] =	sst lr;
	_ =	strace $0xD0000000  }
0x3: {  	_ = 	snop  }
0x4: {  	_ = 	snop  }
0x5: {  	_ = 	snop  }
0x6: {  	_ = 	snop  }
0x7: {  	_ = 	snop  }
__scs_overlays_trampoline_lowered:
0x8: {  	[smem:$0x3FA4] =	sst s0  }
0x9: {  	[smem:$0x3FA5] =	sst s1  }
0xa: {  	[smem:$0x3FA6] =	sst s2  }
0xb: {  	[smem:$0x3FA7] =	sst s3  }
0xc: {  	[smem:$0x3FA8] =	sst s4  }
0xd: {  	[smem:$0x3FA9] =	sst s5  }
0xe: {  	[smem:$0x3FAA] =	sst s6  }
0xf: {  	[smem:$0x3FAB] =	sst s7  }
0x10: {  	[smem:$0x3FAC] =	sst s8  }
0x11: {  	[smem:$0x3FAD] =	sst s9;
	s0 =	simm.s32 @!p0 $0x0  }
0x12: {  	s1 =	sld [smem:$0x3F93];
	s0 =	simm.s32 @p0 $0x1  }
0x13: {  	[smem:$0x3FAE] =	sst s0;
	s0 =	simm.s32 @!p1 $0x0  }
0x14: {  	s2 =	sld [smem:$0x3F92];
	s0 =	simm.s32 @p1 $0x1  }
0x15: {  	[smem:$0x3FAF] =	sst s0;
	s0 =	simm.s32 @!p2 $0x0  }
0x16: {  	s3 =	sld [smem:$0x3FDB];
	s0 =	simm.s32 @p2 $0x1  }
0x17: {  	s4 =	simm.s32 $0x1BF5;
	[smem:$0x3FB1] =	sst s0  }
0x18: {  	s0 =	sld [smem:$0x3F94];
	_ =	swait.ge [sflag:s4], $0x0  }
0x19: {  	s7 =	sld [smem:$0x3F95]  }
0x1a: {  	s8 =	sadd.s32 $0xFFFFE003, lr  }
0x1b: {  	s9 =	sadd.s32 $0xFFFFFEF7, lr;
	s5 =	simm.s32 $0xFFFFFFFF;
	p2 =	slt.u32 s8, $0xFFFFF086  }
0x1c: {  	p1 =	slt.u32 s9, $0xF7A;
	s5 =	simm.s32 @!p2 $0x0  }
0x1d: {  	s5 =	simm.s32 @p1 $0x1;
	p0 =	seq.s32 s7, s2  }
0x1e: {  	s7 =	smul.u32 @!p0 $0xF7A, s2;
	p2 =	seq.s32 @!p0 s5, $0x0  }
0x1f: {  	s9 =	smul.u32 $0xF7A, s1;
	s8 =	simm.s32 @!p0 $0x1BF5;
	p2 =	por !p2, p0  }
0x20: {  	[sflag:s8] =	ssyncset.s32 @!p0 $0xFFFFF086;
	s6 =	sadd.s32 @!p0 s3, s7;
	s7 =	simm.s32 @!p0 $0x108  }
0x21: {  	s3 =	sadd.s32 s3, s9;
	s6 =	sadd.s32 @!p0 $0x88, s6;
	s7 =	simm.s32 @p2 $0x1082  }
0x22: {  	[simem:s7], [sflag:s8] =	dma.local @!p0 [hbm:s6], $0xF7A  }
0x23: {  	s9 =	sor.u32 $0xD0000000, s2;
	s6 =	simm.s32 $0x108;
	_ =	swait.ge @!p0 [sflag:s8], $0x0  }
0x24: {  	s3 =	sadd.s32 $0x88, s3;
	s6 =	simm.s32 @!p1 $0x1082;
	[sflag:s4] =	ssyncset.s32 $0xFFFFF086  }
0x25: {  	[simem:s6], [sflag:s4] =	dma.local [hbm:s3], $0xF7A  }
0x26: {  	[smem:$0x3F95] =	sst s1;
	(tag) =	ssettag s2;
	_ =	strace s9  }
0x27: {  	s1 =	sld [smem:$0x3FA5]  }
0x28: {  	s2 =	sld [smem:$0x3FA6]  }
0x29: {  	s4 =	sld [smem:$0x3FA8]  }
0x2a: {  	p0 =	seq.s32 s5, $0x0;
	s5 =	sld [smem:$0x3FA9]  }
0x2b: {  	s6 =	sld [smem:$0x3FAA]  }
0x2c: {  	s7 =	sld [smem:$0x3FAB]  }
0x2d: {  	s3 =	simm.s32 $0x108;
	s8 =	sld [smem:$0x3FAC]  }
0x2e: {  	s3 =	simm.s32 @!p0 $0x1082;
	s9 =	sld [smem:$0x3FAD]  }
0x2f: {  	lr =	sadd.s32 s0, s3;
	s0 =	sld [smem:$0x3FA4]  }
0x30: {  	s3 =	sld [smem:$0x3FA7]  }
0x31: {  	[smem:$0x3FB0] =	sst s10  }
0x32: {  	s10 =	sld [smem:$0x3FAE];
	_ =	sdelay $0x3  }
0x33: {  	p0 =	seq.s32 s10, $0x1;
	s10 =	sld [smem:$0x3FB0];
	_ =	sdelay $0x3  }
0x34: {  	[smem:$0x3FB0] =	sst s10  }
0x35: {  	s10 =	sld [smem:$0x3FAF];
	_ =	sdelay $0x3  }
0x36: {  	p1 =	seq.s32 s10, $0x1;
	s10 =	sld [smem:$0x3FB0];
	_ =	sdelay $0x3  }
0x37: {  	[smem:$0x3FB0] =	sst s10  }
0x38: {  	s10 =	sld [smem:$0x3FB1]  }
0x39: {  	_ = 	snop;
	(pc) =	sbr.ind lr, $3  }
0x3a: {  	_ = 	snop  }
0x3b: {  	_ = 	snop  }
0x3c: {  	p2 =	seq.s32 s10, $0x1;
	s10 =	sld [smem:$0x3FB0]  }
0x3d: {  	_ =	shalt  }
0x3e: {  	_ =	shalt  }
0x3f: {  	_ =	shalt  }
0x40: {  	_ =	shalt  }
0x41: {  	_ =	shalt  }
0x42: {  	_ =	shalt  }
0x43: {  	_ =	shalt  }
0x44: {  	_ =	shalt  }
0x45: {  	_ =	shalt  }
0x46: {  	_ =	shalt  }
0x47: {  	_ =	shalt  }
0x48: {  	_ =	shalt  }
0x49: {  	_ =	shalt  }
0x4a: {  	_ =	shalt  }
0x4b: {  	_ =	shalt  }
0x4c: {  	_ =	shalt  }
0x4d: {  	_ =	shalt  }
0x4e: {  	_ =	shalt  }
0x4f: {  	_ =	shalt  }
0x50: {  	_ =	shalt  }
0x51: {  	_ =	shalt  }
0x52: {  	_ =	shalt  }
0x53: {  	_ =	shalt  }
0x54: {  	_ =	shalt  }
0x55: {  	_ =	shalt  }
0x56: {  	_ =	shalt  }
0x57: {  	_ =	shalt  }
0x58: {  	_ =	shalt  }
0x59: {  	_ =	shalt  }
0x5a: {  	_ =	shalt  }
0x5b: {  	_ =	shalt  }
0x5c: {  	_ =	shalt  }
0x5d: {  	_ =	shalt  }
0x5e: {  	_ =	shalt  }
0x5f: {  	_ =	shalt  }
0x60: {  	_ =	shalt  }
0x61: {  	_ =	shalt  }
0x62: {  	_ =	shalt  }
0x63: {  	_ =	shalt  }
0x64: {  	_ =	shalt  }
0x65: {  	_ =	shalt  }
0x66: {  	_ =	shalt  }
0x67: {  	_ =	shalt  }
0x68: {  	_ =	shalt  }
0x69: {  	_ =	shalt  }
0x6a: {  	_ =	shalt  }
0x6b: {  	_ =	shalt  }
0x6c: {  	_ =	shalt  }
0x6d: {  	_ =	shalt  }
0x6e: {  	_ =	shalt  }
0x6f: {  	_ =	shalt  }
0x70: {  	_ =	shalt  }
0x71: {  	_ =	shalt  }
0x72: {  	_ =	shalt  }
0x73: {  	_ =	shalt  }
0x74: {  	_ =	shalt  }
0x75: {  	_ =	shalt  }
0x76: {  	_ =	shalt  }
0x77: {  	_ =	shalt  }
0x78: {  	_ =	shalt  }
0x79: {  	_ =	shalt  }
0x7a: {  	_ =	shalt  }
0x7b: {  	_ =	shalt  }
0x7c: {  	_ =	shalt  }
0x7d: {  	_ =	shalt  }
0x7e: {  	_ =	shalt  }
0x7f: {  	_ =	shalt  }
0x80: {  	_ =	shalt  }
0x81: {  	_ =	shalt  }
0x82: {  	_ =	shalt  }
0x83: {  	_ =	shalt  }
0x84: {  	_ =	shalt  }
0x85: {  	_ =	shalt  }
0x86: {  	_ =	shalt  }
0x87: {  	_ =	shalt  }
.Lfunc_end0:
.L_simem_size_0:
called_computation.2_lowered:
.L_overlay_start_0:
0x88: {  	s2 =	sld [smem:$0x3FD9]  }
0x89: {  	s3 =	sld [smem:$0x3FFE];
	_ =	sdelay $0x1  }
0x8a: {  	s1 =	srdreg.scid  }
0x8b: {  	s0 =	sand.u32 $0x1, s1  }
0x8c: {  	s16 =	sshll.u32 s0, $0xA;
	s2 =	sadd.s32 s3, s2  }
0x8d: {  	s2 =	sadd.s32 s2, s16  }
0x8e: {  	[smem:$0x3FBC] =	sst s2  }
0x8f: {  	_ = 	snop  }
0x90: {  	(tm) =	ssettm $0x1  }
0x91: {  	s17 =	sld [smem:$0x3FFB];
	_ =	sdelay $0x3  }
0x92: {  	_ =	strace s17  }
0x93: {  	s2 =	sld [smem:$0x3FFC];
	_ =	sdelay $0x3  }
0x94: {  	_ =	strace s2  }
0x95: {  	s2 =	sld [smem:$0x3FFD];
	_ =	sdelay $0x3  }
0x96: {  	_ =	strace s2  }
0x97: {  	_ =	strace $0x8FFFFFFF  }
0x98: {  	s18 =	sld [smem:$0x3FDB];
	_ =	sdelay $0x1  }
0x99: {  	s19 =	simm.s32 $_scs_section_size  }
0x9a: {  	s4 =	simm.s32 $_size__tile_overlayer_lowered;
	s5 =	simm.s32 $_tile_overlayer_lowered  }
0x9b: {  	s22 =	simm.s32 $0x1BFF;
	s21 =	sshll.u32 s5, $0x1;
	s2 =	sadd.s32 s19, s18  }
0x9c: {  	s6 =	simm.s32 $0x0;
	s20 =	sshll.u32 s4, $0x1;
	s4 =	sadd.s32 s21, s2  }
0x9d: {  	[timem:s6], [sflag:s22] =	dma.local [hbm:s4], s20  }
0x9e: {  	_ =	swait.ge [sflag:s22], s20  }
0x9f: {  	s3 =	ssub.s32 $0x0, s20;
	[sflag:s22] =	ssyncset.done $0x0  }
0xa0: {  	[sflag:s22] =	ssyncadd.s32 s3;
	_ =	sdelay $0x1  }
0xa1: {  	s23 =	simm.s32 $0x1B8B  }
0xa2: {  	_ =	swait.ge [sflag:s23], $0x1  }
0xa3: {  	[sflag:s23] =	ssyncset.done $0x0  }
0xa4: {  	s25 =	simm.s32 $0x1B8E;
	s24 =	sld [smem:$0x3FFE];
	[sflag:s23] =	ssyncadd.s32 $0xFFFFFFFF  }
0xa5: {  	s26 =	simm.s32 $execute0_lowered;
	[smem:$0x3FD2] =	sst s25  }
0xa6: {  	s4 =	sshll.u32 s26, $0x1;
	_ =	strace $0x8000004C;
	[dreg:$0x1] =	wrdreg $0xFFFFFFFF  }
0xa7: {  	s28 =	simm.s32 $_size_execute0_lowered;
	s2 =	sadd.s32 s2, s4;
	[dreg:$0x0] =	wrdreg $0x0  }
0xa8: {  	s4 =	sshll.u32 s28, $0x1;
	[dreg:$0x2] =	wrdreg s2  }
0xa9: {  	[dreg:$0x3] =	wrdreg s4  }
0xaa: {  	[dreg:$0x4] =	wrdreg $0xC0  }
0xab: {  	_ =	task [dreg:s6], $0x5FFFF  }
0xac: {  	[dreg:$0x1] =	wrdreg $0xFFFFFFFF  }
0xad: {  	[dreg:$0x0] =	wrdreg $0x60  }
0xae: {  	[dreg:$0x2] =	wrdreg s24  }
0xaf: {  	[dreg:$0x3] =	wrdreg $0x150000  }
0xb0: {  	[dreg:$0x4] =	wrdreg $0x9  }
0xb1: {  	_ =	task.clear_ibuf [dreg:s6], $0x5FFFF;
	_ =	strace $0x9000004C  }
0xb2: {  	s29 =	simm.s32 $0x9;
	_ =	strace $0x8000004E  }
0xb3: {  	_ =	swait.ge [sflag:s29], $0x1  }
0xb4: {  	[sflag:s29] =	ssyncadd.s32 $0xFFFFFFFF  }
0xb5: {  	_ =	strace $0x9000004E  }
0xb6: {  	_ =	sfence  }
0xb7: {  	s30 =	sld [smem:$0x0];
	_ =	sdelay $0x2  }
0xb8: {  	s31 =	sshll.u32 s1, $0xD;
	s1 =	sshrl.u32 s1, $0x2  }
0xb9: {  	s3 =	sand.u32 $0x4000, s31;
	s1 =	sadd.s32 s1, s30  }
0xba: {  	s0 =	sor.u32 s3, s0;
	s1 =	sshll.u32 s1, $0x11  }
0xbb: {  	s0 =	sor.u32 s1, s0  }
0xbc: {  	s0 =	sadd.s32 $0x8F2B, s0  }
0xbd: {  	[sflag:s0] =	ssyncadd.remote.s32 $0x1  }
0xbe: {  	_ =	sfence.sel $0xFFFF  }
0xbf: {  	[dreg:$0x0] =	wrdreg $0xFFFFFFFF;
	(pc) =	sbr.abs _section_cstart, $3  }
0xc0: {  	[dreg:$0x1] =	wrdreg $0xFFFFFFFF  }
0xc1: {  	_ =	task.clear_ibuf [dreg:s6], $0x2FFFF;
	_ =	strace $0x9FFFFFFF  }
0xc2: {  	(tm) =	ssettm $0x7FFFFFFF  }
0xc3: {  	_ =	shalt  }
tec
execute0_lowered:
.L_overlay_start_1:
0x0: {  	(tag) =	ssettag $0x1  }
0x1: {  	s6 =	rddreg [dreg:$0x0]  }
0x2: {  	s1 =	rddreg [dreg:$0x1]  }
0x3: {  	s0 =	rddreg [dreg:$0x2];
	s3 =	simm.s32 $0x0  }
0x4: {  	s2 =	stileid.u32;
	s5 =	srdreg.scid;
	s16 =	simm.s32 $0x8000  }
0x5: {  	s17 =	simm.s32 $0x50;
	s18 =	simm.s32 $0x10000;
	s19 =	simm.s32 $0x12800  }
0x6: {  	s20 =	simm.s32 $0x1;
	s21 =	simm.s32 $0x2;
	s22 =	simm.s32 $0x7C80  }
0x7: {  	s25 =	simm.s32 $0x0;
	[smem:$0x7FF] =	sst s3;
	s9 =	smul.u32 $0x1380, s2  }
0x8: {  	s4 =	sshll.u32 s2, $0xC;
	s7 =	sand.u32 $0x1, s5;
	s30 =	smul.u32 $0x27000, s2  }
0x9: {  	s12 =	sadd.s32 $0x3F400, s6;
	s24 =	sadd.s32 $0x1388, s2;
	p0 =	seq.s32 s2, $0xF  }
0xa: {  	_ =	strace $0x8000004D;
	s8 =	sadd.s32 s4, s6;
	s23 =	smul.u32 $0x1388, s7  }
0xb: {  	s4 =	sadd.s32 $0x4800, s6;
	s11 =	ssub.s32 $0x2, s7;
	s31 =	smul.u32 $0x9CC00, s7  }
0xc: {  	s15 =	smul.u32 $0x13980, s7;
	v1 =	vmov s24;
	s24 =	simm.s32 $0xFC80;
	s10 =	sadd.s32 s9, s6  }
0xd: {  	s13 =	sshrl.u32 s11, $0x1;
	s5 =	sshrl.u32 s30, $0x2;
	s6 =	sadd.s32 $0x3DE80, s6  }
0xe: {  	s7 =	sadd.s32 $0x9A200, s8;
	s8 =	sadd.s32 $0x8A200, s8;
	s11 =	ssub.s32 s11, s13  }
0xf: {  	s14 =	sadd.s32 s5, s1;
	s5 =	sadd.s32 $0x2BA00, s10;
	s13 =	sadd.s32 $0x92400, s1  }
0x10: {  	s10 =	sshrl.u32 s31, $0x3;
	s9 =	sadd.s32 s9, s15;
	s15 =	sshll.u32 @!p0 s2, $0x6  }
0x11: {  	v0 =	vmov s23;
	s23 =	simm.s32 $0xFC00;
	s10 =	sadd.s32 s12, s10;
	s9 =	sadd.s32 s12, s9  }
0x12: {  	s11 =	smax.u32 s11, $0x1;
	s12 =	sshrl.u32 @p0 s13, $0x3;
	s13 =	sor.u32 @!p0 $0x1C03, s15  }
0x13: {  	s14 =	sshrl.u32 @!p0 s14, $0x3;
	s15 =	simm.s32 $0x3;
	s10 =	sadd.s32 $0x12480, s10  }
.LBB2_1:
0x14: {  	s26 =	simm.s32 @p0 $0x1FC3  }
0x15: {  	[spmem:s12], [sflag:s26] =	dma.local @p0 [hbm:s6], $0x1500  }
0x16: {  	s26 =	simm.s32 @p0 $0x3  }
0x17: {  	_ =	swait.ge @p0 [sflag:s26], $0x1500  }
0x18: {  	[sflag:s26] =	ssyncset.done @p0 $0x0  }
0x19: {  	[sflag:s26] =	ssyncadd.s32 @p0 $0xFFFFEB00;
	s26 =	simm.s32 @!p0 $0x3  }
0x1a: {  	[spmem:s14], [sflag:s13] =	dma.local @!p0 [hbm:s5], $0x1380  }
0x1b: {  	_ =	swait.ge @!p0 [sflag:s26], $0x1380  }
0x1c: {  	[sflag:s26] =	ssyncset.done @!p0 $0x0  }
0x1d: {  	[sflag:s26] =	ssyncadd.s32 @!p0 $0xFFFFEC80  }
0x1e: {  	[tilespmem:s3], [sflag:$0x3] =	stream.linear.gather [hbm4b:s7+s3], $0x7D00, $0x38;
	[tilespmem:$0x1ECC0] =	vst v63  }
0x1f: {  	_ =	swait.ge [sflag:s15], $0x7D00  }
0x20: {  	[sflag:s15] =	ssyncset.done $0x0  }
0x21: {  	[sflag:s15] =	ssyncadd.s32 $0xFFFF8300  }
0x22: {  	[tilespmem:s16], [sflag:$0x3] =	stream.linear.gather [hbm4b:s8+s3], $0x7D00, $0x38;
	[tilespmem:$0x1ECC0] =	vst v63  }
0x23: {  	_ =	swait.ge [sflag:s15], $0x7D00  }
0x24: {  	[sflag:s15] =	ssyncset.done $0x0  }
0x25: {  	s26 =	simm.s32 $0x0;
	[sflag:s15] =	ssyncadd.s32 $0xFFFF8300  }
0x26: {  	v3 =	vld [tilespmem:s26+$0x8000]  }
0x27: {  	v5 =	vld [tilespmem:s26+$0x8010]  }
0x28: {  	v4 =	vld [tilespmem:s26+$0x8020]  }
0x29: {  	s28 =	simm.s32 $0x200;
	v2 =	vld [tilespmem:s26+$0x8030]  }
.LBB2_2:
0x2a: {  	p1 =	sne.s32 s28, $0x1F200;
	v6 =	vld [tilespmem:s26+$0x8040]  }
0x2b: {  	v3 =	vsub.s32 v3, v0  }
0x2c: {  	vm0 =	vlt.u32 v3, $0x1388;
	v5 =	vsub.s32 v5, v0  }
0x2d: {  	v3 =	vsel vm0, v3, v1;
	vm0 =	vlt.u32 v5, $0x1388;
	v4 =	vsub.s32 v4, v0  }
.Ltmp0:
0x2e: {  	s29 =	sshra.s32 s28, $0x2;
	[tilespmem:s26+$0x8000] =	vst v3;
	v5 =	vsel vm0, v5, v1;
	vm0 =	vlt.u32 v4, $0x1388;
	v2 =	vsub.s32 v2, v0;
	(pc) =	sbr.rel @p1 .LBB2_2-.Ltmp0, $4  }
0x2f: {  	v3 =	vld [tilespmem:s29+$0x8000];
	[tilespmem:s26+$0x8010] =	vst v5;
	v4 =	vsel vm0, v4, v1;
	vm0 =	vlt.u32 v2, $0x1388;
	v6 =	vsub.s32 v6, v0  }
0x30: {  	v5 =	vld [tilespmem:s29+$0x8010];
	[tilespmem:s26+$0x8020] =	vst v4;
	v2 =	vsel vm0, v2, v1;
	vm0 =	vlt.u32 v6, $0x1388  }
0x31: {  	v4 =	vld [tilespmem:s29+$0x8020];
	[tilespmem:s26+$0x8030] =	vst v2;
	v6 =	vsel vm0, v6, v1  }
0x32: {  	s28 =	sadd.s32 $0x200, s28;
	v2 =	vld [tilespmem:s29+$0x8030];
	[tilespmem:s26+$0x8040] =	vst v6;
	s26 =	smov.u32 s29  }
0x33: {  	v6 =	vld [tilespmem:s26+$0x8040]  }
0x34: {  	v3 =	vsub.s32 v3, v0  }
0x35: {  	vm0 =	vlt.u32 v3, $0x1388;
	v5 =	vsub.s32 v5, v0  }
0x36: {  	v3 =	vsel vm0, v3, v1;
	vm12 =	vlt.u32 v5, $0x1388;
	v4 =	vsub.s32 v4, v0  }
0x37: {  	[tilespmem:s26+$0x8000] =	vst v3;
	v3 =	vsel vm12, v5, v1;
	vm13 =	vlt.u32 v4, $0x1388;
	v2 =	vsub.s32 v2, v0  }
0x38: {  	[tilespmem:s26+$0x8010] =	vst v3;
	v3 =	vsel vm13, v4, v1;
	vm14 =	vlt.u32 v2, $0x1388;
	v63 =	vsub.s32 v6, v0  }
0x39: {  	[tilespmem:s26+$0x8020] =	vst v3;
	v2 =	vsel vm14, v2, v1;
	vm15 =	vlt.u32 v63, $0x1388  }
0x3a: {  	[tilespmem:s26+$0x8030] =	vst v2;
	v2 =	vsel vm15, v63, v1  }
0x3b: {  	[tilespmem:s26+$0x8040] =	vst v2  }
0x3c: {  	s30 =	simm.s32 $0x0;
	[bflag:$0x0] =	sbarrier.arrive $0xFFFF  }
0x3d: {  	[tilespmem:s18], [sflag:$0x1] =	stream.indirect.gather [hbm4b:s4+s17], $0x80, s30, s17, $0xb8;
	[tilespmem:$0x1ECC0] =	vst v63  }
0x3e: {  	s31 =	simm.s32 $0x80  }
0x3f: {  	[tilespmem:s19], [sflag:$0x2] =	stream.indirect.gather [hbm4b:s4+s17], $0x80, s31, s17, $0xb8;
	[tilespmem:$0x1ECC0] =	vst v63  }
0x40: {  	_ =	swait.ge [sflag:s20], $0x2800  }
0x41: {  	[sflag:s20] =	ssyncset.done $0x0  }
0x42: {  	s29 =	simm.s32 $0x8000;
	[sflag:s20] =	ssyncadd.s32 $0xFFFFD800  }
0x43: {  	[spmem:s1] =	stream.indirect.scatter.add.f32 [tilespmem:s18], [sflag:$0x3], $0x80, s29, s17, $0xb8;
	[tilespmem:$0x1ECC0] =	vst v63  }
0x44: {  	_ =	swait.ge [sflag:s15], $0x2800  }
0x45: {  	[sflag:s15] =	ssyncset.done $0x0  }
0x46: {  	s30 =	simm.s32 $0x100;
	[sflag:s15] =	ssyncadd.s32 $0xFFFFD800  }
0x47: {  	[tilespmem:s18], [sflag:$0x1] =	stream.indirect.gather [hbm4b:s4+s17], $0x80, s30, s17, $0xb8;
	[tilespmem:$0x1ECC0] =	vst v63  }
0x48: {  	_ =	swait.ge [sflag:s21], $0x2800  }
0x49: {  	[sflag:s21] =	ssyncset.done $0x0  }
0x4a: {  	s31 =	simm.s32 $0x8080;
	[sflag:s21] =	ssyncadd.s32 $0xFFFFD800  }
0x4b: {  	[spmem:s1] =	stream.indirect.scatter.add.f32 [tilespmem:s19], [sflag:$0x3], $0x80, s31, s17, $0xb8;
	[tilespmem:$0x1ECC0] =	vst v63  }
0x4c: {  	_ =	swait.ge [sflag:s15], $0x2800  }
0x4d: {  	s28 =	simm.s32 $0x800;
	s26 =	simm.s32 $0x100;
	[sflag:s15] =	ssyncset.done $0x0  }
.LBB2_4:
0x4e: {  	s29 =	sadd.s32 $0x80, s26  }
0x4f: {  	[sflag:s15] =	ssyncadd.s32 $0xFFFFD800;
	s30 =	smov.u32 s28;
	s31 =	sadd.s32 $0x400, s28  }
0x50: {  	[tilespmem:s19], [sflag:$0x2] =	stream.indirect.gather [hbm4b:s4+s17], $0x80, s29, s17, $0xb8;
	[tilespmem:$0x1ECC0] =	vst v63  }
0x51: {  	p1 =	sne.s32 s28, $0x1EC00;
	_ =	swait.ge [sflag:s20], $0x2800  }
0x52: {  	[sflag:s20] =	ssyncset.done $0x0  }
0x53: {  	s28 =	sadd.s32 $0x8000, s26;
	[sflag:s20] =	ssyncadd.s32 $0xFFFFD800  }
0x54: {  	[spmem:s1] =	stream.indirect.scatter.add.f32 [tilespmem:s18], [sflag:$0x3], $0x80, s28, s17, $0xb8;
	[tilespmem:$0x1ECC0] =	vst v63  }
0x55: {  	_ =	swait.ge [sflag:s15], $0x2800  }
0x56: {  	[sflag:s15] =	ssyncset.done $0x0  }
0x57: {  	s28 =	sadd.s32 $0x100, s26;
	[sflag:s15] =	ssyncadd.s32 $0xFFFFD800  }
0x58: {  	[tilespmem:s18], [sflag:$0x1] =	stream.indirect.gather [hbm4b:s4+s17], $0x80, s28, s17, $0xb8;
	[tilespmem:$0x1ECC0] =	vst v63  }
0x59: {  	_ =	swait.ge [sflag:s21], $0x2800  }
.Ltmp1:
0x5a: {  	[sflag:s21] =	ssyncset.done $0x0;
	(pc) =	sbr.rel @p1 .LBB2_4-.Ltmp1, $4  }
0x5b: {  	s26 =	sadd.s32 $0x8080, s26;
	[sflag:s21] =	ssyncadd.s32 $0xFFFFD800  }
0x5c: {  	[spmem:s1] =	stream.indirect.scatter.add.f32 [tilespmem:s19], [sflag:$0x3], $0x80, s26, s17, $0xb8;
	[tilespmem:$0x1ECC0] =	vst v63  }
0x5d: {  	_ =	swait.ge [sflag:s15], $0x2800  }
0x5e: {  	s28 =	smov.u32 s31;
	s26 =	sshra.s32 s30, $0x2;
	[sflag:s15] =	ssyncset.done $0x0  }
0x5f: {  	s28 =	sadd.s32 $0x80, s26;
	[sflag:s15] =	ssyncadd.s32 $0xFFFFD800  }
0x60: {  	[tilespmem:s19], [sflag:$0x2] =	stream.indirect.gather [hbm4b:s4+s17], $0x80, s28, s17, $0xb8;
	[tilespmem:$0x1ECC0] =	vst v63  }
0x61: {  	_ =	swait.ge [sflag:s20], $0x2800  }
0x62: {  	[sflag:s20] =	ssyncset.done $0x0  }
0x63: {  	s29 =	sadd.s32 $0x8000, s26;
	[sflag:s20] =	ssyncadd.s32 $0xFFFFD800  }
0x64: {  	[spmem:s1] =	stream.indirect.scatter.add.f32 [tilespmem:s18], [sflag:$0x3], $0x80, s29, s17, $0xb8;
	[tilespmem:$0x1ECC0] =	vst v63  }
0x65: {  	_ =	swait.ge [sflag:s15], $0x2800  }
0x66: {  	[sflag:s15] =	ssyncset.done $0x0  }
0x67: {  	s30 =	sadd.s32 $0x100, s26;
	[sflag:s15] =	ssyncadd.s32 $0xFFFFD800  }
0x68: {  	[tilespmem:s18], [sflag:$0x1] =	stream.indirect.gather [hbm4b:s4+s17], $0x80, s30, s17, $0xb8;
	[tilespmem:$0x1ECC0] =	vst v63  }
0x69: {  	_ =	swait.ge [sflag:s21], $0x2800  }
0x6a: {  	[sflag:s21] =	ssyncset.done $0x0  }
0x6b: {  	s31 =	sadd.s32 $0x8080, s26;
	[sflag:s21] =	ssyncadd.s32 $0xFFFFD800  }
0x6c: {  	[spmem:s1] =	stream.indirect.scatter.add.f32 [tilespmem:s19], [sflag:$0x3], $0x80, s31, s17, $0xb8;
	[tilespmem:$0x1ECC0] =	vst v63  }
0x6d: {  	_ =	swait.ge [sflag:s15], $0x2800  }
0x6e: {  	[sflag:s15] =	ssyncset.done $0x0  }
0x6f: {  	[sflag:s15] =	ssyncadd.s32 $0xFFFFD800  }
0x70: {  	[tilespmem:s19], [sflag:$0x2] =	stream.indirect.gather [hbm4b:s4+s17], $0x80, s22, s17, $0xb8;
	[tilespmem:$0x1ECC0] =	vst v63  }
0x71: {  	_ =	swait.ge [sflag:s20], $0x2800  }
0x72: {  	[sflag:s20] =	ssyncset.done $0x0  }
0x73: {  	[sflag:s20] =	ssyncadd.s32 $0xFFFFD800  }
0x74: {  	[spmem:s1] =	stream.indirect.scatter.add.f32 [tilespmem:s18], [sflag:$0x3], $0x80, s23, s17, $0xb8;
	[tilespmem:$0x1ECC0] =	vst v63  }
0x75: {  	_ =	swait.ge [sflag:s15], $0x2800  }
0x76: {  	[sflag:s15] =	ssyncset.done $0x0  }
0x77: {  	[sflag:s15] =	ssyncadd.s32 $0xFFFFD800  }
0x78: {  	_ =	swait.ge [sflag:s21], $0x2800  }
0x79: {  	[sflag:s21] =	ssyncset.done $0x0  }
0x7a: {  	[sflag:s21] =	ssyncadd.s32 $0xFFFFD800  }
0x7b: {  	[spmem:s1] =	stream.indirect.scatter.add.f32 [tilespmem:s19], [sflag:$0x3], $0x80, s24, s17, $0xb8;
	[tilespmem:$0x1ECC0] =	vst v63  }
0x7c: {  	_ =	swait.ge [sflag:s15], $0x2800  }
0x7d: {  	[sflag:s15] =	ssyncset.done $0x0  }
0x7e: {  	[sflag:s15] =	ssyncadd.s32 $0xFFFFD800  }
0x7f: {  	s26 =	simm.s32 @p0 $0x1FC3;
	[bflag:$0x0] =	sbarrier.arrive $0xFFFF  }
0x80: {  	[hbm:s10], [sflag:s26] =	dma.local @p0 [spmem:s12], $0x1400  }
0x81: {  	s26 =	simm.s32 @p0 $0x3  }
0x82: {  	s25 =	sadd.s32 $0x1, s25;
	_ =	swait.ge @p0 [sflag:s26], $0x1400  }
0x83: {  	p1 =	sne.s32 s25, s11;
	[sflag:s26] =	ssyncset.done @p0 $0x0  }
.Ltmp2:
0x84: {  	[sflag:s26] =	ssyncadd.s32 @p0 $0xFFFFEC00;
	s26 =	simm.s32 @!p0 $0x3;
	(pc) =	sbr.rel @p1 .LBB2_1-.Ltmp2, $4  }
0x85: {  	[hbm:s9], [sflag:s13] =	dma.local @!p0 [spmem:s14], $0x1380  }
0x86: {  	_ =	swait.ge @!p0 [sflag:s26], $0x1380  }
0x87: {  	[sflag:s26] =	ssyncset.done @!p0 $0x0  }
0x88: {  	[sflag:s26] =	ssyncadd.s32 @!p0 $0xFFFFEC80  }
0x89: {  	_ =	sfence.sel $0x180000  }
0x8a: {  	[bflag:$0x0] =	sbarrier.arrive $0xFFFF  }
0x8b: {  	p0 =	sne.s32 s2, $0x0;
	_ =	strace $0x9000004D  }
0x8c: {  	s0 =	sadd.s32 @!p0 $0x100000, s0;
	[bflag:$0x2] =	sbarrier.arrive $0xFFFF  }
0x8d: {  	[sflag:s0] =	ssyncadd.tile.s32 @!p0 $0x1;
	_ =	shalt  }
.Lfunc_end2:
_tile_overlayer_lowered:
.L_overlay_start_2:
0x8e: {  	(tag) =	ssettag $0x2  }
0x8f: {  	s0 =	rddreg [dreg:$0x0];
	s2 =	stileid.u32  }
0x90: {  	s1 =	rddreg [dreg:$0x1];
	p0 =	sne.s32 s2, $0x0  }
0x91: {  	s3 =	rddreg [dreg:$0x2];
	[bflag:$0x3] =	sbarrier.arrive $0xFFFF;
	s2 =	simm.s32 @!p0 $0x1C03  }
0x92: {  	[timem:s3], [sflag:s2] =	dma.local @!p0 [hbm:s0], s1  }
0x93: {  	s0 =	simm.s32 @!p0 $0x3  }
0x94: {  	_ =	swait.ge @!p0 [sflag:s0], s1  }
0x95: {  	s1 =	ssub.s32 @!p0 $0x0, s1;
	[sflag:s0] =	ssyncset.done @!p0 $0x0  }
0x96: {  	[sflag:s0] =	ssyncadd.s32 @!p0 s1  }
0x97: {  	[bflag:$0x3] =	sbarrier.arrive $0xFFFF  }
0x98: {  	_ =	shalt  }

// kernel: kernel.19.cloned.1.call-start
scs
__scs_entry_jumppad:
0x0: {  	(pc) =	sbr.rel $0x88, $3  }
0x1: {  	(tag) =	ssettag $0x0;
	lr =	simm.s32 $0x1  }
0x2: {  	[smem:$0x3F95] =	sst lr;
	_ =	strace $0xD0000000  }
0x3: {  	_ = 	snop  }
0x4: {  	_ = 	snop  }
0x5: {  	_ = 	snop  }
0x6: {  	_ = 	snop  }
0x7: {  	_ = 	snop  }
__scs_overlays_trampoline_lowered:
0x8: {  	[smem:$0x3FA4] =	sst s0  }
0x9: {  	[smem:$0x3FA5] =	sst s1  }
0xa: {  	[smem:$0x3FA6] =	sst s2  }
0xb: {  	[smem:$0x3FA7] =	sst s3  }
0xc: {  	[smem:$0x3FA8] =	sst s4  }
0xd: {  	[smem:$0x3FA9] =	sst s5  }
0xe: {  	[smem:$0x3FAA] =	sst s6  }
0xf: {  	[smem:$0x3FAB] =	sst s7  }
0x10: {  	[smem:$0x3FAC] =	sst s8  }
0x11: {  	[smem:$0x3FAD] =	sst s9;
	s0 =	simm.s32 @!p0 $0x0  }
0x12: {  	s1 =	sld [smem:$0x3F93];
	s0 =	simm.s32 @p0 $0x1  }
0x13: {  	[smem:$0x3FAE] =	sst s0;
	s0 =	simm.s32 @!p1 $0x0  }
0x14: {  	s2 =	sld [smem:$0x3F92];
	s0 =	simm.s32 @p1 $0x1  }
0x15: {  	[smem:$0x3FAF] =	sst s0;
	s0 =	simm.s32 @!p2 $0x0  }
0x16: {  	s3 =	sld [smem:$0x3FDB];
	s0 =	simm.s32 @p2 $0x1  }
0x17: {  	s4 =	simm.s32 $0x1BF5;
	[smem:$0x3FB1] =	sst s0  }
0x18: {  	s0 =	sld [smem:$0x3F94];
	_ =	swait.ge [sflag:s4], $0x0  }
0x19: {  	s7 =	sld [smem:$0x3F95]  }
0x1a: {  	s8 =	sadd.s32 $0xFFFFE003, lr  }
0x1b: {  	s9 =	sadd.s32 $0xFFFFFEF7, lr;
	s5 =	simm.s32 $0xFFFFFFFF;
	p2 =	slt.u32 s8, $0xFFFFF086  }
0x1c: {  	p1 =	slt.u32 s9, $0xF7A;
	s5 =	simm.s32 @!p2 $0x0  }
0x1d: {  	s5 =	simm.s32 @p1 $0x1;
	p0 =	seq.s32 s7, s2  }
0x1e: {  	s7 =	smul.u32 @!p0 $0xF7A, s2;
	p2 =	seq.s32 @!p0 s5, $0x0  }
0x1f: {  	s9 =	smul.u32 $0xF7A, s1;
	s8 =	simm.s32 @!p0 $0x1BF5;
	p2 =	por !p2, p0  }
0x20: {  	[sflag:s8] =	ssyncset.s32 @!p0 $0xFFFFF086;
	s6 =	sadd.s32 @!p0 s3, s7;
	s7 =	simm.s32 @!p0 $0x108  }
0x21: {  	s3 =	sadd.s32 s3, s9;
	s6 =	sadd.s32 @!p0 $0x88, s6;
	s7 =	simm.s32 @p2 $0x1082  }
0x22: {  	[simem:s7], [sflag:s8] =	dma.local @!p0 [hbm:s6], $0xF7A  }
0x23: {  	s9 =	sor.u32 $0xD0000000, s2;
	s6 =	simm.s32 $0x108;
	_ =	swait.ge @!p0 [sflag:s8], $0x0  }
0x24: {  	s3 =	sadd.s32 $0x88, s3;
	s6 =	simm.s32 @!p1 $0x1082;
	[sflag:s4] =	ssyncset.s32 $0xFFFFF086  }
0x25: {  	[simem:s6], [sflag:s4] =	dma.local [hbm:s3], $0xF7A  }
0x26: {  	[smem:$0x3F95] =	sst s1;
	(tag) =	ssettag s2;
	_ =	strace s9  }
0x27: {  	s1 =	sld [smem:$0x3FA5]  }
0x28: {  	s2 =	sld [smem:$0x3FA6]  }
0x29: {  	s4 =	sld [smem:$0x3FA8]  }
0x2a: {  	p0 =	seq.s32 s5, $0x0;
	s5 =	sld [smem:$0x3FA9]  }
0x2b: {  	s6 =	sld [smem:$0x3FAA]  }
0x2c: {  	s7 =	sld [smem:$0x3FAB]  }
0x2d: {  	s3 =	simm.s32 $0x108;
	s8 =	sld [smem:$0x3FAC]  }
0x2e: {  	s3 =	simm.s32 @!p0 $0x1082;
	s9 =	sld [smem:$0x3FAD]  }
0x2f: {  	lr =	sadd.s32 s0, s3;
	s0 =	sld [smem:$0x3FA4]  }
0x30: {  	s3 =	sld [smem:$0x3FA7]  }
0x31: {  	[smem:$0x3FB0] =	sst s10  }
0x32: {  	s10 =	sld [smem:$0x3FAE];
	_ =	sdelay $0x3  }
0x33: {  	p0 =	seq.s32 s10, $0x1;
	s10 =	sld [smem:$0x3FB0];
	_ =	sdelay $0x3  }
0x34: {  	[smem:$0x3FB0] =	sst s10  }
0x35: {  	s10 =	sld [smem:$0x3FAF];
	_ =	sdelay $0x3  }
0x36: {  	p1 =	seq.s32 s10, $0x1;
	s10 =	sld [smem:$0x3FB0];
	_ =	sdelay $0x3  }
0x37: {  	[smem:$0x3FB0] =	sst s10  }
0x38: {  	s10 =	sld [smem:$0x3FB1]  }
0x39: {  	_ = 	snop;
	(pc) =	sbr.ind lr, $3  }
0x3a: {  	_ = 	snop  }
0x3b: {  	_ = 	snop  }
0x3c: {  	p2 =	seq.s32 s10, $0x1;
	s10 =	sld [smem:$0x3FB0]  }
0x3d: {  	_ =	shalt  }
0x3e: {  	_ =	shalt  }
0x3f: {  	_ =	shalt  }
0x40: {  	_ =	shalt  }
0x41: {  	_ =	shalt  }
0x42: {  	_ =	shalt  }
0x43: {  	_ =	shalt  }
0x44: {  	_ =	shalt  }
0x45: {  	_ =	shalt  }
0x46: {  	_ =	shalt  }
0x47: {  	_ =	shalt  }
0x48: {  	_ =	shalt  }
0x49: {  	_ =	shalt  }
0x4a: {  	_ =	shalt  }
0x4b: {  	_ =	shalt  }
0x4c: {  	_ =	shalt  }
0x4d: {  	_ =	shalt  }
0x4e: {  	_ =	shalt  }
0x4f: {  	_ =	shalt  }
0x50: {  	_ =	shalt  }
0x51: {  	_ =	shalt  }
0x52: {  	_ =	shalt  }
0x53: {  	_ =	shalt  }
0x54: {  	_ =	shalt  }
0x55: {  	_ =	shalt  }
0x56: {  	_ =	shalt  }
0x57: {  	_ =	shalt  }
0x58: {  	_ =	shalt  }
0x59: {  	_ =	shalt  }
0x5a: {  	_ =	shalt  }
0x5b: {  	_ =	shalt  }
0x5c: {  	_ =	shalt  }
0x5d: {  	_ =	shalt  }
0x5e: {  	_ =	shalt  }
0x5f: {  	_ =	shalt  }
0x60: {  	_ =	shalt  }
0x61: {  	_ =	shalt  }
0x62: {  	_ =	shalt  }
0x63: {  	_ =	shalt  }
0x64: {  	_ =	shalt  }
0x65: {  	_ =	shalt  }
0x66: {  	_ =	shalt  }
0x67: {  	_ =	shalt  }
0x68: {  	_ =	shalt  }
0x69: {  	_ =	shalt  }
0x6a: {  	_ =	shalt  }
0x6b: {  	_ =	shalt  }
0x6c: {  	_ =	shalt  }
0x6d: {  	_ =	shalt  }
0x6e: {  	_ =	shalt  }
0x6f: {  	_ =	shalt  }
0x70: {  	_ =	shalt  }
0x71: {  	_ =	shalt  }
0x72: {  	_ =	shalt  }
0x73: {  	_ =	shalt  }
0x74: {  	_ =	shalt  }
0x75: {  	_ =	shalt  }
0x76: {  	_ =	shalt  }
0x77: {  	_ =	shalt  }
0x78: {  	_ =	shalt  }
0x79: {  	_ =	shalt  }
0x7a: {  	_ =	shalt  }
0x7b: {  	_ =	shalt  }
0x7c: {  	_ =	shalt  }
0x7d: {  	_ =	shalt  }
0x7e: {  	_ =	shalt  }
0x7f: {  	_ =	shalt  }
0x80: {  	_ =	shalt  }
0x81: {  	_ =	shalt  }
0x82: {  	_ =	shalt  }
0x83: {  	_ =	shalt  }
0x84: {  	_ =	shalt  }
0x85: {  	_ =	shalt  }
0x86: {  	_ =	shalt  }
0x87: {  	_ =	shalt  }
.Lfunc_end0:
.L_simem_size_0:
called_computation.3_lowered:
.L_overlay_start_0:
0x88: {  	s2 =	sld [smem:$0x3FD9]  }
0x89: {  	s3 =	sld [smem:$0x3FFE];
	_ =	sdelay $0x1  }
0x8a: {  	s1 =	srdreg.scid  }
0x8b: {  	s0 =	sand.u32 $0x1, s1  }
0x8c: {  	s16 =	sshll.u32 s0, $0xA;
	s2 =	sadd.s32 s3, s2  }
0x8d: {  	s2 =	sadd.s32 s2, s16  }
0x8e: {  	[smem:$0x3FBC] =	sst s2  }
0x8f: {  	_ = 	snop  }
0x90: {  	(tm) =	ssettm $0x1  }
0x91: {  	s17 =	sld [smem:$0x3FFB];
	_ =	sdelay $0x3  }
0x92: {  	_ =	strace s17  }
0x93: {  	s2 =	sld [smem:$0x3FFC];
	_ =	sdelay $0x3  }
0x94: {  	_ =	strace s2  }
0x95: {  	s2 =	sld [smem:$0x3FFD];
	_ =	sdelay $0x3  }
0x96: {  	_ =	strace s2  }
0x97: {  	_ =	strace $0x8FFFFFFF  }
0x98: {  	s18 =	sld [smem:$0x3FDB];
	_ =	sdelay $0x1  }
0x99: {  	s19 =	simm.s32 $_scs_section_size  }
0x9a: {  	s4 =	simm.s32 $_size__tile_overlayer_lowered;
	s5 =	simm.s32 $_tile_overlayer_lowered  }
0x9b: {  	s22 =	simm.s32 $0x1BFF;
	s21 =	sshll.u32 s5, $0x1;
	s2 =	sadd.s32 s19, s18  }
0x9c: {  	s6 =	simm.s32 $0x0;
	s20 =	sshll.u32 s4, $0x1;
	s4 =	sadd.s32 s21, s2  }
0x9d: {  	[timem:s6], [sflag:s22] =	dma.local [hbm:s4], s20  }
0x9e: {  	_ =	swait.ge [sflag:s22], s20  }
0x9f: {  	s3 =	ssub.s32 $0x0, s20;
	[sflag:s22] =	ssyncset.done $0x0  }
0xa0: {  	[sflag:s22] =	ssyncadd.s32 s3;
	_ =	sdelay $0x1  }
0xa1: {  	s23 =	simm.s32 $0x1B8B  }
0xa2: {  	_ =	swait.ge [sflag:s23], $0x1  }
0xa3: {  	[sflag:s23] =	ssyncset.done $0x0  }
0xa4: {  	s25 =	simm.s32 $0x1B8E;
	s24 =	sld [smem:$0x3FFE];
	[sflag:s23] =	ssyncadd.s32 $0xFFFFFFFF  }
0xa5: {  	s26 =	simm.s32 $execute0_lowered;
	[smem:$0x3FD2] =	sst s25  }
0xa6: {  	s4 =	sshll.u32 s26, $0x1;
	_ =	strace $0x8000004F;
	[dreg:$0x1] =	wrdreg $0xFFFFFFFF  }
0xa7: {  	s28 =	simm.s32 $_size_execute0_lowered;
	s2 =	sadd.s32 s2, s4;
	[dreg:$0x0] =	wrdreg $0x0  }
0xa8: {  	s4 =	sshll.u32 s28, $0x1;
	[dreg:$0x2] =	wrdreg s2  }
0xa9: {  	[dreg:$0x3] =	wrdreg s4  }
0xaa: {  	[dreg:$0x4] =	wrdreg $0xC0  }
0xab: {  	_ =	task [dreg:s6], $0x5FFFF  }
0xac: {  	[dreg:$0x1] =	wrdreg $0xFFFFFFFF  }
0xad: {  	[dreg:$0x0] =	wrdreg $0x60  }
0xae: {  	[dreg:$0x2] =	wrdreg s24  }
0xaf: {  	[dreg:$0x3] =	wrdreg $0x150000  }
0xb0: {  	[dreg:$0x4] =	wrdreg $0x9  }
0xb1: {  	_ =	task.clear_ibuf [dreg:s6], $0x5FFFF;
	_ =	strace $0x9000004F  }
0xb2: {  	s29 =	simm.s32 $0x9;
	_ =	strace $0x80000051  }
0xb3: {  	_ =	swait.ge [sflag:s29], $0x1  }
0xb4: {  	[sflag:s29] =	ssyncadd.s32 $0xFFFFFFFF  }
0xb5: {  	_ =	strace $0x90000051  }
0xb6: {  	_ =	sfence  }
0xb7: {  	s30 =	sld [smem:$0x0];
	_ =	sdelay $0x2  }
0xb8: {  	s31 =	sshll.u32 s1, $0xD;
	s1 =	sshrl.u32 s1, $0x2  }
0xb9: {  	s3 =	sand.u32 $0x4000, s31;
	s1 =	sadd.s32 s1, s30  }
0xba: {  	s0 =	sor.u32 s3, s0;
	s1 =	sshll.u32 s1, $0x11  }
0xbb: {  	s0 =	sor.u32 s1, s0  }
0xbc: {  	s0 =	sadd.s32 $0x8F2B, s0  }
0xbd: {  	[sflag:s0] =	ssyncadd.remote.s32 $0x1  }
0xbe: {  	_ =	sfence.sel $0xFFFF  }
0xbf: {  	[dreg:$0x0] =	wrdreg $0xFFFFFFFF;
	(pc) =	sbr.abs _section_cstart, $3  }
0xc0: {  	[dreg:$0x1] =	wrdreg $0xFFFFFFFF  }
0xc1: {  	_ =	task.clear_ibuf [dreg:s6], $0x2FFFF;
	_ =	strace $0x9FFFFFFF  }
0xc2: {  	(tm) =	ssettm $0x7FFFFFFF  }
0xc3: {  	_ =	shalt  }
tec
execute0_lowered:
.L_overlay_start_1:
0x0: {  	(tag) =	ssettag $0x1  }
0x1: {  	s6 =	rddreg [dreg:$0x0]  }
0x2: {  	s1 =	rddreg [dreg:$0x1]  }
0x3: {  	s0 =	rddreg [dreg:$0x2];
	s3 =	simm.s32 $0x0  }
0x4: {  	s2 =	stileid.u32;
	s5 =	srdreg.scid;
	s16 =	simm.s32 $0x8000  }
0x5: {  	s17 =	simm.s32 $0x50;
	s18 =	simm.s32 $0x10000;
	s19 =	simm.s32 $0x12800  }
0x6: {  	s20 =	simm.s32 $0x1;
	s21 =	simm.s32 $0x2;
	s22 =	simm.s32 $0x7C80  }
0x7: {  	s25 =	simm.s32 $0x0;
	[smem:$0x7FF] =	sst s3;
	s9 =	smul.u32 $0x1380, s2  }
0x8: {  	s4 =	sshll.u32 s2, $0xC;
	s7 =	sand.u32 $0x1, s5;
	s30 =	smul.u32 $0x27000, s2  }
0x9: {  	s12 =	sadd.s32 $0x3F400, s6;
	s24 =	sadd.s32 $0x1388, s2;
	p0 =	seq.s32 s2, $0xF  }
0xa: {  	_ =	strace $0x80000050;
	s8 =	sadd.s32 s4, s6;
	s23 =	smul.u32 $0x1388, s7  }
0xb: {  	s4 =	sadd.s32 $0x4800, s6;
	s11 =	ssub.s32 $0x2, s7;
	s31 =	smul.u32 $0x9CC00, s7  }
0xc: {  	s15 =	smul.u32 $0x13980, s7;
	v1 =	vmov s24;
	s24 =	simm.s32 $0xFC80;
	s10 =	sadd.s32 s9, s6  }
0xd: {  	s13 =	sshrl.u32 s11, $0x1;
	s5 =	sshrl.u32 s30, $0x2;
	s6 =	sadd.s32 $0x3DE80, s6  }
0xe: {  	s7 =	sadd.s32 $0x9A200, s8;
	s8 =	sadd.s32 $0x8A200, s8;
	s11 =	ssub.s32 s11, s13  }
0xf: {  	s14 =	sadd.s32 s5, s1;
	s5 =	sadd.s32 $0x2BA00, s10;
	s13 =	sadd.s32 $0x92400, s1  }
0x10: {  	s10 =	sshrl.u32 s31, $0x3;
	s9 =	sadd.s32 s9, s15;
	s15 =	sshll.u32 @!p0 s2, $0x6  }
0x11: {  	v0 =	vmov s23;
	s23 =	simm.s32 $0xFC00;
	s10 =	sadd.s32 s12, s10;
	s9 =	sadd.s32 s12, s9  }
0x12: {  	s11 =	smax.u32 s11, $0x1;
	s12 =	sshrl.u32 @p0 s13, $0x3;
	s13 =	sor.u32 @!p0 $0x1C03, s15  }
0x13: {  	s14 =	sshrl.u32 @!p0 s14, $0x3;
	s15 =	simm.s32 $0x3;
	s10 =	sadd.s32 $0x12480, s10  }
.LBB2_1:
0x14: {  	s26 =	simm.s32 @p0 $0x1FC3  }
0x15: {  	[spmem:s12], [sflag:s26] =	dma.local @p0 [hbm:s6], $0x1500  }
0x16: {  	s26 =	simm.s32 @p0 $0x3  }
0x17: {  	_ =	swait.ge @p0 [sflag:s26], $0x1500  }
0x18: {  	[sflag:s26] =	ssyncset.done @p0 $0x0  }
0x19: {  	[sflag:s26] =	ssyncadd.s32 @p0 $0xFFFFEB00;
	s26 =	simm.s32 @!p0 $0x3  }
0x1a: {  	[spmem:s14], [sflag:s13] =	dma.local @!p0 [hbm:s5], $0x1380  }
0x1b: {  	_ =	swait.ge @!p0 [sflag:s26], $0x1380  }
0x1c: {  	[sflag:s26] =	ssyncset.done @!p0 $0x0  }
0x1d: {  	[sflag:s26] =	ssyncadd.s32 @!p0 $0xFFFFEC80  }
0x1e: {  	[tilespmem:s3], [sflag:$0x3] =	stream.linear.gather [hbm4b:s7+s3], $0x7D00, $0x38;
	[tilespmem:$0x1ECC0] =	vst v63  }
0x1f: {  	_ =	swait.ge [sflag:s15], $0x7D00  }
0x20: {  	[sflag:s15] =	ssyncset.done $0x0  }
0x21: {  	[sflag:s15] =	ssyncadd.s32 $0xFFFF8300  }
0x22: {  	[tilespmem:s16], [sflag:$0x3] =	stream.linear.gather [hbm4b:s8+s3], $0x7D00, $0x38;
	[tilespmem:$0x1ECC0] =	vst v63  }
0x23: {  	_ =	swait.ge [sflag:s15], $0x7D00  }
0x24: {  	[sflag:s15] =	ssyncset.done $0x0  }
0x25: {  	s26 =	simm.s32 $0x0;
	[sflag:s15] =	ssyncadd.s32 $0xFFFF8300  }
0x26: {  	v3 =	vld [tilespmem:s26+$0x8000]  }
0x27: {  	v5 =	vld [tilespmem:s26+$0x8010]  }
0x28: {  	v4 =	vld [tilespmem:s26+$0x8020]  }
0x29: {  	s28 =	simm.s32 $0x200;
	v2 =	vld [tilespmem:s26+$0x8030]  }
.LBB2_2:
0x2a: {  	p1 =	sne.s32 s28, $0x1F200;
	v6 =	vld [tilespmem:s26+$0x8040]  }
0x2b: {  	v3 =	vsub.s32 v3, v0  }
0x2c: {  	vm0 =	vlt.u32 v3, $0x1388;
	v5 =	vsub.s32 v5, v0  }
0x2d: {  	v3 =	vsel vm0, v3, v1;
	vm0 =	vlt.u32 v5, $0x1388;
	v4 =	vsub.s32 v4, v0  }
.Ltmp0:
0x2e: {  	s29 =	sshra.s32 s28, $0x2;
	[tilespmem:s26+$0x8000] =	vst v3;
	v5 =	vsel vm0, v5, v1;
	vm0 =	vlt.u32 v4, $0x1388;
	v2 =	vsub.s32 v2, v0;
	(pc) =	sbr.rel @p1 .LBB2_2-.Ltmp0, $4  }
0x2f: {  	v3 =	vld [tilespmem:s29+$0x8000];
	[tilespmem:s26+$0x8010] =	vst v5;
	v4 =	vsel vm0, v4, v1;
	vm0 =	vlt.u32 v2, $0x1388;
	v6 =	vsub.s32 v6, v0  }
0x30: {  	v5 =	vld [tilespmem:s29+$0x8010];
	[tilespmem:s26+$0x8020] =	vst v4;
	v2 =	vsel vm0, v2, v1;
	vm0 =	vlt.u32 v6, $0x1388  }
0x31: {  	v4 =	vld [tilespmem:s29+$0x8020];
	[tilespmem:s26+$0x8030] =	vst v2;
	v6 =	vsel vm0, v6, v1  }
0x32: {  	s28 =	sadd.s32 $0x200, s28;
	v2 =	vld [tilespmem:s29+$0x8030];
	[tilespmem:s26+$0x8040] =	vst v6;
	s26 =	smov.u32 s29  }
0x33: {  	v6 =	vld [tilespmem:s26+$0x8040]  }
0x34: {  	v3 =	vsub.s32 v3, v0  }
0x35: {  	vm0 =	vlt.u32 v3, $0x1388;
	v5 =	vsub.s32 v5, v0  }
0x36: {  	v3 =	vsel vm0, v3, v1;
	vm12 =	vlt.u32 v5, $0x1388;
	v4 =	vsub.s32 v4, v0  }
0x37: {  	[tilespmem:s26+$0x8000] =	vst v3;
	v3 =	vsel vm12, v5, v1;
	vm13 =	vlt.u32 v4, $0x1388;
	v2 =	vsub.s32 v2, v0  }
0x38: {  	[tilespmem:s26+$0x8010] =	vst v3;
	v3 =	vsel vm13, v4, v1;
	vm14 =	vlt.u32 v2, $0x1388;
	v63 =	vsub.s32 v6, v0  }
0x39: {  	[tilespmem:s26+$0x8020] =	vst v3;
	v2 =	vsel vm14, v2, v1;
	vm15 =	vlt.u32 v63, $0x1388  }
0x3a: {  	[tilespmem:s26+$0x8030] =	vst v2;
	v2 =	vsel vm15, v63, v1  }
0x3b: {  	[tilespmem:s26+$0x8040] =	vst v2  }
0x3c: {  	s30 =	simm.s32 $0x0;
	[bflag:$0x0] =	sbarrier.arrive $0xFFFF  }
0x3d: {  	[tilespmem:s18], [sflag:$0x1] =	stream.indirect.gather [hbm4b:s4+s17], $0x80, s30, s17, $0xb8;
	[tilespmem:$0x1ECC0] =	vst v63  }
0x3e: {  	s31 =	simm.s32 $0x80  }
0x3f: {  	[tilespmem:s19], [sflag:$0x2] =	stream.indirect.gather [hbm4b:s4+s17], $0x80, s31, s17, $0xb8;
	[tilespmem:$0x1ECC0] =	vst v63  }
0x40: {  	_ =	swait.ge [sflag:s20], $0x2800  }
0x41: {  	[sflag:s20] =	ssyncset.done $0x0  }
0x42: {  	s29 =	simm.s32 $0x8000;
	[sflag:s20] =	ssyncadd.s32 $0xFFFFD800  }
0x43: {  	[spmem:s1] =	stream.indirect.scatter.add.f32 [tilespmem:s18], [sflag:$0x3], $0x80, s29, s17, $0xb8;
	[tilespmem:$0x1ECC0] =	vst v63  }
0x44: {  	_ =	swait.ge [sflag:s15], $0x2800  }
0x45: {  	[sflag:s15] =	ssyncset.done $0x0  }
0x46: {  	s30 =	simm.s32 $0x100;
	[sflag:s15] =	ssyncadd.s32 $0xFFFFD800  }
0x47: {  	[tilespmem:s18], [sflag:$0x1] =	stream.indirect.gather [hbm4b:s4+s17], $0x80, s30, s17, $0xb8;
	[tilespmem:$0x1ECC0] =	vst v63  }
0x48: {  	_ =	swait.ge [sflag:s21], $0x2800  }
0x49: {  	[sflag:s21] =	ssyncset.done $0x0  }
0x4a: {  	s31 =	simm.s32 $0x8080;
	[sflag:s21] =	ssyncadd.s32 $0xFFFFD800  }
0x4b: {  	[spmem:s1] =	stream.indirect.scatter.add.f32 [tilespmem:s19], [sflag:$0x3], $0x80, s31, s17, $0xb8;
	[tilespmem:$0x1ECC0] =	vst v63  }
0x4c: {  	_ =	swait.ge [sflag:s15], $0x2800  }
0x4d: {  	s28 =	simm.s32 $0x800;
	s26 =	simm.s32 $0x100;
	[sflag:s15] =	ssyncset.done $0x0  }
.LBB2_4:
0x4e: {  	s29 =	sadd.s32 $0x80, s26  }
0x4f: {  	[sflag:s15] =	ssyncadd.s32 $0xFFFFD800;
	s30 =	smov.u32 s28;
	s31 =	sadd.s32 $0x400, s28  }
0x50: {  	[tilespmem:s19], [sflag:$0x2] =	stream.indirect.gather [hbm4b:s4+s17], $0x80, s29, s17, $0xb8;
	[tilespmem:$0x1ECC0] =	vst v63  }
0x51: {  	p1 =	sne.s32 s28, $0x1EC00;
	_ =	swait.ge [sflag:s20], $0x2800  }
0x52: {  	[sflag:s20] =	ssyncset.done $0x0  }
0x53: {  	s28 =	sadd.s32 $0x8000, s26;
	[sflag:s20] =	ssyncadd.s32 $0xFFFFD800  }
0x54: {  	[spmem:s1] =	stream.indirect.scatter.add.f32 [tilespmem:s18], [sflag:$0x3], $0x80, s28, s17, $0xb8;
	[tilespmem:$0x1ECC0] =	vst v63  }
0x55: {  	_ =	swait.ge [sflag:s15], $0x2800  }
0x56: {  	[sflag:s15] =	ssyncset.done $0x0  }
0x57: {  	s28 =	sadd.s32 $0x100, s26;
	[sflag:s15] =	ssyncadd.s32 $0xFFFFD800  }
0x58: {  	[tilespmem:s18], [sflag:$0x1] =	stream.indirect.gather [hbm4b:s4+s17], $0x80, s28, s17, $0xb8;
	[tilespmem:$0x1ECC0] =	vst v63  }
0x59: {  	_ =	swait.ge [sflag:s21], $0x2800  }
.Ltmp1:
0x5a: {  	[sflag:s21] =	ssyncset.done $0x0;
	(pc) =	sbr.rel @p1 .LBB2_4-.Ltmp1, $4  }
0x5b: {  	s26 =	sadd.s32 $0x8080, s26;
	[sflag:s21] =	ssyncadd.s32 $0xFFFFD800  }
0x5c: {  	[spmem:s1] =	stream.indirect.scatter.add.f32 [tilespmem:s19], [sflag:$0x3], $0x80, s26, s17, $0xb8;
	[tilespmem:$0x1ECC0] =	vst v63  }
0x5d: {  	_ =	swait.ge [sflag:s15], $0x2800  }
0x5e: {  	s28 =	smov.u32 s31;
	s26 =	sshra.s32 s30, $0x2;
	[sflag:s15] =	ssyncset.done $0x0  }
0x5f: {  	s28 =	sadd.s32 $0x80, s26;
	[sflag:s15] =	ssyncadd.s32 $0xFFFFD800  }
0x60: {  	[tilespmem:s19], [sflag:$0x2] =	stream.indirect.gather [hbm4b:s4+s17], $0x80, s28, s17, $0xb8;
	[tilespmem:$0x1ECC0] =	vst v63  }
0x61: {  	_ =	swait.ge [sflag:s20], $0x2800  }
0x62: {  	[sflag:s20] =	ssyncset.done $0x0  }
0x63: {  	s29 =	sadd.s32 $0x8000, s26;
	[sflag:s20] =	ssyncadd.s32 $0xFFFFD800  }
0x64: {  	[spmem:s1] =	stream.indirect.scatter.add.f32 [tilespmem:s18], [sflag:$0x3], $0x80, s29, s17, $0xb8;
	[tilespmem:$0x1ECC0] =	vst v63  }
0x65: {  	_ =	swait.ge [sflag:s15], $0x2800  }
0x66: {  	[sflag:s15] =	ssyncset.done $0x0  }
0x67: {  	s30 =	sadd.s32 $0x100, s26;
	[sflag:s15] =	ssyncadd.s32 $0xFFFFD800  }
0x68: {  	[tilespmem:s18], [sflag:$0x1] =	stream.indirect.gather [hbm4b:s4+s17], $0x80, s30, s17, $0xb8;
	[tilespmem:$0x1ECC0] =	vst v63  }
0x69: {  	_ =	swait.ge [sflag:s21], $0x2800  }
0x6a: {  	[sflag:s21] =	ssyncset.done $0x0  }
0x6b: {  	s31 =	sadd.s32 $0x8080, s26;
	[sflag:s21] =	ssyncadd.s32 $0xFFFFD800  }
0x6c: {  	[spmem:s1] =	stream.indirect.scatter.add.f32 [tilespmem:s19], [sflag:$0x3], $0x80, s31, s17, $0xb8;
	[tilespmem:$0x1ECC0] =	vst v63  }
0x6d: {  	_ =	swait.ge [sflag:s15], $0x2800  }
0x6e: {  	[sflag:s15] =	ssyncset.done $0x0  }
0x6f: {  	[sflag:s15] =	ssyncadd.s32 $0xFFFFD800  }
0x70: {  	[tilespmem:s19], [sflag:$0x2] =	stream.indirect.gather [hbm4b:s4+s17], $0x80, s22, s17, $0xb8;
	[tilespmem:$0x1ECC0] =	vst v63  }
0x71: {  	_ =	swait.ge [sflag:s20], $0x2800  }
0x72: {  	[sflag:s20] =	ssyncset.done $0x0  }
0x73: {  	[sflag:s20] =	ssyncadd.s32 $0xFFFFD800  }
0x74: {  	[spmem:s1] =	stream.indirect.scatter.add.f32 [tilespmem:s18], [sflag:$0x3], $0x80, s23, s17, $0xb8;
	[tilespmem:$0x1ECC0] =	vst v63  }
0x75: {  	_ =	swait.ge [sflag:s15], $0x2800  }
0x76: {  	[sflag:s15] =	ssyncset.done $0x0  }
0x77: {  	[sflag:s15] =	ssyncadd.s32 $0xFFFFD800  }
0x78: {  	_ =	swait.ge [sflag:s21], $0x2800  }
0x79: {  	[sflag:s21] =	ssyncset.done $0x0  }
0x7a: {  	[sflag:s21] =	ssyncadd.s32 $0xFFFFD800  }
0x7b: {  	[spmem:s1] =	stream.indirect.scatter.add.f32 [tilespmem:s19], [sflag:$0x3], $0x80, s24, s17, $0xb8;
	[tilespmem:$0x1ECC0] =	vst v63  }
0x7c: {  	_ =	swait.ge [sflag:s15], $0x2800  }
0x7d: {  	[sflag:s15] =	ssyncset.done $0x0  }
0x7e: {  	[sflag:s15] =	ssyncadd.s32 $0xFFFFD800  }
0x7f: {  	s26 =	simm.s32 @p0 $0x1FC3;
	[bflag:$0x0] =	sbarrier.arrive $0xFFFF  }
0x80: {  	[hbm:s10], [sflag:s26] =	dma.local @p0 [spmem:s12], $0x1400  }
0x81: {  	s26 =	simm.s32 @p0 $0x3  }
0x82: {  	s25 =	sadd.s32 $0x1, s25;
	_ =	swait.ge @p0 [sflag:s26], $0x1400  }
0x83: {  	p1 =	sne.s32 s25, s11;
	[sflag:s26] =	ssyncset.done @p0 $0x0  }
.Ltmp2:
0x84: {  	[sflag:s26] =	ssyncadd.s32 @p0 $0xFFFFEC00;
	s26 =	simm.s32 @!p0 $0x3;
	(pc) =	sbr.rel @p1 .LBB2_1-.Ltmp2, $4  }
0x85: {  	[hbm:s9], [sflag:s13] =	dma.local @!p0 [spmem:s14], $0x1380  }
0x86: {  	_ =	swait.ge @!p0 [sflag:s26], $0x1380  }
0x87: {  	[sflag:s26] =	ssyncset.done @!p0 $0x0  }
0x88: {  	[sflag:s26] =	ssyncadd.s32 @!p0 $0xFFFFEC80  }
0x89: {  	_ =	sfence.sel $0x180000  }
0x8a: {  	[bflag:$0x0] =	sbarrier.arrive $0xFFFF  }
0x8b: {  	p0 =	sne.s32 s2, $0x0;
	_ =	strace $0x90000050  }
0x8c: {  	s0 =	sadd.s32 @!p0 $0x100000, s0;
	[bflag:$0x2] =	sbarrier.arrive $0xFFFF  }
0x8d: {  	[sflag:s0] =	ssyncadd.tile.s32 @!p0 $0x1;
	_ =	shalt  }
.Lfunc_end2:
_tile_overlayer_lowered:
.L_overlay_start_2:
0x8e: {  	(tag) =	ssettag $0x2  }
0x8f: {  	s0 =	rddreg [dreg:$0x0];
	s2 =	stileid.u32  }
0x90: {  	s1 =	rddreg [dreg:$0x1];
	p0 =	sne.s32 s2, $0x0  }
0x91: {  	s3 =	rddreg [dreg:$0x2];
	[bflag:$0x3] =	sbarrier.arrive $0xFFFF;
	s2 =	simm.s32 @!p0 $0x1C03  }
0x92: {  	[timem:s3], [sflag:s2] =	dma.local @!p0 [hbm:s0], s1  }
0x93: {  	s0 =	simm.s32 @!p0 $0x3  }
0x94: {  	_ =	swait.ge @!p0 [sflag:s0], s1  }
0x95: {  	s1 =	ssub.s32 @!p0 $0x0, s1;
	[sflag:s0] =	ssyncset.done @!p0 $0x0  }
0x96: {  	[sflag:s0] =	ssyncadd.s32 @!p0 s1  }
0x97: {  	[bflag:$0x3] =	sbarrier.arrive $0xFFFF  }
0x98: {  	_ =	shalt  }

</sc_bundles>
